<compile_context>
chip_gen: v7x
topology: tpu7x:2x2x1
jax: 0.10.2.dev20260603
libtpu: 0.0.44.dev20260713+nightly
codegen_flags: <defaults>
</compile_context>

<pallas_src>
import functools

import jax
import jax.numpy as jnp
from jax import lax
from jax.experimental import pallas as pl
from jax.experimental.pallas import tpu as pltpu
from jax.experimental.pallas import tpu_sc as plsc

_RADII = (0.8, 1.6)
_NS = (16, 32)
_B = 2
_NPTS = 8192
_MQ = 1024
_N = _B * _NPTS
_M = _B * _MQ
_CIN = 32
_C1 = 32
_EPS = 1e-3
_L = 16
_NW = 32
_QPW = _M // _NW
_NCHUNK = _NPTS // _L
_UNROLL = 16


def _sc_ballquery(xyz_flat, new_flat):
    ns0, ns1 = _NS
    r0sq = _RADII[0] * _RADII[0]
    r1sq = _RADII[1] * _RADII[1]
    n0 = _QPW * ns0
    n1 = _QPW * ns1

    mesh = plsc.VectorSubcoreMesh(core_axis_name="c", subcore_axis_name="s")

    out_type = (
        jax.ShapeDtypeStruct((_M * ns0,), jnp.int32),
        jax.ShapeDtypeStruct((_M * ns1,), jnp.int32),
    )
    scratch_types = [
        pltpu.VMEM((_NPTS * 3,), jnp.float32),
        pltpu.VMEM((_NPTS,), jnp.float32),
        pltpu.VMEM((_NPTS,), jnp.float32),
        pltpu.VMEM((_NPTS,), jnp.float32),
        pltpu.VMEM((_QPW * 3,), jnp.float32),
        pltpu.VMEM((n0,), jnp.int32),
        pltpu.VMEM((n1,), jnp.int32),
    ]

    @functools.partial(pl.kernel, out_type=out_type, mesh=mesh,
                       scratch_types=scratch_types,
                       compiler_params=pltpu.CompilerParams(
                           needs_layout_passes=False,
                           use_tc_tiling_on_sc=False))
    def k(xyz_h, new_h, idx0_h, idx1_h,
          pf, xs, ys, zs, qf, idx0, idx1):
        w = lax.axis_index("c") * 16 + lax.axis_index("s")
        b = w // (_NW // _B)
        pbase = b * _NPTS
        qbase = w * _QPW

        pltpu.sync_copy(xyz_h.at[pl.ds(pbase * 3, _NPTS * 3)], pf)
        pltpu.sync_copy(new_h.at[pl.ds(qbase * 3, _QPW * 3)], qf)

        lane = lax.iota(jnp.int32, _L)
        lane3 = lane * 3
        zeros_i = jnp.zeros((_L,), jnp.int32)

        def soa(it, _):
            base = it * _L
            src = lane3 + base * 3
            xs[pl.ds(base, _L)] = plsc.load_gather(pf, [src])
            ys[pl.ds(base, _L)] = plsc.load_gather(pf, [src + 1])
            zs[pl.ds(base, _L)] = plsc.load_gather(pf, [src + 2])
            return 0
        plsc.parallel_loop(0, _NCHUNK, 1, unroll=8, carry=jnp.int32(0))(soa)

        def per_query(i, carry):
            q3 = zeros_i + i * 3
            qxb = plsc.load_gather(qf, [q3])
            qyb = plsc.load_gather(qf, [q3 + 1])
            qzb = plsc.load_gather(qf, [q3 + 2])
            o0 = i * ns0
            o1 = i * ns1
            cnt0_init = zeros_i + (o0 - 1)
            cnt1_init = zeros_i + (o1 - 1)
            lim0 = zeros_i + (o0 + ns0)
            lim1 = zeros_i + (o1 + ns1)

            def dists(off):
                dx = xs[pl.ds(off, _L)] - qxb
                dy = ys[pl.ds(off, _L)] - qyb
                dz = zs[pl.ds(off, _L)] - qzb
                return dx * dx + dy * dy + dz * dz

            def chunk_both(off, cnt0, cnt1):
                d2 = dists(off)
                gidx = lane + (pbase + off)
                m0 = d2 <= r0sq
                m1 = d2 <= r1sq
                c0 = plsc.cumsum(jnp.where(m0, 1, 0))
                c1 = plsc.cumsum(jnp.where(m1, 1, 0))
                p0 = cnt0 + c0
                p1 = cnt1 + c1
                plsc.store_scatter(idx0, [p0], gidx, mask=m0 & (p0 < lim0))
                plsc.store_scatter(idx1, [p1], gidx, mask=m1 & (p1 < lim1))
                cnt0 = cnt0 + plsc.all_reduce_population_count(m0)
                cnt1 = cnt1 + plsc.all_reduce_population_count(m1)
                return cnt0, cnt1

            def chunk_s0(off, cnt0):
                d2 = dists(off)
                gidx = lane + (pbase + off)
                m0 = d2 <= r0sq
                c0 = plsc.cumsum(jnp.where(m0, 1, 0))
                p0 = cnt0 + c0
                plsc.store_scatter(idx0, [p0], gidx, mask=m0 & (p0 < lim0))
                return cnt0 + plsc.all_reduce_population_count(m0)

            def condA(st):
                sc_i, cnt0, cnt1 = st
                return (sc_i < _NCHUNK // _UNROLL) & jnp.any(cnt1 < lim1 - 1)

            def bodyA(st):
                sc_i, cnt0, cnt1 = st
                base_off = sc_i * (_UNROLL * _L)
                cnt0, cnt1 = plsc.parallel_loop(
                    base_off, base_off + _UNROLL * _L, _L, unroll=_UNROLL,
                    carry=(cnt0, cnt1))(
                        lambda off, c: chunk_both(off, c[0], c[1]))
                return sc_i + 1, cnt0, cnt1

            sc_i, cnt0, cnt1 = lax.while_loop(
                condA, bodyA, (jnp.int32(0), cnt0_init, cnt1_init))

            def condB(st):
                sc_j, cnt0 = st
                return (sc_j < _NCHUNK // _UNROLL) & jnp.any(cnt0 < lim0 - 1)

            def bodyB(st):
                sc_j, cnt0 = st
                base_off = sc_j * (_UNROLL * _L)
                cnt0 = plsc.parallel_loop(
                    base_off, base_off + _UNROLL * _L, _L, unroll=_UNROLL,
                    carry=cnt0)(chunk_s0)
                return sc_j + 1, cnt0

            _, cnt0 = lax.while_loop(condB, bodyB, (sc_i, cnt0))

            laneo0 = lane + o0
            laneo1 = lane + o1
            first0 = plsc.load_gather(idx0, [zeros_i + o0])
            cur0 = idx0[pl.ds(o0, _L)]
            idx0[pl.ds(o0, _L)] = jnp.where(laneo0 - 1 < cnt0, cur0, first0)

            first1 = plsc.load_gather(idx1, [zeros_i + o1])
            for h in range(ns1 // _L):
                cur = idx1[pl.ds(o1 + h * _L, _L)]
                sel = jnp.where(laneo1 + (h * _L - 1) < cnt1, cur, first1)
                idx1[pl.ds(o1 + h * _L, _L)] = sel
            return carry

        lax.fori_loop(0, _QPW, per_query, 0)

        pltpu.sync_copy(idx0, idx0_h.at[pl.ds(w * n0, n0)])
        pltpu.sync_copy(idx1, idx1_h.at[pl.ds(w * n1, n1)])

    return k(xyz_flat, new_flat)


def _sc_gather(idx0_all, idx1_all, table0, table1):
    ns0, ns1 = _NS
    n0 = _QPW * ns0
    n1 = _QPW * ns1
    mesh = plsc.VectorSubcoreMesh(core_axis_name="c", subcore_axis_name="s")

    out_type = (
        jax.ShapeDtypeStruct((_M * ns0, _C1), jnp.float32),
        jax.ShapeDtypeStruct((_M * ns1, _C1), jnp.float32),
    )
    scratch_types = [
        pltpu.VMEM((n0,), jnp.int32),
        pltpu.VMEM((n1,), jnp.int32),
        pltpu.VMEM((n1, _C1), jnp.float32),
        pltpu.SemaphoreType.DMA,
    ]

    @functools.partial(pl.kernel, out_type=out_type, mesh=mesh,
                       scratch_types=scratch_types,
                       compiler_params=pltpu.CompilerParams(
                           needs_layout_passes=False,
                           use_tc_tiling_on_sc=False))
    def k(idx0_h, idx1_h, tab0_h, tab1_h, g0_h, g1_h, idx0, idx1, rows, sem):
        w = lax.axis_index("c") * 16 + lax.axis_index("s")
        pltpu.sync_copy(idx0_h.at[pl.ds(w * n0, n0)], idx0)
        pltpu.sync_copy(idx1_h.at[pl.ds(w * n1, n1)], idx1)

        waits = []
        for cs in range(0, n1, 128):
            waits.append(pltpu.async_copy(
                tab1_h.at[idx1.at[pl.ds(cs, 128)]], rows.at[pl.ds(cs, 128)], sem))
        for hh in waits:
            hh.wait()
        pltpu.sync_copy(rows, g1_h.at[pl.ds(w * n1, n1)])

        waits = []
        for cs in range(0, n0, 128):
            waits.append(pltpu.async_copy(
                tab0_h.at[idx0.at[pl.ds(cs, 128)]], rows.at[pl.ds(cs, 128)], sem))
        for hh in waits:
            hh.wait()
        pltpu.sync_copy(rows.at[pl.ds(0, n0)], g0_h.at[pl.ds(w * n0, n0)])

    return k(idx0_all, idx1_all, table0, table1)


def _tc_tables(xyz, new_xyz, features, layer1_0, layer1_1):
    w1aT0 = layer1_0["W"][:, :3].T
    w1bT0 = layer1_0["W"][:, 3:].T
    w1aT1 = layer1_1["W"][:, :3].T
    w1bT1 = layer1_1["W"][:, 3:].T

    def body(xyz_ref, new_ref, feat_ref, a0_ref, b0_ref, a1_ref, b1_ref,
             g0_ref, g1_ref, h0_ref, h1_ref):
        xv = xyz_ref[...]
        nv = new_ref[...]
        fv = feat_ref[...]
        g0_ref[...] = (
            jnp.dot(fv, b0_ref[...], preferred_element_type=jnp.float32)
            + jnp.dot(xv, a0_ref[...], preferred_element_type=jnp.float32))
        g1_ref[...] = (
            jnp.dot(fv, b1_ref[...], preferred_element_type=jnp.float32)
            + jnp.dot(xv, a1_ref[...], preferred_element_type=jnp.float32))
        h0_ref[...] = jnp.dot(nv, a0_ref[...], preferred_element_type=jnp.float32)
        h1_ref[...] = jnp.dot(nv, a1_ref[...], preferred_element_type=jnp.float32)

    return pl.pallas_call(
        body,
        out_shape=[
            jax.ShapeDtypeStruct((_N, _C1), jnp.float32),
            jax.ShapeDtypeStruct((_N, _C1), jnp.float32),
            jax.ShapeDtypeStruct((_M, _C1), jnp.float32),
            jax.ShapeDtypeStruct((_M, _C1), jnp.float32),
        ],
    )(xyz, new_xyz, features, w1aT0, w1bT0, w1aT1, w1bT1)


def _tc_mlp_scale(gpacked, H, layer1, layer2, ns):
    R4 = gpacked.shape[0]
    MN = R4 * 4
    C2 = layer2["W"].shape[0]
    R = 8192
    RB4 = R // 4
    NB = MN // R
    qpb = R // ns
    ns4 = ns // 4
    Mq = MN // ns
    cntf = float(MN)

    w2T = layer2["W"].T
    w2p = jnp.zeros((128, 4 * C2), jnp.float32)
    for g in range(4):
        w2p = w2p.at[g * _C1:(g + 1) * _C1, g * C2:(g + 1) * C2].set(w2T)
    w2p = w2p.astype(jnp.bfloat16)
    g1t = jnp.tile(layer1["g"].reshape(1, _C1), (1, 4))
    b1t = jnp.tile(layer1["b"].reshape(1, _C1), (1, 4))
    g2 = layer2["g"].reshape(1, C2)
    b2 = layer2["b"].reshape(1, C2)

    def body(g_ref, h_ref, g1_ref, b1_ref, w2_ref, z_ref, st2_ref, st1):
        p = pl.program_id(0)
        i = pl.program_id(1)

        @pl.when((p == 0) & (i == 0))
        def _init():
            st1[...] = jnp.zeros_like(st1)
            st2_ref[...] = jnp.zeros_like(st2_ref)

        Hq = h_ref[...]
        Ht = jnp.concatenate([Hq] * 4, axis=1)
        Hexp = jnp.broadcast_to(Ht[:, None, :], (qpb, ns4, 128)).reshape(RB4, 128)
        y1 = g_ref[...] - Hexp

        @pl.when(p == 0)
        def _pass0():
            st1[0:1, :] += jnp.sum(y1, axis=0, keepdims=True)
            st1[1:2, :] += jnp.sum(y1 * y1, axis=0, keepdims=True)

        @pl.when(p == 1)
        def _pass1():
            s1 = st1[0:1, :]
            q1 = st1[1:2, :]
            s1f = (s1[:, 0:32] + s1[:, 32:64]) + (s1[:, 64:96] + s1[:, 96:128])
            q1f = (q1[:, 0:32] + q1[:, 32:64]) + (q1[:, 64:96] + q1[:, 96:128])
            mean1 = s1f / cntf
            var1 = q1f / cntf - mean1 * mean1
            sc = lax.rsqrt(var1 + _EPS)
            mean1t = jnp.concatenate([mean1] * 4, axis=1)
            sct = jnp.concatenate([sc] * 4, axis=1) * g1_ref[...]
            x = jnp.maximum((y1 - mean1t) * sct + b1_ref[...], 0.0)
            y2 = jnp.dot(x.astype(jnp.bfloat16), w2_ref[...],
                         preferred_element_type=jnp.float32)
            s2 = jnp.sum(y2, axis=0, keepdims=True)
            q2 = jnp.sum(y2 * y2, axis=0, keepdims=True)
            s2f = ((s2[:, 0:C2] + s2[:, C2:2 * C2])
                   + (s2[:, 2 * C2:3 * C2] + s2[:, 3 * C2:4 * C2]))
            q2f = ((q2[:, 0:C2] + q2[:, C2:2 * C2])
                   + (q2[:, 2 * C2:3 * C2] + q2[:, 3 * C2:4 * C2]))
            st2_ref[0:1, :C2] += s2f
            st2_ref[1:2, :C2] += q2f
            m4 = jnp.maximum(jnp.maximum(y2[:, 0:C2], y2[:, C2:2 * C2]),
                             jnp.maximum(y2[:, 2 * C2:3 * C2], y2[:, 3 * C2:4 * C2]))
            z_ref[...] = jnp.max(m4.reshape(qpb, ns4, C2), axis=1)

    z, st2 = pl.pallas_call(
        body,
        grid=(2, NB),
        in_specs=[
            pl.BlockSpec((RB4, 128), lambda p, i: (i, 0)),
            pl.BlockSpec((qpb, _C1), lambda p, i: (i, 0)),
            pl.BlockSpec((1, 128), lambda p, i: (0, 0)),
            pl.BlockSpec((1, 128), lambda p, i: (0, 0)),
            pl.BlockSpec((128, 4 * C2), lambda p, i: (0, 0)),
        ],
        out_specs=[
            pl.BlockSpec((qpb, C2), lambda p, i: (i, 0)),
            pl.BlockSpec((8, 128), lambda p, i: (0, 0)),
        ],
        out_shape=[
            jax.ShapeDtypeStruct((Mq, C2), jnp.float32),
            jax.ShapeDtypeStruct((8, 128), jnp.float32),
        ],
        scratch_shapes=[pltpu.VMEM((8, 128), jnp.float32)],
    )(gpacked, H, g1t, b1t, w2p)

    def fin(z_ref, st_ref, g2_ref, b2_ref, out_ref):
        mean = st_ref[0:1, :C2] / cntf
        var = st_ref[1:2, :C2] / cntf - mean * mean
        out_ref[...] = jnp.maximum(
            (z_ref[...] - mean) * (lax.rsqrt(var + _EPS) * g2_ref[...]) + b2_ref[...],
            0.0)

    out = pl.pallas_call(
        fin,
        out_shape=jax.ShapeDtypeStruct((Mq, C2), jnp.float32),
    )(z, st2, g2, b2)
    return out


def kernel(xyz, xyz_batch_cnt, new_xyz, new_xyz_batch_cnt, features, params):
    idx0, idx1 = _sc_ballquery(xyz.reshape(-1), new_xyz.reshape(-1))
    G0, G1, H0, H1 = _tc_tables(xyz, new_xyz, features,
                                params[0][0], params[1][0])
    g0, g1 = _sc_gather(idx0, idx1, G0, G1)
    out0 = _tc_mlp_scale(g0.reshape(_M * _NS[0] // 4, 128), H0,
                         params[0][0], params[0][1], _NS[0])
    out1 = _tc_mlp_scale(g1.reshape(_M * _NS[1] // 4, 128), H1,
                         params[1][0], params[1][1], _NS[1])
    new_features = jnp.concatenate([out0, out1], axis=1)
    return new_xyz, new_features

# --- scband reference (transcript-rebuilt; emitter-appended) ---
"""Pipeline reference for scband-guided-samodule-msg-78537771975382 (READ-ONLY COPY).

The authoritative reference and input builder live on the scoring server;
editing this copy changes nothing except your own understanding.
"""

import jax, jax.numpy as jnp
import numpy as np

RADII = [0.8, 1.6]
NSAMPLES = [16, 32]
MLPS = [[32, 32], [32, 64]]
C_IN = 32
B = 2
NPTS = 8192
MQ = 1024
EPS = 1e-3


def _make_params(key):
    params = []
    for mlp in MLPS:
        cin = C_IN + 3
        layers = []
        for cout in mlp:
            key, k1 = jax.random.split(key)
            W = jax.random.normal(k1, (cout, cin), dtype=jnp.float32) * np.sqrt(2.0 / cin)
            layers.append({"W": W, "g": jnp.ones((cout,), dtype=jnp.float32), "b": jnp.zeros((cout,), dtype=jnp.float32)})
            cin = cout
        params.append(layers)
    return params


def setup_inputs(seed: int = 0):
    key = jax.random.key(seed)
    k1, k2, k3 = jax.random.split(key, 3)
    xyz = jax.random.normal(k1, (B * NPTS, 3), dtype=jnp.float32) * 2.0
    features = jax.random.normal(k2, (B * NPTS, C_IN), dtype=jnp.float32)
    # new_xyz are keypoints sampled from the original cloud (guarantees non-empty balls)
    new_xyz = jnp.concatenate([xyz[b * NPTS: b * NPTS + MQ] for b in range(B)], axis=0)
    xyz_batch_cnt = jnp.full((B,), NPTS, dtype=jnp.int32)
    new_xyz_batch_cnt = jnp.full((B,), MQ, dtype=jnp.int32)
    params = _make_params(k3)
    return {"xyz": xyz, "xyz_batch_cnt": xyz_batch_cnt, "new_xyz": new_xyz,
            "new_xyz_batch_cnt": new_xyz_batch_cnt, "features": features, "params": params}


def _batch_ids(cnts, total):
    return jnp.repeat(jnp.arange(cnts.shape[0]), cnts, total_repeat_length=total)


def _ball_query(xyz, new_xyz, pb, qb, radius, nsample):
    d2 = jnp.sum((new_xyz[:, None, :] - xyz[None, :, :]) ** 2, axis=-1)
    valid = (d2 <= radius * radius) & (qb[:, None] == pb[None, :])
    N = xyz.shape[0]
    score = jnp.where(valid, jnp.arange(N)[None, :], N)
    order = jnp.argsort(score, axis=1)[:, :nsample]
    cnt = jnp.sum(valid, axis=1)
    slot = jnp.arange(nsample)[None, :]
    idx = jnp.where(slot < cnt[:, None], order, order[:, :1])
    empty = cnt == 0
    idx = jnp.where(empty[:, None], 0, idx)
    return idx, empty


def reference(xyz, xyz_batch_cnt, new_xyz, new_xyz_batch_cnt, features, params):
    pb = _batch_ids(xyz_batch_cnt, xyz.shape[0])
    qb = _batch_ids(new_xyz_batch_cnt, new_xyz.shape[0])
    outs = []
    for k in range(len(RADII)):
        idx, empty = _ball_query(xyz, new_xyz, pb, qb, RADII[k], NSAMPLES[k])
        gxyz = xyz[idx] - new_xyz[:, None, :]        # (M, ns, 3)
        gfeat = features[idx]                        # (M, ns, C)
        nf = jnp.concatenate([gxyz, gfeat], axis=-1)  # (M, ns, 3+C)
        nf = jnp.where(empty[:, None, None], 0.0, nf)
        x = jnp.transpose(nf, (0, 2, 1))             # (M, 3+C, ns)
        for layer in params[k]:
            x = jnp.einsum('oc,mcn->mon', layer["W"], x)
            mean = jnp.mean(x, axis=(0, 2))
            var = jnp.var(x, axis=(0, 2))
            x = layer["g"][None, :, None] * (x - mean[None, :, None]) / jnp.sqrt(var[None, :, None] + EPS) + layer["b"][None, :, None]
            x = jax.nn.relu(x)
        outs.append(jnp.max(x, axis=-1))
    new_features = jnp.concatenate(outs, axis=1)     # (M, 32+64)
    return new_xyz, new_features

if __name__ == "__main__":
    import jax
    _d = setup_inputs()
    print(jax.jit(kernel)(*tuple(_d.values())))

</pallas_src>

<mosaic_0001>
#map = affine_map<(d0, d1) -> (0)>
module attributes {stable_mosaic.version = 14 : i64} {
  func.func @k(%arg0: i32, %arg1: i32, %arg2: memref<49152xf32, #tpu.memory_space<hbm>>, %arg3: memref<6144xf32, #tpu.memory_space<hbm>>, %arg4: memref<32768xi32, #tpu.memory_space<hbm>>, %arg5: memref<65536xi32, #tpu.memory_space<hbm>>, %arg6: memref<24576xf32, #tpu.memory_space<vmem>>, %arg7: memref<8192xf32, #tpu.memory_space<vmem>>, %arg8: memref<8192xf32, #tpu.memory_space<vmem>>, %arg9: memref<8192xf32, #tpu.memory_space<vmem>>, %arg10: memref<192xf32, #tpu.memory_space<vmem>>, %arg11: memref<1024xi32, #tpu.memory_space<vmem>>, %arg12: memref<2048xi32, #tpu.memory_space<vmem>>) attributes {dimension_semantics = [#tpu.dimension_semantics<core_parallel>, #tpu.dimension_semantics<subcore_parallel>], iteration_bounds = array<i64: 2, 16>, scalar_prefetch = 0 : i64, scratch_operands = 7 : i64, tpu.core_type = #tpu.core_type<sc_vector_subcore>, window_params = [{transform_indices = #map}, {transform_indices = #map}, {transform_indices = #map}, {transform_indices = #map}]} {
    %mul3A = arith.constant 16 : i32
    %mul3A_0 = arith.muli %arg0, %mul3A : i32
    %add3A = arith.addi %mul3A_0, %arg1 : i32
    %jit3A = arith.constant 16 : i32
    %div3A = arith.divsi %add3A, %jit3A : i32
    %sign3A = arith.constant 0 : i32
    %sign3A_1 = arith.cmpi sgt, %add3A, %sign3A : i32
    %sign3A_2 = arith.extui %sign3A_1 : i1 to i32
    %sign3A_3 = arith.constant 0 : i32
    %sign3A_4 = arith.cmpi slt, %add3A, %sign3A_3 : i32
    %sign3A_5 = arith.extui %sign3A_4 : i1 to i32
    %sign3A_6 = arith.subi %sign3A_2, %sign3A_5 : i32
    %sign3A_7 = arith.constant 0 : i32
    %sign3A_8 = arith.cmpi sgt, %jit3A, %sign3A_7 : i32
    %sign3A_9 = arith.extui %sign3A_8 : i1 to i32
    %sign3A_10 = arith.constant 0 : i32
    %sign3A_11 = arith.cmpi slt, %jit3A, %sign3A_10 : i32
    %sign3A_12 = arith.extui %sign3A_11 : i1 to i32
    %sign3A_13 = arith.subi %sign3A_9, %sign3A_12 : i32
    %ne3A = arith.cmpi ne, %sign3A_6, %sign3A_13 : i32
    %rem3A = arith.remsi %add3A, %jit3A : i32
    %ne3A_14 = arith.constant 0 : i32
    %ne3A_15 = arith.cmpi ne, %rem3A, %ne3A_14 : i32
    %and3A = arith.andi %ne3A, %ne3A_15 : i1
    %sub3A = arith.constant 1 : i32
    %sub3A_16 = arith.subi %div3A, %sub3A : i32
    %select_n3A = arith.select %and3A, %sub3A_16, %div3A : i32
    %mul3A_17 = arith.constant 8192 : i32
    %mul3A_18 = arith.muli %select_n3A, %mul3A_17 : i32
    %mul3A_19 = arith.constant 64 : i32
    %mul3A_20 = arith.muli %add3A, %mul3A_19 : i32
    %mul3A_21 = arith.constant 3 : i32
    %mul3A_22 = arith.muli %mul3A_18, %mul3A_21 : i32
    "tpu.region"() ({
      %run_scoped3A = tpu.sem_alloc : memref<!tpu.dma_semaphore, #tpu.memory_space<semaphore_mem>>
      %dma_start3A = tpu.memref_slice %arg2[%mul3A_22] : memref<49152xf32, #tpu.memory_space<hbm>> -> memref<24576xf32, #tpu.memory_space<hbm>>
      %dma_start3A_42 = tpu.memref_slice %arg2[%mul3A_22] : memref<49152xf32, #tpu.memory_space<hbm>> -> memref<24576xf32, #tpu.memory_space<hbm>>
      tpu.enqueue_dma source(%dma_start3A_42 : memref<24576xf32, #tpu.memory_space<hbm>>) target(%arg6 : memref<24576xf32, #tpu.memory_space<vmem>>) target_semaphore(%run_scoped3A : memref<!tpu.dma_semaphore, #tpu.memory_space<semaphore_mem>>)
      %dma_wait3A = tpu.memref_slice %arg2[%mul3A_22] : memref<49152xf32, #tpu.memory_space<hbm>> -> memref<24576xf32, #tpu.memory_space<hbm>>
      %dma_wait3A_43 = tpu.memref_slice %arg2[%mul3A_22] : memref<49152xf32, #tpu.memory_space<hbm>> -> memref<24576xf32, #tpu.memory_space<hbm>>
      tpu.wait_dma2 semaphore(%run_scoped3A : memref<!tpu.dma_semaphore, #tpu.memory_space<semaphore_mem>>) src(%dma_wait3A_43 : memref<24576xf32, #tpu.memory_space<hbm>>) dst(%arg6 : memref<24576xf32, #tpu.memory_space<vmem>>)
      tpu.yield
    }) : () -> ()
    %mul3A_23 = arith.constant 3 : i32
    %mul3A_24 = arith.muli %mul3A_20, %mul3A_23 : i32
    "tpu.region"() ({
      %run_scoped3A = tpu.sem_alloc : memref<!tpu.dma_semaphore, #tpu.memory_space<semaphore_mem>>
      %dma_start3A = tpu.memref_slice %arg3[%mul3A_24] : memref<6144xf32, #tpu.memory_space<hbm>> -> memref<192xf32, #tpu.memory_space<hbm>>
      %dma_start3A_42 = tpu.memref_slice %arg3[%mul3A_24] : memref<6144xf32, #tpu.memory_space<hbm>> -> memref<192xf32, #tpu.memory_space<hbm>>
      tpu.enqueue_dma source(%dma_start3A_42 : memref<192xf32, #tpu.memory_space<hbm>>) target(%arg10 : memref<192xf32, #tpu.memory_space<vmem>>) target_semaphore(%run_scoped3A : memref<!tpu.dma_semaphore, #tpu.memory_space<semaphore_mem>>)
      %dma_wait3A = tpu.memref_slice %arg3[%mul3A_24] : memref<6144xf32, #tpu.memory_space<hbm>> -> memref<192xf32, #tpu.memory_space<hbm>>
      %dma_wait3A_43 = tpu.memref_slice %arg3[%mul3A_24] : memref<6144xf32, #tpu.memory_space<hbm>> -> memref<192xf32, #tpu.memory_space<hbm>>
      tpu.wait_dma2 semaphore(%run_scoped3A : memref<!tpu.dma_semaphore, #tpu.memory_space<semaphore_mem>>) src(%dma_wait3A_43 : memref<192xf32, #tpu.memory_space<hbm>>) dst(%arg10 : memref<192xf32, #tpu.memory_space<vmem>>)
      tpu.yield
    }) : () -> ()
    %iota3A = tpu.iota {dimensions = array<i32: 0>} : vector<16xi32>
    %mul3A_25 = arith.constant 3 : i32
    %mul3A_26 = vector.broadcast %mul3A_25 : i32 to vector<16xi32>
    %mul3A_27 = arith.muli %iota3A, %mul3A_26 : vector<16xi32>
    %broadcast_in_dim3A = arith.constant 0 : i32
    %broadcast_in_dim3A_28 = vector.broadcast %broadcast_in_dim3A : i32 to vector<16xi32>
    %parallel_loop3A = arith.constant 0 : i32
    %parallel_loop3A_29 = arith.constant 512 : i32
    %parallel_loop3A_30 = arith.constant 1 : i32
    %parallel_loop3A_31 = arith.constant 0 : i32
    %parallel_loop3A_32 = scf.for %parallel_loop3A_42 = %parallel_loop3A to %parallel_loop3A_29 step %parallel_loop3A_30 iter_args(%parallel_loop3A_43 = %parallel_loop3A_31) -> (i32)  : i32 {
      %parallel_loop3A_44 = arith.constant 16 : i32
      %parallel_loop3A_45 = arith.muli %parallel_loop3A_42, %parallel_loop3A_44 : i32
      %parallel_loop3A_46 = arith.constant 3 : i32
      %parallel_loop3A_47 = arith.muli %parallel_loop3A_45, %parallel_loop3A_46 : i32
      %parallel_loop3A_48 = vector.broadcast %parallel_loop3A_47 : i32 to vector<16xi32>
      %parallel_loop3A_49 = arith.addi %mul3A_27, %parallel_loop3A_48 : vector<16xi32>
      %parallel_loop3A_50 = tpu.vector_load_idx %arg6[%parallel_loop3A_49] : memref<24576xf32, #tpu.memory_space<vmem>>[vector<16xi32>], vector<16xf32>,
      %parallel_loop3A_51 = arith.index_cast %parallel_loop3A_45 : i32 to index
      %parallel_loop3A_52 = tpu.vector_load %arg7[%parallel_loop3A_51] {strides = array<i32>} : memref<8192xf32, #tpu.memory_space<vmem>>, vector<16xf32>,
      tpu.vector_store %arg7[%parallel_loop3A_51], %parallel_loop3A_50 {strides = array<i32>} : memref<8192xf32, #tpu.memory_space<vmem>>, vector<16xf32>,
      %parallel_loop3A_53 = arith.constant 1 : i32
      %parallel_loop3A_54 = vector.broadcast %parallel_loop3A_53 : i32 to vector<16xi32>
      %parallel_loop3A_55 = arith.addi %parallel_loop3A_49, %parallel_loop3A_54 : vector<16xi32>
      %parallel_loop3A_56 = tpu.vector_load_idx %arg6[%parallel_loop3A_55] : memref<24576xf32, #tpu.memory_space<vmem>>[vector<16xi32>], vector<16xf32>,
      %parallel_loop3A_57 = arith.index_cast %parallel_loop3A_45 : i32 to index
      %parallel_loop3A_58 = tpu.vector_load %arg8[%parallel_loop3A_57] {strides = array<i32>} : memref<8192xf32, #tpu.memory_space<vmem>>, vector<16xf32>,
      tpu.vector_store %arg8[%parallel_loop3A_57], %parallel_loop3A_56 {strides = array<i32>} : memref<8192xf32, #tpu.memory_space<vmem>>, vector<16xf32>,
      %parallel_loop3A_59 = arith.constant 2 : i32
      %parallel_loop3A_60 = vector.broadcast %parallel_loop3A_59 : i32 to vector<16xi32>
      %parallel_loop3A_61 = arith.addi %parallel_loop3A_49, %parallel_loop3A_60 : vector<16xi32>
      %parallel_loop3A_62 = tpu.vector_load_idx %arg6[%parallel_loop3A_61] : memref<24576xf32, #tpu.memory_space<vmem>>[vector<16xi32>], vector<16xf32>,
      %parallel_loop3A_63 = arith.index_cast %parallel_loop3A_45 : i32 to index
      %parallel_loop3A_64 = tpu.vector_load %arg9[%parallel_loop3A_63] {strides = array<i32>} : memref<8192xf32, #tpu.memory_space<vmem>>, vector<16xf32>,
      tpu.vector_store %arg9[%parallel_loop3A_63], %parallel_loop3A_62 {strides = array<i32>} : memref<8192xf32, #tpu.memory_space<vmem>>, vector<16xf32>,
      %parallel_loop3A_65 = arith.constant 0 : i32
      scf.yield %parallel_loop3A_65 : i32
    } {sc.loop_unroll_factor = 8 : i64, sc.parallel_access}
    %scan3A = arith.constant 0 : i32
    %scan3A_33 = arith.constant 0 : i32
    %scan3A_34 = arith.constant 64 : i32
    %scan3A_35 = arith.addi %scan3A_33, %scan3A_34 : i32
    %scan3A_36 = arith.constant 1 : i32
    scf.for %scan3A_42 = %scan3A_33 to %scan3A_35 step %scan3A_36  : i32 {
      %mul3A_43 = arith.constant 3 : i32
      %mul3A_44 = arith.muli %scan3A_42, %mul3A_43 : i32
      %add3A_45 = vector.broadcast %mul3A_44 : i32 to vector<16xi32>
      %add3A_46 = arith.addi %broadcast_in_dim3A_28, %add3A_45 : vector<16xi32>
      %gather3A = tpu.vector_load_idx %arg10[%add3A_46] : memref<192xf32, #tpu.memory_space<vmem>>[vector<16xi32>], vector<16xf32>,
      %add3A_47 = arith.constant 1 : i32
      %add3A_48 = vector.broadcast %add3A_47 : i32 to vector<16xi32>
      %add3A_49 = arith.addi %add3A_46, %add3A_48 : vector<16xi32>
      %gather3A_50 = tpu.vector_load_idx %arg10[%add3A_49] : memref<192xf32, #tpu.memory_space<vmem>>[vector<16xi32>], vector<16xf32>,
      %add3A_51 = arith.constant 2 : i32
      %add3A_52 = vector.broadcast %add3A_51 : i32 to vector<16xi32>
      %add3A_53 = arith.addi %add3A_46, %add3A_52 : vector<16xi32>
      %gather3A_54 = tpu.vector_load_idx %arg10[%add3A_53] : memref<192xf32, #tpu.memory_space<vmem>>[vector<16xi32>], vector<16xf32>,
      %mul3A_55 = arith.constant 16 : i32
      %mul3A_56 = arith.muli %scan3A_42, %mul3A_55 : i32
      %mul3A_57 = arith.constant 32 : i32
      %mul3A_58 = arith.muli %scan3A_42, %mul3A_57 : i32
      %sub3A_59 = arith.constant 1 : i32
      %sub3A_60 = arith.subi %mul3A_56, %sub3A_59 : i32
      %add3A_61 = vector.broadcast %sub3A_60 : i32 to vector<16xi32>
      %add3A_62 = arith.addi %broadcast_in_dim3A_28, %add3A_61 : vector<16xi32>
      %sub3A_63 = arith.constant 1 : i32
      %sub3A_64 = arith.subi %mul3A_58, %sub3A_63 : i32
      %add3A_65 = vector.broadcast %sub3A_64 : i32 to vector<16xi32>
      %add3A_66 = arith.addi %broadcast_in_dim3A_28, %add3A_65 : vector<16xi32>
      %add3A_67 = arith.constant 16 : i32
      %add3A_68 = arith.addi %mul3A_56, %add3A_67 : i32
      %add3A_69 = vector.broadcast %add3A_68 : i32 to vector<16xi32>
      %add3A_70 = arith.addi %broadcast_in_dim3A_28, %add3A_69 : vector<16xi32>
      %add3A_71 = arith.constant 32 : i32
      %add3A_72 = arith.addi %mul3A_58, %add3A_71 : i32
      %add3A_73 = vector.broadcast %add3A_72 : i32 to vector<16xi32>
      %add3A_74 = arith.addi %broadcast_in_dim3A_28, %add3A_73 : vector<16xi32>
      %while3A = arith.constant 0 : i32
      %while3A_75:3 = scf.while (%while3A_119 = %while3A, %while3A_120 = %add3A_62, %while3A_121 = %add3A_66) : (i32, vector<16xi32>, vector<16xi32>) -> (i32, vector<16xi32>, vector<16xi32>) {
        %lt3A_122 = arith.constant 32 : i32
        %lt3A_123 = arith.cmpi slt, %while3A_119, %lt3A_122 : i32
        %sub3A_124 = arith.constant 1 : i32
        %sub3A_125 = vector.broadcast %sub3A_124 : i32 to vector<16xi32>
        %sub3A_126 = arith.subi %add3A_74, %sub3A_125 : vector<16xi32>
        %lt3A_127 = arith.cmpi slt, %while3A_121, %sub3A_126 : vector<16xi32>
        %reduce_or3A = arith.constant 1.000000e+00 : f32
        %reduce_or3A_128 = arith.constant 0.000000e+00 : f32
        %reduce_or3A_129 = vector.broadcast %reduce_or3A : f32 to vector<16xf32>
        %reduce_or3A_130 = vector.broadcast %reduce_or3A_128 : f32 to vector<16xf32>
        %reduce_or3A_131 = arith.select %lt3A_127, %reduce_or3A_129, %reduce_or3A_130 : vector<16xi1>, vector<16xf32>
        %reduce_or3A_132 = arith.constant true
        %reduce_or3A_133 = vector.broadcast %reduce_or3A_132 : i1 to vector<16xi1>
        %reduce_or3A_134 = tpu.scan <max>, %reduce_or3A_131 masked %reduce_or3A_133 : vector<16xf32>, vector<16xi1> -> vector<16xf32>
        %reduce_or3A_135 = vector.extract %reduce_or3A_134[15] : f32 from vector<16xf32>
        %reduce_or3A_136 = arith.constant 0.000000e+00 : f32
        %reduce_or3A_137 = arith.cmpf ogt, %reduce_or3A_135, %reduce_or3A_136 : f32
        %and3A_138 = arith.andi %lt3A_123, %reduce_or3A_137 : i1
        scf.condition(%and3A_138) %while3A_119, %while3A_120, %while3A_121 : i32, vector<16xi32>, vector<16xi32>
      } do {
      ^bb0(%while3A_119: i32, %while3A_120: vector<16xi32>, %while3A_121: vector<16xi32>):
        %mul3A_122 = arith.constant 256 : i32
        %mul3A_123 = arith.muli %while3A_119, %mul3A_122 : i32
        %add3A_124 = arith.constant 256 : i32
        %add3A_125 = arith.addi %mul3A_123, %add3A_124 : i32
        %parallel_loop3A_126 = arith.constant 16 : i32
        %parallel_loop3A_127:2 = scf.for %parallel_loop3A_130 = %mul3A_123 to %add3A_125 step %parallel_loop3A_126 iter_args(%parallel_loop3A_131 = %while3A_120, %parallel_loop3A_132 = %while3A_121) -> (vector<16xi32>, vector<16xi32>)  : i32 {
          %parallel_loop3A_133 = arith.index_cast %parallel_loop3A_130 : i32 to index
          %parallel_loop3A_134 = tpu.vector_load %arg7[%parallel_loop3A_133] {strides = array<i32>} : memref<8192xf32, #tpu.memory_space<vmem>>, vector<16xf32>,
          %parallel_loop3A_135 = arith.subf %parallel_loop3A_134, %gather3A : vector<16xf32>
          %parallel_loop3A_136 = arith.index_cast %parallel_loop3A_130 : i32 to index
          %parallel_loop3A_137 = tpu.vector_load %arg8[%parallel_loop3A_136] {strides = array<i32>} : memref<8192xf32, #tpu.memory_space<vmem>>, vector<16xf32>,
          %parallel_loop3A_138 = arith.subf %parallel_loop3A_137, %gather3A_50 : vector<16xf32>
          %parallel_loop3A_139 = arith.index_cast %parallel_loop3A_130 : i32 to index
          %parallel_loop3A_140 = tpu.vector_load %arg9[%parallel_loop3A_139] {strides = array<i32>} : memref<8192xf32, #tpu.memory_space<vmem>>, vector<16xf32>,
          %parallel_loop3A_141 = arith.subf %parallel_loop3A_140, %gather3A_54 : vector<16xf32>
          %parallel_loop3A_142 = arith.mulf %parallel_loop3A_135, %parallel_loop3A_135 : vector<16xf32>
          %parallel_loop3A_143 = arith.mulf %parallel_loop3A_138, %parallel_loop3A_138 : vector<16xf32>
          %parallel_loop3A_144 = arith.addf %parallel_loop3A_142, %parallel_loop3A_143 : vector<16xf32>
          %parallel_loop3A_145 = arith.mulf %parallel_loop3A_141, %parallel_loop3A_141 : vector<16xf32>
          %parallel_loop3A_146 = arith.addf %parallel_loop3A_144, %parallel_loop3A_145 : vector<16xf32>
          %parallel_loop3A_147 = arith.addi %mul3A_18, %parallel_loop3A_130 : i32
          %parallel_loop3A_148 = vector.broadcast %parallel_loop3A_147 : i32 to vector<16xi32>
          %parallel_loop3A_149 = arith.addi %iota3A, %parallel_loop3A_148 : vector<16xi32>
          %parallel_loop3A_150 = arith.constant 6.400000e-01 : f32
          %parallel_loop3A_151 = vector.broadcast %parallel_loop3A_150 : f32 to vector<16xf32>
          %parallel_loop3A_152 = arith.cmpf ole, %parallel_loop3A_146, %parallel_loop3A_151 : vector<16xf32>
          %parallel_loop3A_153 = arith.constant 2.560000e+00 : f32
          %parallel_loop3A_154 = vector.broadcast %parallel_loop3A_153 : f32 to vector<16xf32>
          %parallel_loop3A_155 = arith.cmpf ole, %parallel_loop3A_146, %parallel_loop3A_154 : vector<16xf32>
          %parallel_loop3A_156 = arith.constant 1 : i32
          %parallel_loop3A_157 = arith.constant 0 : i32
          %parallel_loop3A_158 = vector.broadcast %parallel_loop3A_156 : i32 to vector<16xi32>
          %parallel_loop3A_159 = vector.broadcast %parallel_loop3A_157 : i32 to vector<16xi32>
          %parallel_loop3A_160 = arith.select %parallel_loop3A_152, %parallel_loop3A_158, %parallel_loop3A_159 : vector<16xi1>, vector<16xi32>
          %parallel_loop3A_161 = arith.constant true
          %parallel_loop3A_162 = vector.broadcast %parallel_loop3A_161 : i1 to vector<16xi1>
          %parallel_loop3A_163 = tpu.scan <sum>, %parallel_loop3A_160 masked %parallel_loop3A_162 : vector<16xi32>, vector<16xi1> -> vector<16xi32>
          %parallel_loop3A_164 = arith.constant 1 : i32
          %parallel_loop3A_165 = arith.constant 0 : i32
          %parallel_loop3A_166 = vector.broadcast %parallel_loop3A_164 : i32 to vector<16xi32>
          %parallel_loop3A_167 = vector.broadcast %parallel_loop3A_165 : i32 to vector<16xi32>
          %parallel_loop3A_168 = arith.select %parallel_loop3A_155, %parallel_loop3A_166, %parallel_loop3A_167 : vector<16xi1>, vector<16xi32>
          %parallel_loop3A_169 = arith.constant true
          %parallel_loop3A_170 = vector.broadcast %parallel_loop3A_169 : i1 to vector<16xi1>
          %parallel_loop3A_171 = tpu.scan <sum>, %parallel_loop3A_168 masked %parallel_loop3A_170 : vector<16xi32>, vector<16xi1> -> vector<16xi32>
          %parallel_loop3A_172 = arith.addi %parallel_loop3A_131, %parallel_loop3A_163 : vector<16xi32>
          %parallel_loop3A_173 = arith.addi %parallel_loop3A_132, %parallel_loop3A_171 : vector<16xi32>
          %parallel_loop3A_174 = arith.cmpi slt, %parallel_loop3A_172, %add3A_70 : vector<16xi32>
          %parallel_loop3A_175 = arith.andi %parallel_loop3A_152, %parallel_loop3A_174 : vector<16xi1>
          tpu.vector_store_idx %arg11[%parallel_loop3A_172], %parallel_loop3A_149 masked %parallel_loop3A_175 : memref<1024xi32, #tpu.memory_space<vmem>>[vector<16xi32>], vector<16xi32>, vector<16xi1>
          %parallel_loop3A_176 = arith.cmpi slt, %parallel_loop3A_173, %add3A_74 : vector<16xi32>
          %parallel_loop3A_177 = arith.andi %parallel_loop3A_155, %parallel_loop3A_176 : vector<16xi1>
          tpu.vector_store_idx %arg12[%parallel_loop3A_173], %parallel_loop3A_149 masked %parallel_loop3A_177 : memref<2048xi32, #tpu.memory_space<vmem>>[vector<16xi32>], vector<16xi32>, vector<16xi1>
          %parallel_loop3A_178 = tpu.all_reduce %parallel_loop3A_152 {dim = 0 : i64, kind = #tpu.reduction_kind<sum>} : vector<16xi1> -> vector<16xi32>
          %parallel_loop3A_179 = arith.addi %parallel_loop3A_131, %parallel_loop3A_178 : vector<16xi32>
          %parallel_loop3A_180 = tpu.all_reduce %parallel_loop3A_155 {dim = 0 : i64, kind = #tpu.reduction_kind<sum>} : vector<16xi1> -> vector<16xi32>
          %parallel_loop3A_181 = arith.addi %parallel_loop3A_132, %parallel_loop3A_180 : vector<16xi32>
          scf.yield %parallel_loop3A_179, %parallel_loop3A_181 : vector<16xi32>, vector<16xi32>
        } {sc.loop_unroll_factor = 16 : i64, sc.parallel_access}
        %add3A_128 = arith.constant 1 : i32
        %add3A_129 = arith.addi %while3A_119, %add3A_128 : i32
        scf.yield %add3A_129, %parallel_loop3A_127#0, %parallel_loop3A_127#1 : i32, vector<16xi32>, vector<16xi32>
      }
      %while3A_76:2 = scf.while (%while3A_119 = %while3A_75#0, %while3A_120 = %while3A_75#1) : (i32, vector<16xi32>) -> (i32, vector<16xi32>) {
        %lt3A_121 = arith.constant 32 : i32
        %lt3A_122 = arith.cmpi slt, %while3A_119, %lt3A_121 : i32
        %sub3A_123 = arith.constant 1 : i32
        %sub3A_124 = vector.broadcast %sub3A_123 : i32 to vector<16xi32>
        %sub3A_125 = arith.subi %add3A_70, %sub3A_124 : vector<16xi32>
        %lt3A_126 = arith.cmpi slt, %while3A_120, %sub3A_125 : vector<16xi32>
        %reduce_or3A = arith.constant 1.000000e+00 : f32
        %reduce_or3A_127 = arith.constant 0.000000e+00 : f32
        %reduce_or3A_128 = vector.broadcast %reduce_or3A : f32 to vector<16xf32>
        %reduce_or3A_129 = vector.broadcast %reduce_or3A_127 : f32 to vector<16xf32>
        %reduce_or3A_130 = arith.select %lt3A_126, %reduce_or3A_128, %reduce_or3A_129 : vector<16xi1>, vector<16xf32>
        %reduce_or3A_131 = arith.constant true
        %reduce_or3A_132 = vector.broadcast %reduce_or3A_131 : i1 to vector<16xi1>
        %reduce_or3A_133 = tpu.scan <max>, %reduce_or3A_130 masked %reduce_or3A_132 : vector<16xf32>, vector<16xi1> -> vector<16xf32>
        %reduce_or3A_134 = vector.extract %reduce_or3A_133[15] : f32 from vector<16xf32>
        %reduce_or3A_135 = arith.constant 0.000000e+00 : f32
        %reduce_or3A_136 = arith.cmpf ogt, %reduce_or3A_134, %reduce_or3A_135 : f32
        %and3A_137 = arith.andi %lt3A_122, %reduce_or3A_136 : i1
        scf.condition(%and3A_137) %while3A_119, %while3A_120 : i32, vector<16xi32>
      } do {
      ^bb0(%while3A_119: i32, %while3A_120: vector<16xi32>):
        %mul3A_121 = arith.constant 256 : i32
        %mul3A_122 = arith.muli %while3A_119, %mul3A_121 : i32
        %add3A_123 = arith.constant 256 : i32
        %add3A_124 = arith.addi %mul3A_122, %add3A_123 : i32
        %parallel_loop3A_125 = arith.constant 16 : i32
        %parallel_loop3A_126 = scf.for %parallel_loop3A_129 = %mul3A_122 to %add3A_124 step %parallel_loop3A_125 iter_args(%parallel_loop3A_130 = %while3A_120) -> (vector<16xi32>)  : i32 {
          %parallel_loop3A_131 = arith.index_cast %parallel_loop3A_129 : i32 to index
          %parallel_loop3A_132 = tpu.vector_load %arg7[%parallel_loop3A_131] {strides = array<i32>} : memref<8192xf32, #tpu.memory_space<vmem>>, vector<16xf32>,
          %parallel_loop3A_133 = arith.subf %parallel_loop3A_132, %gather3A : vector<16xf32>
          %parallel_loop3A_134 = arith.index_cast %parallel_loop3A_129 : i32 to index
          %parallel_loop3A_135 = tpu.vector_load %arg8[%parallel_loop3A_134] {strides = array<i32>} : memref<8192xf32, #tpu.memory_space<vmem>>, vector<16xf32>,
          %parallel_loop3A_136 = arith.subf %parallel_loop3A_135, %gather3A_50 : vector<16xf32>
          %parallel_loop3A_137 = arith.index_cast %parallel_loop3A_129 : i32 to index
          %parallel_loop3A_138 = tpu.vector_load %arg9[%parallel_loop3A_137] {strides = array<i32>} : memref<8192xf32, #tpu.memory_space<vmem>>, vector<16xf32>,
          %parallel_loop3A_139 = arith.subf %parallel_loop3A_138, %gather3A_54 : vector<16xf32>
          %parallel_loop3A_140 = arith.mulf %parallel_loop3A_133, %parallel_loop3A_133 : vector<16xf32>
          %parallel_loop3A_141 = arith.mulf %parallel_loop3A_136, %parallel_loop3A_136 : vector<16xf32>
          %parallel_loop3A_142 = arith.addf %parallel_loop3A_140, %parallel_loop3A_141 : vector<16xf32>
          %parallel_loop3A_143 = arith.mulf %parallel_loop3A_139, %parallel_loop3A_139 : vector<16xf32>
          %parallel_loop3A_144 = arith.addf %parallel_loop3A_142, %parallel_loop3A_143 : vector<16xf32>
          %parallel_loop3A_145 = arith.addi %mul3A_18, %parallel_loop3A_129 : i32
          %parallel_loop3A_146 = vector.broadcast %parallel_loop3A_145 : i32 to vector<16xi32>
          %parallel_loop3A_147 = arith.addi %iota3A, %parallel_loop3A_146 : vector<16xi32>
          %parallel_loop3A_148 = arith.constant 6.400000e-01 : f32
          %parallel_loop3A_149 = vector.broadcast %parallel_loop3A_148 : f32 to vector<16xf32>
          %parallel_loop3A_150 = arith.cmpf ole, %parallel_loop3A_144, %parallel_loop3A_149 : vector<16xf32>
          %parallel_loop3A_151 = arith.constant 1 : i32
          %parallel_loop3A_152 = arith.constant 0 : i32
          %parallel_loop3A_153 = vector.broadcast %parallel_loop3A_151 : i32 to vector<16xi32>
          %parallel_loop3A_154 = vector.broadcast %parallel_loop3A_152 : i32 to vector<16xi32>
          %parallel_loop3A_155 = arith.select %parallel_loop3A_150, %parallel_loop3A_153, %parallel_loop3A_154 : vector<16xi1>, vector<16xi32>
          %parallel_loop3A_156 = arith.constant true
          %parallel_loop3A_157 = vector.broadcast %parallel_loop3A_156 : i1 to vector<16xi1>
          %parallel_loop3A_158 = tpu.scan <sum>, %parallel_loop3A_155 masked %parallel_loop3A_157 : vector<16xi32>, vector<16xi1> -> vector<16xi32>
          %parallel_loop3A_159 = arith.addi %parallel_loop3A_130, %parallel_loop3A_158 : vector<16xi32>
          %parallel_loop3A_160 = arith.cmpi slt, %parallel_loop3A_159, %add3A_70 : vector<16xi32>
          %parallel_loop3A_161 = arith.andi %parallel_loop3A_150, %parallel_loop3A_160 : vector<16xi1>
          tpu.vector_store_idx %arg11[%parallel_loop3A_159], %parallel_loop3A_147 masked %parallel_loop3A_161 : memref<1024xi32, #tpu.memory_space<vmem>>[vector<16xi32>], vector<16xi32>, vector<16xi1>
          %parallel_loop3A_162 = tpu.all_reduce %parallel_loop3A_150 {dim = 0 : i64, kind = #tpu.reduction_kind<sum>} : vector<16xi1> -> vector<16xi32>
          %parallel_loop3A_163 = arith.addi %parallel_loop3A_130, %parallel_loop3A_162 : vector<16xi32>
          scf.yield %parallel_loop3A_163 : vector<16xi32>
        } {sc.loop_unroll_factor = 16 : i64, sc.parallel_access}
        %add3A_127 = arith.constant 1 : i32
        %add3A_128 = arith.addi %while3A_119, %add3A_127 : i32
        scf.yield %add3A_128, %parallel_loop3A_126 : i32, vector<16xi32>
      }
      %add3A_77 = vector.broadcast %mul3A_56 : i32 to vector<16xi32>
      %add3A_78 = arith.addi %iota3A, %add3A_77 : vector<16xi32>
      %add3A_79 = vector.broadcast %mul3A_58 : i32 to vector<16xi32>
      %add3A_80 = arith.addi %iota3A, %add3A_79 : vector<16xi32>
      %add3A_81 = vector.broadcast %mul3A_56 : i32 to vector<16xi32>
      %add3A_82 = arith.addi %broadcast_in_dim3A_28, %add3A_81 : vector<16xi32>
      %gather3A_83 = tpu.vector_load_idx %arg11[%add3A_82] : memref<1024xi32, #tpu.memory_space<vmem>>[vector<16xi32>], vector<16xi32>,
      %get3A = arith.index_cast %mul3A_56 : i32 to index
      %get3A_84 = tpu.vector_load %arg11[%get3A] {strides = array<i32>} : memref<1024xi32, #tpu.memory_space<vmem>>, vector<16xi32>,
      %sub3A_85 = arith.constant 1 : i32
      %sub3A_86 = vector.broadcast %sub3A_85 : i32 to vector<16xi32>
      %sub3A_87 = arith.subi %add3A_78, %sub3A_86 : vector<16xi32>
      %lt3A = arith.cmpi slt, %sub3A_87, %while3A_76#1 : vector<16xi32>
      %select_n3A_88 = arith.select %lt3A, %get3A_84, %gather3A_83 : vector<16xi1>, vector<16xi32>
      %swap3A = arith.index_cast %mul3A_56 : i32 to index
      %swap3A_89 = tpu.vector_load %arg11[%swap3A] {strides = array<i32>} : memref<1024xi32, #tpu.memory_space<vmem>>, vector<16xi32>,
      tpu.vector_store %arg11[%swap3A], %select_n3A_88 {strides = array<i32>} : memref<1024xi32, #tpu.memory_space<vmem>>, vector<16xi32>,
      %add3A_90 = vector.broadcast %mul3A_58 : i32 to vector<16xi32>
      %add3A_91 = arith.addi %broadcast_in_dim3A_28, %add3A_90 : vector<16xi32>
      %gather3A_92 = tpu.vector_load_idx %arg12[%add3A_91] : memref<2048xi32, #tpu.memory_space<vmem>>[vector<16xi32>], vector<16xi32>,
      %add3A_93 = arith.constant 0 : i32
      %add3A_94 = arith.addi %mul3A_58, %add3A_93 : i32
      %get3A_95 = arith.index_cast %add3A_94 : i32 to index
      %get3A_96 = tpu.vector_load %arg12[%get3A_95] {strides = array<i32>} : memref<2048xi32, #tpu.memory_space<vmem>>, vector<16xi32>,
      %add3A_97 = arith.constant -1 : i32
      %add3A_98 = vector.broadcast %add3A_97 : i32 to vector<16xi32>
      %add3A_99 = arith.addi %add3A_80, %add3A_98 : vector<16xi32>
      %lt3A_100 = arith.cmpi slt, %add3A_99, %while3A_75#2 : vector<16xi32>
      %select_n3A_101 = arith.select %lt3A_100, %get3A_96, %gather3A_92 : vector<16xi1>, vector<16xi32>
      %add3A_102 = arith.constant 0 : i32
      %add3A_103 = arith.addi %mul3A_58, %add3A_102 : i32
      %swap3A_104 = arith.index_cast %add3A_103 : i32 to index
      %swap3A_105 = tpu.vector_load %arg12[%swap3A_104] {strides = array<i32>} : memref<2048xi32, #tpu.memory_space<vmem>>, vector<16xi32>,
      tpu.vector_store %arg12[%swap3A_104], %select_n3A_101 {strides = array<i32>} : memref<2048xi32, #tpu.memory_space<vmem>>, vector<16xi32>,
      %add3A_106 = arith.constant 16 : i32
      %add3A_107 = arith.addi %mul3A_58, %add3A_106 : i32
      %get3A_108 = arith.index_cast %add3A_107 : i32 to index
      %get3A_109 = tpu.vector_load %arg12[%get3A_108] {strides = array<i32>} : memref<2048xi32, #tpu.memory_space<vmem>>, vector<16xi32>,
      %add3A_110 = arith.constant 15 : i32
      %add3A_111 = vector.broadcast %add3A_110 : i32 to vector<16xi32>
      %add3A_112 = arith.addi %add3A_80, %add3A_111 : vector<16xi32>
      %lt3A_113 = arith.cmpi slt, %add3A_112, %while3A_75#2 : vector<16xi32>
      %select_n3A_114 = arith.select %lt3A_113, %get3A_109, %gather3A_92 : vector<16xi1>, vector<16xi32>
      %add3A_115 = arith.constant 16 : i32
      %add3A_116 = arith.addi %mul3A_58, %add3A_115 : i32
      %swap3A_117 = arith.index_cast %add3A_116 : i32 to index
      %swap3A_118 = tpu.vector_load %arg12[%swap3A_117] {strides = array<i32>} : memref<2048xi32, #tpu.memory_space<vmem>>, vector<16xi32>,
      tpu.vector_store %arg12[%swap3A_117], %select_n3A_114 {strides = array<i32>} : memref<2048xi32, #tpu.memory_space<vmem>>, vector<16xi32>,
    }
    %scan3A_37 = arith.constant 64 : i32
    %mul3A_38 = arith.constant 1024 : i32
    %mul3A_39 = arith.muli %add3A, %mul3A_38 : i32
    "tpu.region"() ({
      %run_scoped3A = tpu.sem_alloc : memref<!tpu.dma_semaphore, #tpu.memory_space<semaphore_mem>>
      %dma_start3A = tpu.memref_slice %arg4[%mul3A_39] : memref<32768xi32, #tpu.memory_space<hbm>> -> memref<1024xi32, #tpu.memory_space<hbm>>
      %dma_start3A_42 = tpu.memref_slice %arg4[%mul3A_39] : memref<32768xi32, #tpu.memory_space<hbm>> -> memref<1024xi32, #tpu.memory_space<hbm>>
      tpu.enqueue_dma source(%arg11 : memref<1024xi32, #tpu.memory_space<vmem>>) target(%dma_start3A_42 : memref<1024xi32, #tpu.memory_space<hbm>>) target_semaphore(%run_scoped3A : memref<!tpu.dma_semaphore, #tpu.memory_space<semaphore_mem>>)
      %dma_wait3A = tpu.memref_slice %arg4[%mul3A_39] : memref<32768xi32, #tpu.memory_space<hbm>> -> memref<1024xi32, #tpu.memory_space<hbm>>
      %dma_wait3A_43 = tpu.memref_slice %arg4[%mul3A_39] : memref<32768xi32, #tpu.memory_space<hbm>> -> memref<1024xi32, #tpu.memory_space<hbm>>
      tpu.wait_dma2 semaphore(%run_scoped3A : memref<!tpu.dma_semaphore, #tpu.memory_space<semaphore_mem>>) src(%arg11 : memref<1024xi32, #tpu.memory_space<vmem>>) dst(%dma_wait3A_43 : memref<1024xi32, #tpu.memory_space<hbm>>)
      tpu.yield
    }) : () -> ()
    %mul3A_40 = arith.constant 2048 : i32
    %mul3A_41 = arith.muli %add3A, %mul3A_40 : i32
    "tpu.region"() ({
      %run_scoped3A = tpu.sem_alloc : memref<!tpu.dma_semaphore, #tpu.memory_space<semaphore_mem>>
      %dma_start3A = tpu.memref_slice %arg5[%mul3A_41] : memref<65536xi32, #tpu.memory_space<hbm>> -> memref<2048xi32, #tpu.memory_space<hbm>>
      %dma_start3A_42 = tpu.memref_slice %arg5[%mul3A_41] : memref<65536xi32, #tpu.memory_space<hbm>> -> memref<2048xi32, #tpu.memory_space<hbm>>
      tpu.enqueue_dma source(%arg12 : memref<2048xi32, #tpu.memory_space<vmem>>) target(%dma_start3A_42 : memref<2048xi32, #tpu.memory_space<hbm>>) target_semaphore(%run_scoped3A : memref<!tpu.dma_semaphore, #tpu.memory_space<semaphore_mem>>)
      %dma_wait3A = tpu.memref_slice %arg5[%mul3A_41] : memref<65536xi32, #tpu.memory_space<hbm>> -> memref<2048xi32, #tpu.memory_space<hbm>>
      %dma_wait3A_43 = tpu.memref_slice %arg5[%mul3A_41] : memref<65536xi32, #tpu.memory_space<hbm>> -> memref<2048xi32, #tpu.memory_space<hbm>>
      tpu.wait_dma2 semaphore(%run_scoped3A : memref<!tpu.dma_semaphore, #tpu.memory_space<semaphore_mem>>) src(%arg12 : memref<2048xi32, #tpu.memory_space<vmem>>) dst(%dma_wait3A_43 : memref<2048xi32, #tpu.memory_space<hbm>>)
      tpu.yield
    }) : () -> ()
    return
  }
}

#map = affine_map<(d0, d1) -> (0)>
#map1 = affine_map<(d0, d1) -> (0, 0)>
module attributes {stable_mosaic.version = 14 : i64} {
  func.func @k(%arg0: i32, %arg1: i32, %arg2: memref<32768xi32, #tpu.memory_space<hbm>>, %arg3: memref<65536xi32, #tpu.memory_space<hbm>>, %arg4: memref<16384x32xf32, #tpu.memory_space<hbm>>, %arg5: memref<16384x32xf32, #tpu.memory_space<hbm>>, %arg6: memref<32768x32xf32, #tpu.memory_space<hbm>>, %arg7: memref<65536x32xf32, #tpu.memory_space<hbm>>, %arg8: memref<1024xi32, #tpu.memory_space<vmem>>, %arg9: memref<2048xi32, #tpu.memory_space<vmem>>, %arg10: memref<2048x32xf32, #tpu.memory_space<vmem>>, %arg11: memref<!tpu.dma_semaphore, #tpu.memory_space<semaphore_mem>>) attributes {dimension_semantics = [#tpu.dimension_semantics<core_parallel>, #tpu.dimension_semantics<subcore_parallel>], iteration_bounds = array<i64: 2, 16>, scalar_prefetch = 0 : i64, scratch_operands = 4 : i64, tpu.core_type = #tpu.core_type<sc_vector_subcore>, window_params = [{transform_indices = #map}, {transform_indices = #map}, {transform_indices = #map1}, {transform_indices = #map1}, {transform_indices = #map1}, {transform_indices = #map1}]} {
    %mul3A = arith.constant 16 : i32
    %mul3A_0 = arith.muli %arg0, %mul3A : i32
    %add3A = arith.addi %mul3A_0, %arg1 : i32
    %mul3A_1 = arith.constant 1024 : i32
    %mul3A_2 = arith.muli %add3A, %mul3A_1 : i32
    "tpu.region"() ({
      %run_scoped3A = tpu.sem_alloc : memref<!tpu.dma_semaphore, #tpu.memory_space<semaphore_mem>>
      %dma_start3A_391 = tpu.memref_slice %arg2[%mul3A_2] : memref<32768xi32, #tpu.memory_space<hbm>> -> memref<1024xi32, #tpu.memory_space<hbm>>
      %dma_start3A_392 = tpu.memref_slice %arg2[%mul3A_2] : memref<32768xi32, #tpu.memory_space<hbm>> -> memref<1024xi32, #tpu.memory_space<hbm>>
      tpu.enqueue_dma source(%dma_start3A_392 : memref<1024xi32, #tpu.memory_space<hbm>>) target(%arg8 : memref<1024xi32, #tpu.memory_space<vmem>>) target_semaphore(%run_scoped3A : memref<!tpu.dma_semaphore, #tpu.memory_space<semaphore_mem>>)
      %dma_wait3A_393 = tpu.memref_slice %arg2[%mul3A_2] : memref<32768xi32, #tpu.memory_space<hbm>> -> memref<1024xi32, #tpu.memory_space<hbm>>
      %dma_wait3A_394 = tpu.memref_slice %arg2[%mul3A_2] : memref<32768xi32, #tpu.memory_space<hbm>> -> memref<1024xi32, #tpu.memory_space<hbm>>
      tpu.wait_dma2 semaphore(%run_scoped3A : memref<!tpu.dma_semaphore, #tpu.memory_space<semaphore_mem>>) src(%dma_wait3A_394 : memref<1024xi32, #tpu.memory_space<hbm>>) dst(%arg8 : memref<1024xi32, #tpu.memory_space<vmem>>)
      tpu.yield
    }) : () -> ()
    %mul3A_3 = arith.constant 2048 : i32
    %mul3A_4 = arith.muli %add3A, %mul3A_3 : i32
    "tpu.region"() ({
      %run_scoped3A = tpu.sem_alloc : memref<!tpu.dma_semaphore, #tpu.memory_space<semaphore_mem>>
      %dma_start3A_391 = tpu.memref_slice %arg3[%mul3A_4] : memref<65536xi32, #tpu.memory_space<hbm>> -> memref<2048xi32, #tpu.memory_space<hbm>>
      %dma_start3A_392 = tpu.memref_slice %arg3[%mul3A_4] : memref<65536xi32, #tpu.memory_space<hbm>> -> memref<2048xi32, #tpu.memory_space<hbm>>
      tpu.enqueue_dma source(%dma_start3A_392 : memref<2048xi32, #tpu.memory_space<hbm>>) target(%arg9 : memref<2048xi32, #tpu.memory_space<vmem>>) target_semaphore(%run_scoped3A : memref<!tpu.dma_semaphore, #tpu.memory_space<semaphore_mem>>)
      %dma_wait3A_393 = tpu.memref_slice %arg3[%mul3A_4] : memref<65536xi32, #tpu.memory_space<hbm>> -> memref<2048xi32, #tpu.memory_space<hbm>>
      %dma_wait3A_394 = tpu.memref_slice %arg3[%mul3A_4] : memref<65536xi32, #tpu.memory_space<hbm>> -> memref<2048xi32, #tpu.memory_space<hbm>>
      tpu.wait_dma2 semaphore(%run_scoped3A : memref<!tpu.dma_semaphore, #tpu.memory_space<semaphore_mem>>) src(%dma_wait3A_394 : memref<2048xi32, #tpu.memory_space<hbm>>) dst(%arg9 : memref<2048xi32, #tpu.memory_space<vmem>>)
      tpu.yield
    }) : () -> ()
    %dma_start3A = arith.constant 0 : i32
    %dma_start3A_5 = arith.constant 0 : i32
    %dma_start3A_6 = tpu.memref_slice %arg10[%dma_start3A, %dma_start3A_5] : memref<2048x32xf32, #tpu.memory_space<vmem>> -> memref<128x32xf32, #tpu.memory_space<vmem>>
    %dma_start3A_7 = arith.constant 0 : i32
    %dma_start3A_8 = tpu.memref_slice %arg9[%dma_start3A_7] : memref<2048xi32, #tpu.memory_space<vmem>> -> memref<128xi32, #tpu.memory_space<vmem>>
    %dma_start3A_9 = arith.constant 0 : i32
    %dma_start3A_10 = arith.constant 0 : i32
    %dma_start3A_11 = tpu.memref_slice %arg5[%dma_start3A_9, %dma_start3A_10] : memref<16384x32xf32, #tpu.memory_space<hbm>> -> memref<16384x32xf32, #tpu.memory_space<hbm>>
    tpu.enqueue_indirect_dma source(%dma_start3A_11 : memref<16384x32xf32, #tpu.memory_space<hbm>>) target(%dma_start3A_6 : memref<128x32xf32, #tpu.memory_space<vmem>>) offsets(%dma_start3A_8 : memref<128xi32, #tpu.memory_space<vmem>>) semaphore(%arg11 : memref<!tpu.dma_semaphore, #tpu.memory_space<semaphore_mem>>)
    %dma_start3A_12 = arith.constant 128 : i32
    %dma_start3A_13 = arith.constant 0 : i32
    %dma_start3A_14 = tpu.memref_slice %arg10[%dma_start3A_12, %dma_start3A_13] : memref<2048x32xf32, #tpu.memory_space<vmem>> -> memref<128x32xf32, #tpu.memory_space<vmem>>
    %dma_start3A_15 = arith.constant 128 : i32
    %dma_start3A_16 = tpu.memref_slice %arg9[%dma_start3A_15] : memref<2048xi32, #tpu.memory_space<vmem>> -> memref<128xi32, #tpu.memory_space<vmem>>
    %dma_start3A_17 = arith.constant 0 : i32
    %dma_start3A_18 = arith.constant 0 : i32
    %dma_start3A_19 = tpu.memref_slice %arg5[%dma_start3A_17, %dma_start3A_18] : memref<16384x32xf32, #tpu.memory_space<hbm>> -> memref<16384x32xf32, #tpu.memory_space<hbm>>
    tpu.enqueue_indirect_dma source(%dma_start3A_19 : memref<16384x32xf32, #tpu.memory_space<hbm>>) target(%dma_start3A_14 : memref<128x32xf32, #tpu.memory_space<vmem>>) offsets(%dma_start3A_16 : memref<128xi32, #tpu.memory_space<vmem>>) semaphore(%arg11 : memref<!tpu.dma_semaphore, #tpu.memory_space<semaphore_mem>>)
    %dma_start3A_20 = arith.constant 256 : i32
    %dma_start3A_21 = arith.constant 0 : i32
    %dma_start3A_22 = tpu.memref_slice %arg10[%dma_start3A_20, %dma_start3A_21] : memref<2048x32xf32, #tpu.memory_space<vmem>> -> memref<128x32xf32, #tpu.memory_space<vmem>>
    %dma_start3A_23 = arith.constant 256 : i32
    %dma_start3A_24 = tpu.memref_slice %arg9[%dma_start3A_23] : memref<2048xi32, #tpu.memory_space<vmem>> -> memref<128xi32, #tpu.memory_space<vmem>>
    %dma_start3A_25 = arith.constant 0 : i32
    %dma_start3A_26 = arith.constant 0 : i32
    %dma_start3A_27 = tpu.memref_slice %arg5[%dma_start3A_25, %dma_start3A_26] : memref<16384x32xf32, #tpu.memory_space<hbm>> -> memref<16384x32xf32, #tpu.memory_space<hbm>>
    tpu.enqueue_indirect_dma source(%dma_start3A_27 : memref<16384x32xf32, #tpu.memory_space<hbm>>) target(%dma_start3A_22 : memref<128x32xf32, #tpu.memory_space<vmem>>) offsets(%dma_start3A_24 : memref<128xi32, #tpu.memory_space<vmem>>) semaphore(%arg11 : memref<!tpu.dma_semaphore, #tpu.memory_space<semaphore_mem>>)
    %dma_start3A_28 = arith.constant 384 : i32
    %dma_start3A_29 = arith.constant 0 : i32
    %dma_start3A_30 = tpu.memref_slice %arg10[%dma_start3A_28, %dma_start3A_29] : memref<2048x32xf32, #tpu.memory_space<vmem>> -> memref<128x32xf32, #tpu.memory_space<vmem>>
    %dma_start3A_31 = arith.constant 384 : i32
    %dma_start3A_32 = tpu.memref_slice %arg9[%dma_start3A_31] : memref<2048xi32, #tpu.memory_space<vmem>> -> memref<128xi32, #tpu.memory_space<vmem>>
    %dma_start3A_33 = arith.constant 0 : i32
    %dma_start3A_34 = arith.constant 0 : i32
    %dma_start3A_35 = tpu.memref_slice %arg5[%dma_start3A_33, %dma_start3A_34] : memref<16384x32xf32, #tpu.memory_space<hbm>> -> memref<16384x32xf32, #tpu.memory_space<hbm>>
    tpu.enqueue_indirect_dma source(%dma_start3A_35 : memref<16384x32xf32, #tpu.memory_space<hbm>>) target(%dma_start3A_30 : memref<128x32xf32, #tpu.memory_space<vmem>>) offsets(%dma_start3A_32 : memref<128xi32, #tpu.memory_space<vmem>>) semaphore(%arg11 : memref<!tpu.dma_semaphore, #tpu.memory_space<semaphore_mem>>)
    %dma_start3A_36 = arith.constant 512 : i32
    %dma_start3A_37 = arith.constant 0 : i32
    %dma_start3A_38 = tpu.memref_slice %arg10[%dma_start3A_36, %dma_start3A_37] : memref<2048x32xf32, #tpu.memory_space<vmem>> -> memref<128x32xf32, #tpu.memory_space<vmem>>
    %dma_start3A_39 = arith.constant 512 : i32
    %dma_start3A_40 = tpu.memref_slice %arg9[%dma_start3A_39] : memref<2048xi32, #tpu.memory_space<vmem>> -> memref<128xi32, #tpu.memory_space<vmem>>
    %dma_start3A_41 = arith.constant 0 : i32
    %dma_start3A_42 = arith.constant 0 : i32
    %dma_start3A_43 = tpu.memref_slice %arg5[%dma_start3A_41, %dma_start3A_42] : memref<16384x32xf32, #tpu.memory_space<hbm>> -> memref<16384x32xf32, #tpu.memory_space<hbm>>
    tpu.enqueue_indirect_dma source(%dma_start3A_43 : memref<16384x32xf32, #tpu.memory_space<hbm>>) target(%dma_start3A_38 : memref<128x32xf32, #tpu.memory_space<vmem>>) offsets(%dma_start3A_40 : memref<128xi32, #tpu.memory_space<vmem>>) semaphore(%arg11 : memref<!tpu.dma_semaphore, #tpu.memory_space<semaphore_mem>>)
    %dma_start3A_44 = arith.constant 640 : i32
    %dma_start3A_45 = arith.constant 0 : i32
    %dma_start3A_46 = tpu.memref_slice %arg10[%dma_start3A_44, %dma_start3A_45] : memref<2048x32xf32, #tpu.memory_space<vmem>> -> memref<128x32xf32, #tpu.memory_space<vmem>>
    %dma_start3A_47 = arith.constant 640 : i32
    %dma_start3A_48 = tpu.memref_slice %arg9[%dma_start3A_47] : memref<2048xi32, #tpu.memory_space<vmem>> -> memref<128xi32, #tpu.memory_space<vmem>>
    %dma_start3A_49 = arith.constant 0 : i32
    %dma_start3A_50 = arith.constant 0 : i32
    %dma_start3A_51 = tpu.memref_slice %arg5[%dma_start3A_49, %dma_start3A_50] : memref<16384x32xf32, #tpu.memory_space<hbm>> -> memref<16384x32xf32, #tpu.memory_space<hbm>>
    tpu.enqueue_indirect_dma source(%dma_start3A_51 : memref<16384x32xf32, #tpu.memory_space<hbm>>) target(%dma_start3A_46 : memref<128x32xf32, #tpu.memory_space<vmem>>) offsets(%dma_start3A_48 : memref<128xi32, #tpu.memory_space<vmem>>) semaphore(%arg11 : memref<!tpu.dma_semaphore, #tpu.memory_space<semaphore_mem>>)
    %dma_start3A_52 = arith.constant 768 : i32
    %dma_start3A_53 = arith.constant 0 : i32
    %dma_start3A_54 = tpu.memref_slice %arg10[%dma_start3A_52, %dma_start3A_53] : memref<2048x32xf32, #tpu.memory_space<vmem>> -> memref<128x32xf32, #tpu.memory_space<vmem>>
    %dma_start3A_55 = arith.constant 768 : i32
    %dma_start3A_56 = tpu.memref_slice %arg9[%dma_start3A_55] : memref<2048xi32, #tpu.memory_space<vmem>> -> memref<128xi32, #tpu.memory_space<vmem>>
    %dma_start3A_57 = arith.constant 0 : i32
    %dma_start3A_58 = arith.constant 0 : i32
    %dma_start3A_59 = tpu.memref_slice %arg5[%dma_start3A_57, %dma_start3A_58] : memref<16384x32xf32, #tpu.memory_space<hbm>> -> memref<16384x32xf32, #tpu.memory_space<hbm>>
    tpu.enqueue_indirect_dma source(%dma_start3A_59 : memref<16384x32xf32, #tpu.memory_space<hbm>>) target(%dma_start3A_54 : memref<128x32xf32, #tpu.memory_space<vmem>>) offsets(%dma_start3A_56 : memref<128xi32, #tpu.memory_space<vmem>>) semaphore(%arg11 : memref<!tpu.dma_semaphore, #tpu.memory_space<semaphore_mem>>)
    %dma_start3A_60 = arith.constant 896 : i32
    %dma_start3A_61 = arith.constant 0 : i32
    %dma_start3A_62 = tpu.memref_slice %arg10[%dma_start3A_60, %dma_start3A_61] : memref<2048x32xf32, #tpu.memory_space<vmem>> -> memref<128x32xf32, #tpu.memory_space<vmem>>
    %dma_start3A_63 = arith.constant 896 : i32
    %dma_start3A_64 = tpu.memref_slice %arg9[%dma_start3A_63] : memref<2048xi32, #tpu.memory_space<vmem>> -> memref<128xi32, #tpu.memory_space<vmem>>
    %dma_start3A_65 = arith.constant 0 : i32
    %dma_start3A_66 = arith.constant 0 : i32
    %dma_start3A_67 = tpu.memref_slice %arg5[%dma_start3A_65, %dma_start3A_66] : memref<16384x32xf32, #tpu.memory_space<hbm>> -> memref<16384x32xf32, #tpu.memory_space<hbm>>
    tpu.enqueue_indirect_dma source(%dma_start3A_67 : memref<16384x32xf32, #tpu.memory_space<hbm>>) target(%dma_start3A_62 : memref<128x32xf32, #tpu.memory_space<vmem>>) offsets(%dma_start3A_64 : memref<128xi32, #tpu.memory_space<vmem>>) semaphore(%arg11 : memref<!tpu.dma_semaphore, #tpu.memory_space<semaphore_mem>>)
    %dma_start3A_68 = arith.constant 1024 : i32
    %dma_start3A_69 = arith.constant 0 : i32
    %dma_start3A_70 = tpu.memref_slice %arg10[%dma_start3A_68, %dma_start3A_69] : memref<2048x32xf32, #tpu.memory_space<vmem>> -> memref<128x32xf32, #tpu.memory_space<vmem>>
    %dma_start3A_71 = arith.constant 1024 : i32
    %dma_start3A_72 = tpu.memref_slice %arg9[%dma_start3A_71] : memref<2048xi32, #tpu.memory_space<vmem>> -> memref<128xi32, #tpu.memory_space<vmem>>
    %dma_start3A_73 = arith.constant 0 : i32
    %dma_start3A_74 = arith.constant 0 : i32
    %dma_start3A_75 = tpu.memref_slice %arg5[%dma_start3A_73, %dma_start3A_74] : memref<16384x32xf32, #tpu.memory_space<hbm>> -> memref<16384x32xf32, #tpu.memory_space<hbm>>
    tpu.enqueue_indirect_dma source(%dma_start3A_75 : memref<16384x32xf32, #tpu.memory_space<hbm>>) target(%dma_start3A_70 : memref<128x32xf32, #tpu.memory_space<vmem>>) offsets(%dma_start3A_72 : memref<128xi32, #tpu.memory_space<vmem>>) semaphore(%arg11 : memref<!tpu.dma_semaphore, #tpu.memory_space<semaphore_mem>>)
    %dma_start3A_76 = arith.constant 1152 : i32
    %dma_start3A_77 = arith.constant 0 : i32
    %dma_start3A_78 = tpu.memref_slice %arg10[%dma_start3A_76, %dma_start3A_77] : memref<2048x32xf32, #tpu.memory_space<vmem>> -> memref<128x32xf32, #tpu.memory_space<vmem>>
    %dma_start3A_79 = arith.constant 1152 : i32
    %dma_start3A_80 = tpu.memref_slice %arg9[%dma_start3A_79] : memref<2048xi32, #tpu.memory_space<vmem>> -> memref<128xi32, #tpu.memory_space<vmem>>
    %dma_start3A_81 = arith.constant 0 : i32
    %dma_start3A_82 = arith.constant 0 : i32
    %dma_start3A_83 = tpu.memref_slice %arg5[%dma_start3A_81, %dma_start3A_82] : memref<16384x32xf32, #tpu.memory_space<hbm>> -> memref<16384x32xf32, #tpu.memory_space<hbm>>
    tpu.enqueue_indirect_dma source(%dma_start3A_83 : memref<16384x32xf32, #tpu.memory_space<hbm>>) target(%dma_start3A_78 : memref<128x32xf32, #tpu.memory_space<vmem>>) offsets(%dma_start3A_80 : memref<128xi32, #tpu.memory_space<vmem>>) semaphore(%arg11 : memref<!tpu.dma_semaphore, #tpu.memory_space<semaphore_mem>>)
    %dma_start3A_84 = arith.constant 1280 : i32
    %dma_start3A_85 = arith.constant 0 : i32
    %dma_start3A_86 = tpu.memref_slice %arg10[%dma_start3A_84, %dma_start3A_85] : memref<2048x32xf32, #tpu.memory_space<vmem>> -> memref<128x32xf32, #tpu.memory_space<vmem>>
    %dma_start3A_87 = arith.constant 1280 : i32
    %dma_start3A_88 = tpu.memref_slice %arg9[%dma_start3A_87] : memref<2048xi32, #tpu.memory_space<vmem>> -> memref<128xi32, #tpu.memory_space<vmem>>
    %dma_start3A_89 = arith.constant 0 : i32
    %dma_start3A_90 = arith.constant 0 : i32
    %dma_start3A_91 = tpu.memref_slice %arg5[%dma_start3A_89, %dma_start3A_90] : memref<16384x32xf32, #tpu.memory_space<hbm>> -> memref<16384x32xf32, #tpu.memory_space<hbm>>
    tpu.enqueue_indirect_dma source(%dma_start3A_91 : memref<16384x32xf32, #tpu.memory_space<hbm>>) target(%dma_start3A_86 : memref<128x32xf32, #tpu.memory_space<vmem>>) offsets(%dma_start3A_88 : memref<128xi32, #tpu.memory_space<vmem>>) semaphore(%arg11 : memref<!tpu.dma_semaphore, #tpu.memory_space<semaphore_mem>>)
    %dma_start3A_92 = arith.constant 1408 : i32
    %dma_start3A_93 = arith.constant 0 : i32
    %dma_start3A_94 = tpu.memref_slice %arg10[%dma_start3A_92, %dma_start3A_93] : memref<2048x32xf32, #tpu.memory_space<vmem>> -> memref<128x32xf32, #tpu.memory_space<vmem>>
    %dma_start3A_95 = arith.constant 1408 : i32
    %dma_start3A_96 = tpu.memref_slice %arg9[%dma_start3A_95] : memref<2048xi32, #tpu.memory_space<vmem>> -> memref<128xi32, #tpu.memory_space<vmem>>
    %dma_start3A_97 = arith.constant 0 : i32
    %dma_start3A_98 = arith.constant 0 : i32
    %dma_start3A_99 = tpu.memref_slice %arg5[%dma_start3A_97, %dma_start3A_98] : memref<16384x32xf32, #tpu.memory_space<hbm>> -> memref<16384x32xf32, #tpu.memory_space<hbm>>
    tpu.enqueue_indirect_dma source(%dma_start3A_99 : memref<16384x32xf32, #tpu.memory_space<hbm>>) target(%dma_start3A_94 : memref<128x32xf32, #tpu.memory_space<vmem>>) offsets(%dma_start3A_96 : memref<128xi32, #tpu.memory_space<vmem>>) semaphore(%arg11 : memref<!tpu.dma_semaphore, #tpu.memory_space<semaphore_mem>>)
    %dma_start3A_100 = arith.constant 1536 : i32
    %dma_start3A_101 = arith.constant 0 : i32
    %dma_start3A_102 = tpu.memref_slice %arg10[%dma_start3A_100, %dma_start3A_101] : memref<2048x32xf32, #tpu.memory_space<vmem>> -> memref<128x32xf32, #tpu.memory_space<vmem>>
    %dma_start3A_103 = arith.constant 1536 : i32
    %dma_start3A_104 = tpu.memref_slice %arg9[%dma_start3A_103] : memref<2048xi32, #tpu.memory_space<vmem>> -> memref<128xi32, #tpu.memory_space<vmem>>
    %dma_start3A_105 = arith.constant 0 : i32
    %dma_start3A_106 = arith.constant 0 : i32
    %dma_start3A_107 = tpu.memref_slice %arg5[%dma_start3A_105, %dma_start3A_106] : memref<16384x32xf32, #tpu.memory_space<hbm>> -> memref<16384x32xf32, #tpu.memory_space<hbm>>
    tpu.enqueue_indirect_dma source(%dma_start3A_107 : memref<16384x32xf32, #tpu.memory_space<hbm>>) target(%dma_start3A_102 : memref<128x32xf32, #tpu.memory_space<vmem>>) offsets(%dma_start3A_104 : memref<128xi32, #tpu.memory_space<vmem>>) semaphore(%arg11 : memref<!tpu.dma_semaphore, #tpu.memory_space<semaphore_mem>>)
    %dma_start3A_108 = arith.constant 1664 : i32
    %dma_start3A_109 = arith.constant 0 : i32
    %dma_start3A_110 = tpu.memref_slice %arg10[%dma_start3A_108, %dma_start3A_109] : memref<2048x32xf32, #tpu.memory_space<vmem>> -> memref<128x32xf32, #tpu.memory_space<vmem>>
    %dma_start3A_111 = arith.constant 1664 : i32
    %dma_start3A_112 = tpu.memref_slice %arg9[%dma_start3A_111] : memref<2048xi32, #tpu.memory_space<vmem>> -> memref<128xi32, #tpu.memory_space<vmem>>
    %dma_start3A_113 = arith.constant 0 : i32
    %dma_start3A_114 = arith.constant 0 : i32
    %dma_start3A_115 = tpu.memref_slice %arg5[%dma_start3A_113, %dma_start3A_114] : memref<16384x32xf32, #tpu.memory_space<hbm>> -> memref<16384x32xf32, #tpu.memory_space<hbm>>
    tpu.enqueue_indirect_dma source(%dma_start3A_115 : memref<16384x32xf32, #tpu.memory_space<hbm>>) target(%dma_start3A_110 : memref<128x32xf32, #tpu.memory_space<vmem>>) offsets(%dma_start3A_112 : memref<128xi32, #tpu.memory_space<vmem>>) semaphore(%arg11 : memref<!tpu.dma_semaphore, #tpu.memory_space<semaphore_mem>>)
    %dma_start3A_116 = arith.constant 1792 : i32
    %dma_start3A_117 = arith.constant 0 : i32
    %dma_start3A_118 = tpu.memref_slice %arg10[%dma_start3A_116, %dma_start3A_117] : memref<2048x32xf32, #tpu.memory_space<vmem>> -> memref<128x32xf32, #tpu.memory_space<vmem>>
    %dma_start3A_119 = arith.constant 1792 : i32
    %dma_start3A_120 = tpu.memref_slice %arg9[%dma_start3A_119] : memref<2048xi32, #tpu.memory_space<vmem>> -> memref<128xi32, #tpu.memory_space<vmem>>
    %dma_start3A_121 = arith.constant 0 : i32
    %dma_start3A_122 = arith.constant 0 : i32
    %dma_start3A_123 = tpu.memref_slice %arg5[%dma_start3A_121, %dma_start3A_122] : memref<16384x32xf32, #tpu.memory_space<hbm>> -> memref<16384x32xf32, #tpu.memory_space<hbm>>
    tpu.enqueue_indirect_dma source(%dma_start3A_123 : memref<16384x32xf32, #tpu.memory_space<hbm>>) target(%dma_start3A_118 : memref<128x32xf32, #tpu.memory_space<vmem>>) offsets(%dma_start3A_120 : memref<128xi32, #tpu.memory_space<vmem>>) semaphore(%arg11 : memref<!tpu.dma_semaphore, #tpu.memory_space<semaphore_mem>>)
    %dma_start3A_124 = arith.constant 1920 : i32
    %dma_start3A_125 = arith.constant 0 : i32
    %dma_start3A_126 = tpu.memref_slice %arg10[%dma_start3A_124, %dma_start3A_125] : memref<2048x32xf32, #tpu.memory_space<vmem>> -> memref<128x32xf32, #tpu.memory_space<vmem>>
    %dma_start3A_127 = arith.constant 1920 : i32
    %dma_start3A_128 = tpu.memref_slice %arg9[%dma_start3A_127] : memref<2048xi32, #tpu.memory_space<vmem>> -> memref<128xi32, #tpu.memory_space<vmem>>
    %dma_start3A_129 = arith.constant 0 : i32
    %dma_start3A_130 = arith.constant 0 : i32
    %dma_start3A_131 = tpu.memref_slice %arg5[%dma_start3A_129, %dma_start3A_130] : memref<16384x32xf32, #tpu.memory_space<hbm>> -> memref<16384x32xf32, #tpu.memory_space<hbm>>
    tpu.enqueue_indirect_dma source(%dma_start3A_131 : memref<16384x32xf32, #tpu.memory_space<hbm>>) target(%dma_start3A_126 : memref<128x32xf32, #tpu.memory_space<vmem>>) offsets(%dma_start3A_128 : memref<128xi32, #tpu.memory_space<vmem>>) semaphore(%arg11 : memref<!tpu.dma_semaphore, #tpu.memory_space<semaphore_mem>>)
    %dma_wait3A = arith.constant 0 : i32
    %dma_wait3A_132 = arith.constant 0 : i32
    %dma_wait3A_133 = tpu.memref_slice %arg10[%dma_wait3A, %dma_wait3A_132] : memref<2048x32xf32, #tpu.memory_space<vmem>> -> memref<128x32xf32, #tpu.memory_space<vmem>>
    %dma_wait3A_134 = arith.constant 0 : i32
    %dma_wait3A_135 = tpu.memref_slice %arg9[%dma_wait3A_134] : memref<2048xi32, #tpu.memory_space<vmem>> -> memref<128xi32, #tpu.memory_space<vmem>>
    %dma_wait3A_136 = arith.constant 0 : i32
    %dma_wait3A_137 = arith.constant 0 : i32
    %dma_wait3A_138 = tpu.memref_slice %arg5[%dma_wait3A_136, %dma_wait3A_137] : memref<16384x32xf32, #tpu.memory_space<hbm>> -> memref<16384x32xf32, #tpu.memory_space<hbm>>
    tpu.wait_indirect_dma semaphore(%arg11 : memref<!tpu.dma_semaphore, #tpu.memory_space<semaphore_mem>>) src(%dma_wait3A_138 : memref<16384x32xf32, #tpu.memory_space<hbm>>) dst(%dma_wait3A_133 : memref<128x32xf32, #tpu.memory_space<vmem>>)
    %dma_wait3A_139 = arith.constant 128 : i32
    %dma_wait3A_140 = arith.constant 0 : i32
    %dma_wait3A_141 = tpu.memref_slice %arg10[%dma_wait3A_139, %dma_wait3A_140] : memref<2048x32xf32, #tpu.memory_space<vmem>> -> memref<128x32xf32, #tpu.memory_space<vmem>>
    %dma_wait3A_142 = arith.constant 128 : i32
    %dma_wait3A_143 = tpu.memref_slice %arg9[%dma_wait3A_142] : memref<2048xi32, #tpu.memory_space<vmem>> -> memref<128xi32, #tpu.memory_space<vmem>>
    %dma_wait3A_144 = arith.constant 0 : i32
    %dma_wait3A_145 = arith.constant 0 : i32
    %dma_wait3A_146 = tpu.memref_slice %arg5[%dma_wait3A_144, %dma_wait3A_145] : memref<16384x32xf32, #tpu.memory_space<hbm>> -> memref<16384x32xf32, #tpu.memory_space<hbm>>
    tpu.wait_indirect_dma semaphore(%arg11 : memref<!tpu.dma_semaphore, #tpu.memory_space<semaphore_mem>>) src(%dma_wait3A_146 : memref<16384x32xf32, #tpu.memory_space<hbm>>) dst(%dma_wait3A_141 : memref<128x32xf32, #tpu.memory_space<vmem>>)
    %dma_wait3A_147 = arith.constant 256 : i32
    %dma_wait3A_148 = arith.constant 0 : i32
    %dma_wait3A_149 = tpu.memref_slice %arg10[%dma_wait3A_147, %dma_wait3A_148] : memref<2048x32xf32, #tpu.memory_space<vmem>> -> memref<128x32xf32, #tpu.memory_space<vmem>>
    %dma_wait3A_150 = arith.constant 256 : i32
    %dma_wait3A_151 = tpu.memref_slice %arg9[%dma_wait3A_150] : memref<2048xi32, #tpu.memory_space<vmem>> -> memref<128xi32, #tpu.memory_space<vmem>>
    %dma_wait3A_152 = arith.constant 0 : i32
    %dma_wait3A_153 = arith.constant 0 : i32
    %dma_wait3A_154 = tpu.memref_slice %arg5[%dma_wait3A_152, %dma_wait3A_153] : memref<16384x32xf32, #tpu.memory_space<hbm>> -> memref<16384x32xf32, #tpu.memory_space<hbm>>
    tpu.wait_indirect_dma semaphore(%arg11 : memref<!tpu.dma_semaphore, #tpu.memory_space<semaphore_mem>>) src(%dma_wait3A_154 : memref<16384x32xf32, #tpu.memory_space<hbm>>) dst(%dma_wait3A_149 : memref<128x32xf32, #tpu.memory_space<vmem>>)
    %dma_wait3A_155 = arith.constant 384 : i32
    %dma_wait3A_156 = arith.constant 0 : i32
    %dma_wait3A_157 = tpu.memref_slice %arg10[%dma_wait3A_155, %dma_wait3A_156] : memref<2048x32xf32, #tpu.memory_space<vmem>> -> memref<128x32xf32, #tpu.memory_space<vmem>>
    %dma_wait3A_158 = arith.constant 384 : i32
    %dma_wait3A_159 = tpu.memref_slice %arg9[%dma_wait3A_158] : memref<2048xi32, #tpu.memory_space<vmem>> -> memref<128xi32, #tpu.memory_space<vmem>>
    %dma_wait3A_160 = arith.constant 0 : i32
    %dma_wait3A_161 = arith.constant 0 : i32
    %dma_wait3A_162 = tpu.memref_slice %arg5[%dma_wait3A_160, %dma_wait3A_161] : memref<16384x32xf32, #tpu.memory_space<hbm>> -> memref<16384x32xf32, #tpu.memory_space<hbm>>
    tpu.wait_indirect_dma semaphore(%arg11 : memref<!tpu.dma_semaphore, #tpu.memory_space<semaphore_mem>>) src(%dma_wait3A_162 : memref<16384x32xf32, #tpu.memory_space<hbm>>) dst(%dma_wait3A_157 : memref<128x32xf32, #tpu.memory_space<vmem>>)
    %dma_wait3A_163 = arith.constant 512 : i32
    %dma_wait3A_164 = arith.constant 0 : i32
    %dma_wait3A_165 = tpu.memref_slice %arg10[%dma_wait3A_163, %dma_wait3A_164] : memref<2048x32xf32, #tpu.memory_space<vmem>> -> memref<128x32xf32, #tpu.memory_space<vmem>>
    %dma_wait3A_166 = arith.constant 512 : i32
    %dma_wait3A_167 = tpu.memref_slice %arg9[%dma_wait3A_166] : memref<2048xi32, #tpu.memory_space<vmem>> -> memref<128xi32, #tpu.memory_space<vmem>>
    %dma_wait3A_168 = arith.constant 0 : i32
    %dma_wait3A_169 = arith.constant 0 : i32
    %dma_wait3A_170 = tpu.memref_slice %arg5[%dma_wait3A_168, %dma_wait3A_169] : memref<16384x32xf32, #tpu.memory_space<hbm>> -> memref<16384x32xf32, #tpu.memory_space<hbm>>
    tpu.wait_indirect_dma semaphore(%arg11 : memref<!tpu.dma_semaphore, #tpu.memory_space<semaphore_mem>>) src(%dma_wait3A_170 : memref<16384x32xf32, #tpu.memory_space<hbm>>) dst(%dma_wait3A_165 : memref<128x32xf32, #tpu.memory_space<vmem>>)
    %dma_wait3A_171 = arith.constant 640 : i32
    %dma_wait3A_172 = arith.constant 0 : i32
    %dma_wait3A_173 = tpu.memref_slice %arg10[%dma_wait3A_171, %dma_wait3A_172] : memref<2048x32xf32, #tpu.memory_space<vmem>> -> memref<128x32xf32, #tpu.memory_space<vmem>>
    %dma_wait3A_174 = arith.constant 640 : i32
    %dma_wait3A_175 = tpu.memref_slice %arg9[%dma_wait3A_174] : memref<2048xi32, #tpu.memory_space<vmem>> -> memref<128xi32, #tpu.memory_space<vmem>>
    %dma_wait3A_176 = arith.constant 0 : i32
    %dma_wait3A_177 = arith.constant 0 : i32
    %dma_wait3A_178 = tpu.memref_slice %arg5[%dma_wait3A_176, %dma_wait3A_177] : memref<16384x32xf32, #tpu.memory_space<hbm>> -> memref<16384x32xf32, #tpu.memory_space<hbm>>
    tpu.wait_indirect_dma semaphore(%arg11 : memref<!tpu.dma_semaphore, #tpu.memory_space<semaphore_mem>>) src(%dma_wait3A_178 : memref<16384x32xf32, #tpu.memory_space<hbm>>) dst(%dma_wait3A_173 : memref<128x32xf32, #tpu.memory_space<vmem>>)
    %dma_wait3A_179 = arith.constant 768 : i32
    %dma_wait3A_180 = arith.constant 0 : i32
    %dma_wait3A_181 = tpu.memref_slice %arg10[%dma_wait3A_179, %dma_wait3A_180] : memref<2048x32xf32, #tpu.memory_space<vmem>> -> memref<128x32xf32, #tpu.memory_space<vmem>>
    %dma_wait3A_182 = arith.constant 768 : i32
    %dma_wait3A_183 = tpu.memref_slice %arg9[%dma_wait3A_182] : memref<2048xi32, #tpu.memory_space<vmem>> -> memref<128xi32, #tpu.memory_space<vmem>>
    %dma_wait3A_184 = arith.constant 0 : i32
    %dma_wait3A_185 = arith.constant 0 : i32
    %dma_wait3A_186 = tpu.memref_slice %arg5[%dma_wait3A_184, %dma_wait3A_185] : memref<16384x32xf32, #tpu.memory_space<hbm>> -> memref<16384x32xf32, #tpu.memory_space<hbm>>
    tpu.wait_indirect_dma semaphore(%arg11 : memref<!tpu.dma_semaphore, #tpu.memory_space<semaphore_mem>>) src(%dma_wait3A_186 : memref<16384x32xf32, #tpu.memory_space<hbm>>) dst(%dma_wait3A_181 : memref<128x32xf32, #tpu.memory_space<vmem>>)
    %dma_wait3A_187 = arith.constant 896 : i32
    %dma_wait3A_188 = arith.constant 0 : i32
    %dma_wait3A_189 = tpu.memref_slice %arg10[%dma_wait3A_187, %dma_wait3A_188] : memref<2048x32xf32, #tpu.memory_space<vmem>> -> memref<128x32xf32, #tpu.memory_space<vmem>>
    %dma_wait3A_190 = arith.constant 896 : i32
    %dma_wait3A_191 = tpu.memref_slice %arg9[%dma_wait3A_190] : memref<2048xi32, #tpu.memory_space<vmem>> -> memref<128xi32, #tpu.memory_space<vmem>>
    %dma_wait3A_192 = arith.constant 0 : i32
    %dma_wait3A_193 = arith.constant 0 : i32
    %dma_wait3A_194 = tpu.memref_slice %arg5[%dma_wait3A_192, %dma_wait3A_193] : memref<16384x32xf32, #tpu.memory_space<hbm>> -> memref<16384x32xf32, #tpu.memory_space<hbm>>
    tpu.wait_indirect_dma semaphore(%arg11 : memref<!tpu.dma_semaphore, #tpu.memory_space<semaphore_mem>>) src(%dma_wait3A_194 : memref<16384x32xf32, #tpu.memory_space<hbm>>) dst(%dma_wait3A_189 : memref<128x32xf32, #tpu.memory_space<vmem>>)
    %dma_wait3A_195 = arith.constant 1024 : i32
    %dma_wait3A_196 = arith.constant 0 : i32
    %dma_wait3A_197 = tpu.memref_slice %arg10[%dma_wait3A_195, %dma_wait3A_196] : memref<2048x32xf32, #tpu.memory_space<vmem>> -> memref<128x32xf32, #tpu.memory_space<vmem>>
    %dma_wait3A_198 = arith.constant 1024 : i32
    %dma_wait3A_199 = tpu.memref_slice %arg9[%dma_wait3A_198] : memref<2048xi32, #tpu.memory_space<vmem>> -> memref<128xi32, #tpu.memory_space<vmem>>
    %dma_wait3A_200 = arith.constant 0 : i32
    %dma_wait3A_201 = arith.constant 0 : i32
    %dma_wait3A_202 = tpu.memref_slice %arg5[%dma_wait3A_200, %dma_wait3A_201] : memref<16384x32xf32, #tpu.memory_space<hbm>> -> memref<16384x32xf32, #tpu.memory_space<hbm>>
    tpu.wait_indirect_dma semaphore(%arg11 : memref<!tpu.dma_semaphore, #tpu.memory_space<semaphore_mem>>) src(%dma_wait3A_202 : memref<16384x32xf32, #tpu.memory_space<hbm>>) dst(%dma_wait3A_197 : memref<128x32xf32, #tpu.memory_space<vmem>>)
    %dma_wait3A_203 = arith.constant 1152 : i32
    %dma_wait3A_204 = arith.constant 0 : i32
    %dma_wait3A_205 = tpu.memref_slice %arg10[%dma_wait3A_203, %dma_wait3A_204] : memref<2048x32xf32, #tpu.memory_space<vmem>> -> memref<128x32xf32, #tpu.memory_space<vmem>>
    %dma_wait3A_206 = arith.constant 1152 : i32
    %dma_wait3A_207 = tpu.memref_slice %arg9[%dma_wait3A_206] : memref<2048xi32, #tpu.memory_space<vmem>> -> memref<128xi32, #tpu.memory_space<vmem>>
    %dma_wait3A_208 = arith.constant 0 : i32
    %dma_wait3A_209 = arith.constant 0 : i32
    %dma_wait3A_210 = tpu.memref_slice %arg5[%dma_wait3A_208, %dma_wait3A_209] : memref<16384x32xf32, #tpu.memory_space<hbm>> -> memref<16384x32xf32, #tpu.memory_space<hbm>>
    tpu.wait_indirect_dma semaphore(%arg11 : memref<!tpu.dma_semaphore, #tpu.memory_space<semaphore_mem>>) src(%dma_wait3A_210 : memref<16384x32xf32, #tpu.memory_space<hbm>>) dst(%dma_wait3A_205 : memref<128x32xf32, #tpu.memory_space<vmem>>)
    %dma_wait3A_211 = arith.constant 1280 : i32
    %dma_wait3A_212 = arith.constant 0 : i32
    %dma_wait3A_213 = tpu.memref_slice %arg10[%dma_wait3A_211, %dma_wait3A_212] : memref<2048x32xf32, #tpu.memory_space<vmem>> -> memref<128x32xf32, #tpu.memory_space<vmem>>
    %dma_wait3A_214 = arith.constant 1280 : i32
    %dma_wait3A_215 = tpu.memref_slice %arg9[%dma_wait3A_214] : memref<2048xi32, #tpu.memory_space<vmem>> -> memref<128xi32, #tpu.memory_space<vmem>>
    %dma_wait3A_216 = arith.constant 0 : i32
    %dma_wait3A_217 = arith.constant 0 : i32
    %dma_wait3A_218 = tpu.memref_slice %arg5[%dma_wait3A_216, %dma_wait3A_217] : memref<16384x32xf32, #tpu.memory_space<hbm>> -> memref<16384x32xf32, #tpu.memory_space<hbm>>
    tpu.wait_indirect_dma semaphore(%arg11 : memref<!tpu.dma_semaphore, #tpu.memory_space<semaphore_mem>>) src(%dma_wait3A_218 : memref<16384x32xf32, #tpu.memory_space<hbm>>) dst(%dma_wait3A_213 : memref<128x32xf32, #tpu.memory_space<vmem>>)
    %dma_wait3A_219 = arith.constant 1408 : i32
    %dma_wait3A_220 = arith.constant 0 : i32
    %dma_wait3A_221 = tpu.memref_slice %arg10[%dma_wait3A_219, %dma_wait3A_220] : memref<2048x32xf32, #tpu.memory_space<vmem>> -> memref<128x32xf32, #tpu.memory_space<vmem>>
    %dma_wait3A_222 = arith.constant 1408 : i32
    %dma_wait3A_223 = tpu.memref_slice %arg9[%dma_wait3A_222] : memref<2048xi32, #tpu.memory_space<vmem>> -> memref<128xi32, #tpu.memory_space<vmem>>
    %dma_wait3A_224 = arith.constant 0 : i32
    %dma_wait3A_225 = arith.constant 0 : i32
    %dma_wait3A_226 = tpu.memref_slice %arg5[%dma_wait3A_224, %dma_wait3A_225] : memref<16384x32xf32, #tpu.memory_space<hbm>> -> memref<16384x32xf32, #tpu.memory_space<hbm>>
    tpu.wait_indirect_dma semaphore(%arg11 : memref<!tpu.dma_semaphore, #tpu.memory_space<semaphore_mem>>) src(%dma_wait3A_226 : memref<16384x32xf32, #tpu.memory_space<hbm>>) dst(%dma_wait3A_221 : memref<128x32xf32, #tpu.memory_space<vmem>>)
    %dma_wait3A_227 = arith.constant 1536 : i32
    %dma_wait3A_228 = arith.constant 0 : i32
    %dma_wait3A_229 = tpu.memref_slice %arg10[%dma_wait3A_227, %dma_wait3A_228] : memref<2048x32xf32, #tpu.memory_space<vmem>> -> memref<128x32xf32, #tpu.memory_space<vmem>>
    %dma_wait3A_230 = arith.constant 1536 : i32
    %dma_wait3A_231 = tpu.memref_slice %arg9[%dma_wait3A_230] : memref<2048xi32, #tpu.memory_space<vmem>> -> memref<128xi32, #tpu.memory_space<vmem>>
    %dma_wait3A_232 = arith.constant 0 : i32
    %dma_wait3A_233 = arith.constant 0 : i32
    %dma_wait3A_234 = tpu.memref_slice %arg5[%dma_wait3A_232, %dma_wait3A_233] : memref<16384x32xf32, #tpu.memory_space<hbm>> -> memref<16384x32xf32, #tpu.memory_space<hbm>>
    tpu.wait_indirect_dma semaphore(%arg11 : memref<!tpu.dma_semaphore, #tpu.memory_space<semaphore_mem>>) src(%dma_wait3A_234 : memref<16384x32xf32, #tpu.memory_space<hbm>>) dst(%dma_wait3A_229 : memref<128x32xf32, #tpu.memory_space<vmem>>)
    %dma_wait3A_235 = arith.constant 1664 : i32
    %dma_wait3A_236 = arith.constant 0 : i32
    %dma_wait3A_237 = tpu.memref_slice %arg10[%dma_wait3A_235, %dma_wait3A_236] : memref<2048x32xf32, #tpu.memory_space<vmem>> -> memref<128x32xf32, #tpu.memory_space<vmem>>
    %dma_wait3A_238 = arith.constant 1664 : i32
    %dma_wait3A_239 = tpu.memref_slice %arg9[%dma_wait3A_238] : memref<2048xi32, #tpu.memory_space<vmem>> -> memref<128xi32, #tpu.memory_space<vmem>>
    %dma_wait3A_240 = arith.constant 0 : i32
    %dma_wait3A_241 = arith.constant 0 : i32
    %dma_wait3A_242 = tpu.memref_slice %arg5[%dma_wait3A_240, %dma_wait3A_241] : memref<16384x32xf32, #tpu.memory_space<hbm>> -> memref<16384x32xf32, #tpu.memory_space<hbm>>
    tpu.wait_indirect_dma semaphore(%arg11 : memref<!tpu.dma_semaphore, #tpu.memory_space<semaphore_mem>>) src(%dma_wait3A_242 : memref<16384x32xf32, #tpu.memory_space<hbm>>) dst(%dma_wait3A_237 : memref<128x32xf32, #tpu.memory_space<vmem>>)
    %dma_wait3A_243 = arith.constant 1792 : i32
    %dma_wait3A_244 = arith.constant 0 : i32
    %dma_wait3A_245 = tpu.memref_slice %arg10[%dma_wait3A_243, %dma_wait3A_244] : memref<2048x32xf32, #tpu.memory_space<vmem>> -> memref<128x32xf32, #tpu.memory_space<vmem>>
    %dma_wait3A_246 = arith.constant 1792 : i32
    %dma_wait3A_247 = tpu.memref_slice %arg9[%dma_wait3A_246] : memref<2048xi32, #tpu.memory_space<vmem>> -> memref<128xi32, #tpu.memory_space<vmem>>
    %dma_wait3A_248 = arith.constant 0 : i32
    %dma_wait3A_249 = arith.constant 0 : i32
    %dma_wait3A_250 = tpu.memref_slice %arg5[%dma_wait3A_248, %dma_wait3A_249] : memref<16384x32xf32, #tpu.memory_space<hbm>> -> memref<16384x32xf32, #tpu.memory_space<hbm>>
    tpu.wait_indirect_dma semaphore(%arg11 : memref<!tpu.dma_semaphore, #tpu.memory_space<semaphore_mem>>) src(%dma_wait3A_250 : memref<16384x32xf32, #tpu.memory_space<hbm>>) dst(%dma_wait3A_245 : memref<128x32xf32, #tpu.memory_space<vmem>>)
    %dma_wait3A_251 = arith.constant 1920 : i32
    %dma_wait3A_252 = arith.constant 0 : i32
    %dma_wait3A_253 = tpu.memref_slice %arg10[%dma_wait3A_251, %dma_wait3A_252] : memref<2048x32xf32, #tpu.memory_space<vmem>> -> memref<128x32xf32, #tpu.memory_space<vmem>>
    %dma_wait3A_254 = arith.constant 1920 : i32
    %dma_wait3A_255 = tpu.memref_slice %arg9[%dma_wait3A_254] : memref<2048xi32, #tpu.memory_space<vmem>> -> memref<128xi32, #tpu.memory_space<vmem>>
    %dma_wait3A_256 = arith.constant 0 : i32
    %dma_wait3A_257 = arith.constant 0 : i32
    %dma_wait3A_258 = tpu.memref_slice %arg5[%dma_wait3A_256, %dma_wait3A_257] : memref<16384x32xf32, #tpu.memory_space<hbm>> -> memref<16384x32xf32, #tpu.memory_space<hbm>>
    tpu.wait_indirect_dma semaphore(%arg11 : memref<!tpu.dma_semaphore, #tpu.memory_space<semaphore_mem>>) src(%dma_wait3A_258 : memref<16384x32xf32, #tpu.memory_space<hbm>>) dst(%dma_wait3A_253 : memref<128x32xf32, #tpu.memory_space<vmem>>)
    %mul3A_259 = arith.constant 2048 : i32
    %mul3A_260 = arith.muli %add3A, %mul3A_259 : i32
    "tpu.region"() ({
      %run_scoped3A = tpu.sem_alloc : memref<!tpu.dma_semaphore, #tpu.memory_space<semaphore_mem>>
      %dma_start3A_391 = arith.constant 0 : i32
      %dma_start3A_392 = tpu.memref_slice %arg7[%mul3A_260, %dma_start3A_391] : memref<65536x32xf32, #tpu.memory_space<hbm>> -> memref<2048x32xf32, #tpu.memory_space<hbm>>
      %dma_start3A_393 = arith.constant 0 : i32
      %dma_start3A_394 = tpu.memref_slice %arg7[%mul3A_260, %dma_start3A_393] : memref<65536x32xf32, #tpu.memory_space<hbm>> -> memref<2048x32xf32, #tpu.memory_space<hbm>>
      tpu.enqueue_dma source(%arg10 : memref<2048x32xf32, #tpu.memory_space<vmem>>) target(%dma_start3A_394 : memref<2048x32xf32, #tpu.memory_space<hbm>>) target_semaphore(%run_scoped3A : memref<!tpu.dma_semaphore, #tpu.memory_space<semaphore_mem>>)
      %dma_wait3A_395 = arith.constant 0 : i32
      %dma_wait3A_396 = tpu.memref_slice %arg7[%mul3A_260, %dma_wait3A_395] : memref<65536x32xf32, #tpu.memory_space<hbm>> -> memref<2048x32xf32, #tpu.memory_space<hbm>>
      %dma_wait3A_397 = arith.constant 0 : i32
      %dma_wait3A_398 = tpu.memref_slice %arg7[%mul3A_260, %dma_wait3A_397] : memref<65536x32xf32, #tpu.memory_space<hbm>> -> memref<2048x32xf32, #tpu.memory_space<hbm>>
      tpu.wait_dma2 semaphore(%run_scoped3A : memref<!tpu.dma_semaphore, #tpu.memory_space<semaphore_mem>>) src(%arg10 : memref<2048x32xf32, #tpu.memory_space<vmem>>) dst(%dma_wait3A_398 : memref<2048x32xf32, #tpu.memory_space<hbm>>)
      tpu.yield
    }) : () -> ()
    %dma_start3A_261 = arith.constant 0 : i32
    %dma_start3A_262 = arith.constant 0 : i32
    %dma_start3A_263 = tpu.memref_slice %arg10[%dma_start3A_261, %dma_start3A_262] : memref<2048x32xf32, #tpu.memory_space<vmem>> -> memref<128x32xf32, #tpu.memory_space<vmem>>
    %dma_start3A_264 = arith.constant 0 : i32
    %dma_start3A_265 = tpu.memref_slice %arg8[%dma_start3A_264] : memref<1024xi32, #tpu.memory_space<vmem>> -> memref<128xi32, #tpu.memory_space<vmem>>
    %dma_start3A_266 = arith.constant 0 : i32
    %dma_start3A_267 = arith.constant 0 : i32
    %dma_start3A_268 = tpu.memref_slice %arg4[%dma_start3A_266, %dma_start3A_267] : memref<16384x32xf32, #tpu.memory_space<hbm>> -> memref<16384x32xf32, #tpu.memory_space<hbm>>
    tpu.enqueue_indirect_dma source(%dma_start3A_268 : memref<16384x32xf32, #tpu.memory_space<hbm>>) target(%dma_start3A_263 : memref<128x32xf32, #tpu.memory_space<vmem>>) offsets(%dma_start3A_265 : memref<128xi32, #tpu.memory_space<vmem>>) semaphore(%arg11 : memref<!tpu.dma_semaphore, #tpu.memory_space<semaphore_mem>>)
    %dma_start3A_269 = arith.constant 128 : i32
    %dma_start3A_270 = arith.constant 0 : i32
    %dma_start3A_271 = tpu.memref_slice %arg10[%dma_start3A_269, %dma_start3A_270] : memref<2048x32xf32, #tpu.memory_space<vmem>> -> memref<128x32xf32, #tpu.memory_space<vmem>>
    %dma_start3A_272 = arith.constant 128 : i32
    %dma_start3A_273 = tpu.memref_slice %arg8[%dma_start3A_272] : memref<1024xi32, #tpu.memory_space<vmem>> -> memref<128xi32, #tpu.memory_space<vmem>>
    %dma_start3A_274 = arith.constant 0 : i32
    %dma_start3A_275 = arith.constant 0 : i32
    %dma_start3A_276 = tpu.memref_slice %arg4[%dma_start3A_274, %dma_start3A_275] : memref<16384x32xf32, #tpu.memory_space<hbm>> -> memref<16384x32xf32, #tpu.memory_space<hbm>>
    tpu.enqueue_indirect_dma source(%dma_start3A_276 : memref<16384x32xf32, #tpu.memory_space<hbm>>) target(%dma_start3A_271 : memref<128x32xf32, #tpu.memory_space<vmem>>) offsets(%dma_start3A_273 : memref<128xi32, #tpu.memory_space<vmem>>) semaphore(%arg11 : memref<!tpu.dma_semaphore, #tpu.memory_space<semaphore_mem>>)
    %dma_start3A_277 = arith.constant 256 : i32
    %dma_start3A_278 = arith.constant 0 : i32
    %dma_start3A_279 = tpu.memref_slice %arg10[%dma_start3A_277, %dma_start3A_278] : memref<2048x32xf32, #tpu.memory_space<vmem>> -> memref<128x32xf32, #tpu.memory_space<vmem>>
    %dma_start3A_280 = arith.constant 256 : i32
    %dma_start3A_281 = tpu.memref_slice %arg8[%dma_start3A_280] : memref<1024xi32, #tpu.memory_space<vmem>> -> memref<128xi32, #tpu.memory_space<vmem>>
    %dma_start3A_282 = arith.constant 0 : i32
    %dma_start3A_283 = arith.constant 0 : i32
    %dma_start3A_284 = tpu.memref_slice %arg4[%dma_start3A_282, %dma_start3A_283] : memref<16384x32xf32, #tpu.memory_space<hbm>> -> memref<16384x32xf32, #tpu.memory_space<hbm>>
    tpu.enqueue_indirect_dma source(%dma_start3A_284 : memref<16384x32xf32, #tpu.memory_space<hbm>>) target(%dma_start3A_279 : memref<128x32xf32, #tpu.memory_space<vmem>>) offsets(%dma_start3A_281 : memref<128xi32, #tpu.memory_space<vmem>>) semaphore(%arg11 : memref<!tpu.dma_semaphore, #tpu.memory_space<semaphore_mem>>)
    %dma_start3A_285 = arith.constant 384 : i32
    %dma_start3A_286 = arith.constant 0 : i32
    %dma_start3A_287 = tpu.memref_slice %arg10[%dma_start3A_285, %dma_start3A_286] : memref<2048x32xf32, #tpu.memory_space<vmem>> -> memref<128x32xf32, #tpu.memory_space<vmem>>
    %dma_start3A_288 = arith.constant 384 : i32
    %dma_start3A_289 = tpu.memref_slice %arg8[%dma_start3A_288] : memref<1024xi32, #tpu.memory_space<vmem>> -> memref<128xi32, #tpu.memory_space<vmem>>
    %dma_start3A_290 = arith.constant 0 : i32
    %dma_start3A_291 = arith.constant 0 : i32
    %dma_start3A_292 = tpu.memref_slice %arg4[%dma_start3A_290, %dma_start3A_291] : memref<16384x32xf32, #tpu.memory_space<hbm>> -> memref<16384x32xf32, #tpu.memory_space<hbm>>
    tpu.enqueue_indirect_dma source(%dma_start3A_292 : memref<16384x32xf32, #tpu.memory_space<hbm>>) target(%dma_start3A_287 : memref<128x32xf32, #tpu.memory_space<vmem>>) offsets(%dma_start3A_289 : memref<128xi32, #tpu.memory_space<vmem>>) semaphore(%arg11 : memref<!tpu.dma_semaphore, #tpu.memory_space<semaphore_mem>>)
    %dma_start3A_293 = arith.constant 512 : i32
    %dma_start3A_294 = arith.constant 0 : i32
    %dma_start3A_295 = tpu.memref_slice %arg10[%dma_start3A_293, %dma_start3A_294] : memref<2048x32xf32, #tpu.memory_space<vmem>> -> memref<128x32xf32, #tpu.memory_space<vmem>>
    %dma_start3A_296 = arith.constant 512 : i32
    %dma_start3A_297 = tpu.memref_slice %arg8[%dma_start3A_296] : memref<1024xi32, #tpu.memory_space<vmem>> -> memref<128xi32, #tpu.memory_space<vmem>>
    %dma_start3A_298 = arith.constant 0 : i32
    %dma_start3A_299 = arith.constant 0 : i32
    %dma_start3A_300 = tpu.memref_slice %arg4[%dma_start3A_298, %dma_start3A_299] : memref<16384x32xf32, #tpu.memory_space<hbm>> -> memref<16384x32xf32, #tpu.memory_space<hbm>>
    tpu.enqueue_indirect_dma source(%dma_start3A_300 : memref<16384x32xf32, #tpu.memory_space<hbm>>) target(%dma_start3A_295 : memref<128x32xf32, #tpu.memory_space<vmem>>) offsets(%dma_start3A_297 : memref<128xi32, #tpu.memory_space<vmem>>) semaphore(%arg11 : memref<!tpu.dma_semaphore, #tpu.memory_space<semaphore_mem>>)
    %dma_start3A_301 = arith.constant 640 : i32
    %dma_start3A_302 = arith.constant 0 : i32
    %dma_start3A_303 = tpu.memref_slice %arg10[%dma_start3A_301, %dma_start3A_302] : memref<2048x32xf32, #tpu.memory_space<vmem>> -> memref<128x32xf32, #tpu.memory_space<vmem>>
    %dma_start3A_304 = arith.constant 640 : i32
    %dma_start3A_305 = tpu.memref_slice %arg8[%dma_start3A_304] : memref<1024xi32, #tpu.memory_space<vmem>> -> memref<128xi32, #tpu.memory_space<vmem>>
    %dma_start3A_306 = arith.constant 0 : i32
    %dma_start3A_307 = arith.constant 0 : i32
    %dma_start3A_308 = tpu.memref_slice %arg4[%dma_start3A_306, %dma_start3A_307] : memref<16384x32xf32, #tpu.memory_space<hbm>> -> memref<16384x32xf32, #tpu.memory_space<hbm>>
    tpu.enqueue_indirect_dma source(%dma_start3A_308 : memref<16384x32xf32, #tpu.memory_space<hbm>>) target(%dma_start3A_303 : memref<128x32xf32, #tpu.memory_space<vmem>>) offsets(%dma_start3A_305 : memref<128xi32, #tpu.memory_space<vmem>>) semaphore(%arg11 : memref<!tpu.dma_semaphore, #tpu.memory_space<semaphore_mem>>)
    %dma_start3A_309 = arith.constant 768 : i32
    %dma_start3A_310 = arith.constant 0 : i32
    %dma_start3A_311 = tpu.memref_slice %arg10[%dma_start3A_309, %dma_start3A_310] : memref<2048x32xf32, #tpu.memory_space<vmem>> -> memref<128x32xf32, #tpu.memory_space<vmem>>
    %dma_start3A_312 = arith.constant 768 : i32
    %dma_start3A_313 = tpu.memref_slice %arg8[%dma_start3A_312] : memref<1024xi32, #tpu.memory_space<vmem>> -> memref<128xi32, #tpu.memory_space<vmem>>
    %dma_start3A_314 = arith.constant 0 : i32
    %dma_start3A_315 = arith.constant 0 : i32
    %dma_start3A_316 = tpu.memref_slice %arg4[%dma_start3A_314, %dma_start3A_315] : memref<16384x32xf32, #tpu.memory_space<hbm>> -> memref<16384x32xf32, #tpu.memory_space<hbm>>
    tpu.enqueue_indirect_dma source(%dma_start3A_316 : memref<16384x32xf32, #tpu.memory_space<hbm>>) target(%dma_start3A_311 : memref<128x32xf32, #tpu.memory_space<vmem>>) offsets(%dma_start3A_313 : memref<128xi32, #tpu.memory_space<vmem>>) semaphore(%arg11 : memref<!tpu.dma_semaphore, #tpu.memory_space<semaphore_mem>>)
    %dma_start3A_317 = arith.constant 896 : i32
    %dma_start3A_318 = arith.constant 0 : i32
    %dma_start3A_319 = tpu.memref_slice %arg10[%dma_start3A_317, %dma_start3A_318] : memref<2048x32xf32, #tpu.memory_space<vmem>> -> memref<128x32xf32, #tpu.memory_space<vmem>>
    %dma_start3A_320 = arith.constant 896 : i32
    %dma_start3A_321 = tpu.memref_slice %arg8[%dma_start3A_320] : memref<1024xi32, #tpu.memory_space<vmem>> -> memref<128xi32, #tpu.memory_space<vmem>>
    %dma_start3A_322 = arith.constant 0 : i32
    %dma_start3A_323 = arith.constant 0 : i32
    %dma_start3A_324 = tpu.memref_slice %arg4[%dma_start3A_322, %dma_start3A_323] : memref<16384x32xf32, #tpu.memory_space<hbm>> -> memref<16384x32xf32, #tpu.memory_space<hbm>>
    tpu.enqueue_indirect_dma source(%dma_start3A_324 : memref<16384x32xf32, #tpu.memory_space<hbm>>) target(%dma_start3A_319 : memref<128x32xf32, #tpu.memory_space<vmem>>) offsets(%dma_start3A_321 : memref<128xi32, #tpu.memory_space<vmem>>) semaphore(%arg11 : memref<!tpu.dma_semaphore, #tpu.memory_space<semaphore_mem>>)
    %dma_wait3A_325 = arith.constant 0 : i32
    %dma_wait3A_326 = arith.constant 0 : i32
    %dma_wait3A_327 = tpu.memref_slice %arg10[%dma_wait3A_325, %dma_wait3A_326] : memref<2048x32xf32, #tpu.memory_space<vmem>> -> memref<128x32xf32, #tpu.memory_space<vmem>>
    %dma_wait3A_328 = arith.constant 0 : i32
    %dma_wait3A_329 = tpu.memref_slice %arg8[%dma_wait3A_328] : memref<1024xi32, #tpu.memory_space<vmem>> -> memref<128xi32, #tpu.memory_space<vmem>>
    %dma_wait3A_330 = arith.constant 0 : i32
    %dma_wait3A_331 = arith.constant 0 : i32
    %dma_wait3A_332 = tpu.memref_slice %arg4[%dma_wait3A_330, %dma_wait3A_331] : memref<16384x32xf32, #tpu.memory_space<hbm>> -> memref<16384x32xf32, #tpu.memory_space<hbm>>
    tpu.wait_indirect_dma semaphore(%arg11 : memref<!tpu.dma_semaphore, #tpu.memory_space<semaphore_mem>>) src(%dma_wait3A_332 : memref<16384x32xf32, #tpu.memory_space<hbm>>) dst(%dma_wait3A_327 : memref<128x32xf32, #tpu.memory_space<vmem>>)
    %dma_wait3A_333 = arith.constant 128 : i32
    %dma_wait3A_334 = arith.constant 0 : i32
    %dma_wait3A_335 = tpu.memref_slice %arg10[%dma_wait3A_333, %dma_wait3A_334] : memref<2048x32xf32, #tpu.memory_space<vmem>> -> memref<128x32xf32, #tpu.memory_space<vmem>>
    %dma_wait3A_336 = arith.constant 128 : i32
    %dma_wait3A_337 = tpu.memref_slice %arg8[%dma_wait3A_336] : memref<1024xi32, #tpu.memory_space<vmem>> -> memref<128xi32, #tpu.memory_space<vmem>>
    %dma_wait3A_338 = arith.constant 0 : i32
    %dma_wait3A_339 = arith.constant 0 : i32
    %dma_wait3A_340 = tpu.memref_slice %arg4[%dma_wait3A_338, %dma_wait3A_339] : memref<16384x32xf32, #tpu.memory_space<hbm>> -> memref<16384x32xf32, #tpu.memory_space<hbm>>
    tpu.wait_indirect_dma semaphore(%arg11 : memref<!tpu.dma_semaphore, #tpu.memory_space<semaphore_mem>>) src(%dma_wait3A_340 : memref<16384x32xf32, #tpu.memory_space<hbm>>) dst(%dma_wait3A_335 : memref<128x32xf32, #tpu.memory_space<vmem>>)
    %dma_wait3A_341 = arith.constant 256 : i32
    %dma_wait3A_342 = arith.constant 0 : i32
    %dma_wait3A_343 = tpu.memref_slice %arg10[%dma_wait3A_341, %dma_wait3A_342] : memref<2048x32xf32, #tpu.memory_space<vmem>> -> memref<128x32xf32, #tpu.memory_space<vmem>>
    %dma_wait3A_344 = arith.constant 256 : i32
    %dma_wait3A_345 = tpu.memref_slice %arg8[%dma_wait3A_344] : memref<1024xi32, #tpu.memory_space<vmem>> -> memref<128xi32, #tpu.memory_space<vmem>>
    %dma_wait3A_346 = arith.constant 0 : i32
    %dma_wait3A_347 = arith.constant 0 : i32
    %dma_wait3A_348 = tpu.memref_slice %arg4[%dma_wait3A_346, %dma_wait3A_347] : memref<16384x32xf32, #tpu.memory_space<hbm>> -> memref<16384x32xf32, #tpu.memory_space<hbm>>
    tpu.wait_indirect_dma semaphore(%arg11 : memref<!tpu.dma_semaphore, #tpu.memory_space<semaphore_mem>>) src(%dma_wait3A_348 : memref<16384x32xf32, #tpu.memory_space<hbm>>) dst(%dma_wait3A_343 : memref<128x32xf32, #tpu.memory_space<vmem>>)
    %dma_wait3A_349 = arith.constant 384 : i32
    %dma_wait3A_350 = arith.constant 0 : i32
    %dma_wait3A_351 = tpu.memref_slice %arg10[%dma_wait3A_349, %dma_wait3A_350] : memref<2048x32xf32, #tpu.memory_space<vmem>> -> memref<128x32xf32, #tpu.memory_space<vmem>>
    %dma_wait3A_352 = arith.constant 384 : i32
    %dma_wait3A_353 = tpu.memref_slice %arg8[%dma_wait3A_352] : memref<1024xi32, #tpu.memory_space<vmem>> -> memref<128xi32, #tpu.memory_space<vmem>>
    %dma_wait3A_354 = arith.constant 0 : i32
    %dma_wait3A_355 = arith.constant 0 : i32
    %dma_wait3A_356 = tpu.memref_slice %arg4[%dma_wait3A_354, %dma_wait3A_355] : memref<16384x32xf32, #tpu.memory_space<hbm>> -> memref<16384x32xf32, #tpu.memory_space<hbm>>
    tpu.wait_indirect_dma semaphore(%arg11 : memref<!tpu.dma_semaphore, #tpu.memory_space<semaphore_mem>>) src(%dma_wait3A_356 : memref<16384x32xf32, #tpu.memory_space<hbm>>) dst(%dma_wait3A_351 : memref<128x32xf32, #tpu.memory_space<vmem>>)
    %dma_wait3A_357 = arith.constant 512 : i32
    %dma_wait3A_358 = arith.constant 0 : i32
    %dma_wait3A_359 = tpu.memref_slice %arg10[%dma_wait3A_357, %dma_wait3A_358] : memref<2048x32xf32, #tpu.memory_space<vmem>> -> memref<128x32xf32, #tpu.memory_space<vmem>>
    %dma_wait3A_360 = arith.constant 512 : i32
    %dma_wait3A_361 = tpu.memref_slice %arg8[%dma_wait3A_360] : memref<1024xi32, #tpu.memory_space<vmem>> -> memref<128xi32, #tpu.memory_space<vmem>>
    %dma_wait3A_362 = arith.constant 0 : i32
    %dma_wait3A_363 = arith.constant 0 : i32
    %dma_wait3A_364 = tpu.memref_slice %arg4[%dma_wait3A_362, %dma_wait3A_363] : memref<16384x32xf32, #tpu.memory_space<hbm>> -> memref<16384x32xf32, #tpu.memory_space<hbm>>
    tpu.wait_indirect_dma semaphore(%arg11 : memref<!tpu.dma_semaphore, #tpu.memory_space<semaphore_mem>>) src(%dma_wait3A_364 : memref<16384x32xf32, #tpu.memory_space<hbm>>) dst(%dma_wait3A_359 : memref<128x32xf32, #tpu.memory_space<vmem>>)
    %dma_wait3A_365 = arith.constant 640 : i32
    %dma_wait3A_366 = arith.constant 0 : i32
    %dma_wait3A_367 = tpu.memref_slice %arg10[%dma_wait3A_365, %dma_wait3A_366] : memref<2048x32xf32, #tpu.memory_space<vmem>> -> memref<128x32xf32, #tpu.memory_space<vmem>>
    %dma_wait3A_368 = arith.constant 640 : i32
    %dma_wait3A_369 = tpu.memref_slice %arg8[%dma_wait3A_368] : memref<1024xi32, #tpu.memory_space<vmem>> -> memref<128xi32, #tpu.memory_space<vmem>>
    %dma_wait3A_370 = arith.constant 0 : i32
    %dma_wait3A_371 = arith.constant 0 : i32
    %dma_wait3A_372 = tpu.memref_slice %arg4[%dma_wait3A_370, %dma_wait3A_371] : memref<16384x32xf32, #tpu.memory_space<hbm>> -> memref<16384x32xf32, #tpu.memory_space<hbm>>
    tpu.wait_indirect_dma semaphore(%arg11 : memref<!tpu.dma_semaphore, #tpu.memory_space<semaphore_mem>>) src(%dma_wait3A_372 : memref<16384x32xf32, #tpu.memory_space<hbm>>) dst(%dma_wait3A_367 : memref<128x32xf32, #tpu.memory_space<vmem>>)
    %dma_wait3A_373 = arith.constant 768 : i32
    %dma_wait3A_374 = arith.constant 0 : i32
    %dma_wait3A_375 = tpu.memref_slice %arg10[%dma_wait3A_373, %dma_wait3A_374] : memref<2048x32xf32, #tpu.memory_space<vmem>> -> memref<128x32xf32, #tpu.memory_space<vmem>>
    %dma_wait3A_376 = arith.constant 768 : i32
    %dma_wait3A_377 = tpu.memref_slice %arg8[%dma_wait3A_376] : memref<1024xi32, #tpu.memory_space<vmem>> -> memref<128xi32, #tpu.memory_space<vmem>>
    %dma_wait3A_378 = arith.constant 0 : i32
    %dma_wait3A_379 = arith.constant 0 : i32
    %dma_wait3A_380 = tpu.memref_slice %arg4[%dma_wait3A_378, %dma_wait3A_379] : memref<16384x32xf32, #tpu.memory_space<hbm>> -> memref<16384x32xf32, #tpu.memory_space<hbm>>
    tpu.wait_indirect_dma semaphore(%arg11 : memref<!tpu.dma_semaphore, #tpu.memory_space<semaphore_mem>>) src(%dma_wait3A_380 : memref<16384x32xf32, #tpu.memory_space<hbm>>) dst(%dma_wait3A_375 : memref<128x32xf32, #tpu.memory_space<vmem>>)
    %dma_wait3A_381 = arith.constant 896 : i32
    %dma_wait3A_382 = arith.constant 0 : i32
    %dma_wait3A_383 = tpu.memref_slice %arg10[%dma_wait3A_381, %dma_wait3A_382] : memref<2048x32xf32, #tpu.memory_space<vmem>> -> memref<128x32xf32, #tpu.memory_space<vmem>>
    %dma_wait3A_384 = arith.constant 896 : i32
    %dma_wait3A_385 = tpu.memref_slice %arg8[%dma_wait3A_384] : memref<1024xi32, #tpu.memory_space<vmem>> -> memref<128xi32, #tpu.memory_space<vmem>>
    %dma_wait3A_386 = arith.constant 0 : i32
    %dma_wait3A_387 = arith.constant 0 : i32
    %dma_wait3A_388 = tpu.memref_slice %arg4[%dma_wait3A_386, %dma_wait3A_387] : memref<16384x32xf32, #tpu.memory_space<hbm>> -> memref<16384x32xf32, #tpu.memory_space<hbm>>
    tpu.wait_indirect_dma semaphore(%arg11 : memref<!tpu.dma_semaphore, #tpu.memory_space<semaphore_mem>>) src(%dma_wait3A_388 : memref<16384x32xf32, #tpu.memory_space<hbm>>) dst(%dma_wait3A_383 : memref<128x32xf32, #tpu.memory_space<vmem>>)
    %mul3A_389 = arith.constant 1024 : i32
    %mul3A_390 = arith.muli %add3A, %mul3A_389 : i32
    "tpu.region"() ({
      %run_scoped3A = tpu.sem_alloc : memref<!tpu.dma_semaphore, #tpu.memory_space<semaphore_mem>>
      %dma_start3A_391 = arith.constant 0 : i32
      %dma_start3A_392 = arith.constant 0 : i32
      %dma_start3A_393 = tpu.memref_slice %arg10[%dma_start3A_391, %dma_start3A_392] : memref<2048x32xf32, #tpu.memory_space<vmem>> -> memref<1024x32xf32, #tpu.memory_space<vmem>>
      %dma_start3A_394 = arith.constant 0 : i32
      %dma_start3A_395 = tpu.memref_slice %arg6[%mul3A_390, %dma_start3A_394] : memref<32768x32xf32, #tpu.memory_space<hbm>> -> memref<1024x32xf32, #tpu.memory_space<hbm>>
      %dma_start3A_396 = arith.constant 0 : i32
      %dma_start3A_397 = tpu.memref_slice %arg6[%mul3A_390, %dma_start3A_396] : memref<32768x32xf32, #tpu.memory_space<hbm>> -> memref<1024x32xf32, #tpu.memory_space<hbm>>
      %dma_start3A_398 = arith.constant 0 : i32
      %dma_start3A_399 = arith.constant 0 : i32
      %dma_start3A_400 = tpu.memref_slice %arg10[%dma_start3A_398, %dma_start3A_399] : memref<2048x32xf32, #tpu.memory_space<vmem>> -> memref<1024x32xf32, #tpu.memory_space<vmem>>
      tpu.enqueue_dma source(%dma_start3A_400 : memref<1024x32xf32, #tpu.memory_space<vmem>>) target(%dma_start3A_397 : memref<1024x32xf32, #tpu.memory_space<hbm>>) target_semaphore(%run_scoped3A : memref<!tpu.dma_semaphore, #tpu.memory_space<semaphore_mem>>)
      %dma_wait3A_401 = arith.constant 0 : i32
      %dma_wait3A_402 = arith.constant 0 : i32
      %dma_wait3A_403 = tpu.memref_slice %arg10[%dma_wait3A_401, %dma_wait3A_402] : memref<2048x32xf32, #tpu.memory_space<vmem>> -> memref<1024x32xf32, #tpu.memory_space<vmem>>
      %dma_wait3A_404 = arith.constant 0 : i32
      %dma_wait3A_405 = tpu.memref_slice %arg6[%mul3A_390, %dma_wait3A_404] : memref<32768x32xf32, #tpu.memory_space<hbm>> -> memref<1024x32xf32, #tpu.memory_space<hbm>>
      %dma_wait3A_406 = arith.constant 0 : i32
      %dma_wait3A_407 = tpu.memref_slice %arg6[%mul3A_390, %dma_wait3A_406] : memref<32768x32xf32, #tpu.memory_space<hbm>> -> memref<1024x32xf32, #tpu.memory_space<hbm>>
      %dma_wait3A_408 = arith.constant 0 : i32
      %dma_wait3A_409 = arith.constant 0 : i32
      %dma_wait3A_410 = tpu.memref_slice %arg10[%dma_wait3A_408, %dma_wait3A_409] : memref<2048x32xf32, #tpu.memory_space<vmem>> -> memref<1024x32xf32, #tpu.memory_space<vmem>>
      tpu.wait_dma2 semaphore(%run_scoped3A : memref<!tpu.dma_semaphore, #tpu.memory_space<semaphore_mem>>) src(%dma_wait3A_410 : memref<1024x32xf32, #tpu.memory_space<vmem>>) dst(%dma_wait3A_407 : memref<1024x32xf32, #tpu.memory_space<hbm>>)
      tpu.yield
    }) : () -> ()
    return
  }
}

module attributes {stable_mosaic.version = 14 : i64} {
  func.func @body(%arg0: memref<16384x3xf32, #tpu.memory_space<vmem>>, %arg1: memref<2048x3xf32, #tpu.memory_space<vmem>>, %arg2: memref<16384x32xf32, #tpu.memory_space<vmem>>, %arg3: memref<3x32xf32, #tpu.memory_space<vmem>>, %arg4: memref<32x32xf32, #tpu.memory_space<vmem>>, %arg5: memref<3x32xf32, #tpu.memory_space<vmem>>, %arg6: memref<32x32xf32, #tpu.memory_space<vmem>>, %arg7: memref<16384x32xf32, #tpu.memory_space<vmem>>, %arg8: memref<16384x32xf32, #tpu.memory_space<vmem>>, %arg9: memref<2048x32xf32, #tpu.memory_space<vmem>>, %arg10: memref<2048x32xf32, #tpu.memory_space<vmem>>) attributes {dimension_semantics = [], scalar_prefetch = 0 : i64, scratch_operands = 0 : i64, tpu.core_type = #tpu.core_type<tc>} {
    %get3A = arith.constant 0 : index
    %get3A_0 = arith.constant 0 : index
    %get3A_1 = vector.load %arg0[%get3A, %get3A_0] : memref<16384x3xf32, #tpu.memory_space<vmem>>, vector<16384x3xf32>
    %get3A_2 = arith.constant 0 : index
    %get3A_3 = arith.constant 0 : index
    %get3A_4 = vector.load %arg1[%get3A_2, %get3A_3] : memref<2048x3xf32, #tpu.memory_space<vmem>>, vector<2048x3xf32>
    %get3A_5 = arith.constant 0 : index
    %get3A_6 = arith.constant 0 : index
    %get3A_7 = vector.load %arg2[%get3A_5, %get3A_6] : memref<16384x32xf32, #tpu.memory_space<vmem>>, vector<16384x32xf32>
    %get3A_8 = arith.constant 0 : index
    %get3A_9 = arith.constant 0 : index
    %get3A_10 = vector.load %arg4[%get3A_8, %get3A_9] : memref<32x32xf32, #tpu.memory_space<vmem>>, vector<32x32xf32>
    %dot_general3A = arith.constant dense<0.000000e+00> : vector<16384x32xf32>
    %dot_general3A_11 = tpu.matmul %get3A_7, %get3A_10, %dot_general3A {dimension_numbers = #tpu.dot_dimension_numbers<[1], [0], [0], [1], [0, 0, 1, 1], [], []>, transpose_lhs_hint = false} : vector<16384x32xf32>, vector<32x32xf32>, vector<16384x32xf32> -> vector<16384x32xf32>
    %get3A_12 = arith.constant 0 : index
    %get3A_13 = arith.constant 0 : index
    %get3A_14 = vector.load %arg3[%get3A_12, %get3A_13] : memref<3x32xf32, #tpu.memory_space<vmem>>, vector<3x32xf32>
    %dot_general3A_15 = arith.constant dense<0.000000e+00> : vector<16384x32xf32>
    %dot_general3A_16 = tpu.matmul %get3A_1, %get3A_14, %dot_general3A_15 {dimension_numbers = #tpu.dot_dimension_numbers<[1], [0], [0], [1], [0, 0, 1, 1], [], []>, transpose_lhs_hint = false} : vector<16384x3xf32>, vector<3x32xf32>, vector<16384x32xf32> -> vector<16384x32xf32>
    %add3A = arith.addf %dot_general3A_11, %dot_general3A_16 : vector<16384x32xf32>
    %swap3A = arith.constant 0 : index
    %swap3A_17 = arith.constant 0 : index
    %swap3A_18 = vector.load %arg7[%swap3A, %swap3A_17] : memref<16384x32xf32, #tpu.memory_space<vmem>>, vector<16384x32xf32>
    tpu.vector_store %arg7[%swap3A, %swap3A_17], %add3A {strides = array<i32>} : memref<16384x32xf32, #tpu.memory_space<vmem>>, vector<16384x32xf32>,
    %get3A_19 = arith.constant 0 : index
    %get3A_20 = arith.constant 0 : index
    %get3A_21 = vector.load %arg6[%get3A_19, %get3A_20] : memref<32x32xf32, #tpu.memory_space<vmem>>, vector<32x32xf32>
    %dot_general3A_22 = arith.constant dense<0.000000e+00> : vector<16384x32xf32>
    %dot_general3A_23 = tpu.matmul %get3A_7, %get3A_21, %dot_general3A_22 {dimension_numbers = #tpu.dot_dimension_numbers<[1], [0], [0], [1], [0, 0, 1, 1], [], []>, transpose_lhs_hint = false} : vector<16384x32xf32>, vector<32x32xf32>, vector<16384x32xf32> -> vector<16384x32xf32>
    %get3A_24 = arith.constant 0 : index
    %get3A_25 = arith.constant 0 : index
    %get3A_26 = vector.load %arg5[%get3A_24, %get3A_25] : memref<3x32xf32, #tpu.memory_space<vmem>>, vector<3x32xf32>
    %dot_general3A_27 = arith.constant dense<0.000000e+00> : vector<16384x32xf32>
    %dot_general3A_28 = tpu.matmul %get3A_1, %get3A_26, %dot_general3A_27 {dimension_numbers = #tpu.dot_dimension_numbers<[1], [0], [0], [1], [0, 0, 1, 1], [], []>, transpose_lhs_hint = false} : vector<16384x3xf32>, vector<3x32xf32>, vector<16384x32xf32> -> vector<16384x32xf32>
    %add3A_29 = arith.addf %dot_general3A_23, %dot_general3A_28 : vector<16384x32xf32>
    %swap3A_30 = arith.constant 0 : index
    %swap3A_31 = arith.constant 0 : index
    %swap3A_32 = vector.load %arg8[%swap3A_30, %swap3A_31] : memref<16384x32xf32, #tpu.memory_space<vmem>>, vector<16384x32xf32>
    tpu.vector_store %arg8[%swap3A_30, %swap3A_31], %add3A_29 {strides = array<i32>} : memref<16384x32xf32, #tpu.memory_space<vmem>>, vector<16384x32xf32>,
    %get3A_33 = arith.constant 0 : index
    %get3A_34 = arith.constant 0 : index
    %get3A_35 = vector.load %arg3[%get3A_33, %get3A_34] : memref<3x32xf32, #tpu.memory_space<vmem>>, vector<3x32xf32>
    %dot_general3A_36 = arith.constant dense<0.000000e+00> : vector<2048x32xf32>
    %dot_general3A_37 = tpu.matmul %get3A_4, %get3A_35, %dot_general3A_36 {dimension_numbers = #tpu.dot_dimension_numbers<[1], [0], [0], [1], [0, 0, 1, 1], [], []>, transpose_lhs_hint = false} : vector<2048x3xf32>, vector<3x32xf32>, vector<2048x32xf32> -> vector<2048x32xf32>
    %swap3A_38 = arith.constant 0 : index
    %swap3A_39 = arith.constant 0 : index
    %swap3A_40 = vector.load %arg9[%swap3A_38, %swap3A_39] : memref<2048x32xf32, #tpu.memory_space<vmem>>, vector<2048x32xf32>
    tpu.vector_store %arg9[%swap3A_38, %swap3A_39], %dot_general3A_37 {strides = array<i32>} : memref<2048x32xf32, #tpu.memory_space<vmem>>, vector<2048x32xf32>,
    %get3A_41 = arith.constant 0 : index
    %get3A_42 = arith.constant 0 : index
    %get3A_43 = vector.load %arg5[%get3A_41, %get3A_42] : memref<3x32xf32, #tpu.memory_space<vmem>>, vector<3x32xf32>
    %dot_general3A_44 = arith.constant dense<0.000000e+00> : vector<2048x32xf32>
    %dot_general3A_45 = tpu.matmul %get3A_4, %get3A_43, %dot_general3A_44 {dimension_numbers = #tpu.dot_dimension_numbers<[1], [0], [0], [1], [0, 0, 1, 1], [], []>, transpose_lhs_hint = false} : vector<2048x3xf32>, vector<3x32xf32>, vector<2048x32xf32> -> vector<2048x32xf32>
    %swap3A_46 = arith.constant 0 : index
    %swap3A_47 = arith.constant 0 : index
    %swap3A_48 = vector.load %arg10[%swap3A_46, %swap3A_47] : memref<2048x32xf32, #tpu.memory_space<vmem>>, vector<2048x32xf32>
    tpu.vector_store %arg10[%swap3A_46, %swap3A_47], %dot_general3A_45 {strides = array<i32>} : memref<2048x32xf32, #tpu.memory_space<vmem>>, vector<2048x32xf32>,
    return
  }
}

module attributes {stable_mosaic.version = 14 : i64} {
  func.func @body(%arg0: i32, %arg1: i32, %arg2: memref<2048x128xf32, #tpu.memory_space<vmem>>, %arg3: memref<512x32xf32, #tpu.memory_space<vmem>>, %arg4: memref<1x128xf32, #tpu.memory_space<vmem>>, %arg5: memref<1x128xf32, #tpu.memory_space<vmem>>, %arg6: memref<128x128xbf16, #tpu.memory_space<vmem>>, %arg7: memref<512x32xf32, #tpu.memory_space<vmem>>, %arg8: memref<8x128xf32, #tpu.memory_space<vmem>>, %arg9: memref<8x128xf32, #tpu.memory_space<vmem>>) attributes {dimension_semantics = [#tpu.dimension_semantics<arbitrary>, #tpu.dimension_semantics<arbitrary>], iteration_bounds = array<i64: 2, 4>, scalar_prefetch = 0 : i64, scratch_operands = 1 : i64, tpu.core_type = #tpu.core_type<tc>, window_params = [{transform_indices = @transform_0, window_bounds = array<i64: 2048, 128>}, {transform_indices = @transform_1, window_bounds = array<i64: 512, 32>}, {pipeline_mode = #tpu.pipeline_mode<synchronous>, transform_indices = @transform_2, window_bounds = array<i64: 1, 128>}, {pipeline_mode = #tpu.pipeline_mode<synchronous>, transform_indices = @transform_3, window_bounds = array<i64: 1, 128>}, {pipeline_mode = #tpu.pipeline_mode<synchronous>, transform_indices = @transform_4, window_bounds = array<i64: 128, 128>}, {transform_indices = @transform_5, window_bounds = array<i64: 512, 32>}, {pipeline_mode = #tpu.pipeline_mode<synchronous>, transform_indices = @transform_6, window_bounds = array<i64: 8, 128>}]} {
    %eq3A = arith.constant 0 : i32
    %eq3A_0 = arith.cmpi eq, %arg0, %eq3A : i32
    %eq3A_1 = arith.constant 0 : i32
    %eq3A_2 = arith.cmpi eq, %arg1, %eq3A_1 : i32
    %and3A = arith.andi %eq3A_0, %eq3A_2 : i1
    %convert_element_type3A = arith.extui %and3A : i1 to i32
    %cond3A = arith.constant 0 : i32
    %cond3A_3 = arith.cmpi ne, %convert_element_type3A, %cond3A : i32
    scf.if %cond3A_3 {
      %broadcast_in_dim3A_21 = arith.constant 0.000000e+00 : f32
      %broadcast_in_dim3A_22 = vector.broadcast %broadcast_in_dim3A_21 : f32 to vector<8x128xf32>
      %swap3A = arith.constant 0 : index
      %swap3A_23 = arith.constant 0 : index
      %swap3A_24 = vector.load %arg9[%swap3A, %swap3A_23] : memref<8x128xf32, #tpu.memory_space<vmem>>, vector<8x128xf32>
      tpu.vector_store %arg9[%swap3A, %swap3A_23], %broadcast_in_dim3A_22 {strides = array<i32>} : memref<8x128xf32, #tpu.memory_space<vmem>>, vector<8x128xf32>,
      %broadcast_in_dim3A_25 = arith.constant 0.000000e+00 : f32
      %broadcast_in_dim3A_26 = vector.broadcast %broadcast_in_dim3A_25 : f32 to vector<8x128xf32>
      %swap3A_27 = arith.constant 0 : index
      %swap3A_28 = arith.constant 0 : index
      %swap3A_29 = vector.load %arg8[%swap3A_27, %swap3A_28] : memref<8x128xf32, #tpu.memory_space<vmem>>, vector<8x128xf32>
      tpu.vector_store %arg8[%swap3A_27, %swap3A_28], %broadcast_in_dim3A_26 {strides = array<i32>} : memref<8x128xf32, #tpu.memory_space<vmem>>, vector<8x128xf32>,
    } else {
    }
    %get3A = arith.constant 0 : index
    %get3A_4 = arith.constant 0 : index
    %get3A_5 = vector.load %arg3[%get3A, %get3A_4] : memref<512x32xf32, #tpu.memory_space<vmem>>, vector<512x32xf32>
    %concatenate3A = tpu.concatenate %get3A_5, %get3A_5, %get3A_5, %get3A_5 in 1 : vector<512x32xf32>, vector<512x32xf32>, vector<512x32xf32>, vector<512x32xf32> -> vector<512x128xf32>
    %broadcast_in_dim3A = vector.shape_cast %concatenate3A : vector<512x128xf32> to vector<512x1x128xf32>
    %broadcast_in_dim3A_6 = vector.shape_cast %broadcast_in_dim3A : vector<512x1x128xf32> to vector<512x1x128xf32>
    %broadcast_in_dim3A_7 = vector.broadcast %broadcast_in_dim3A_6 : vector<512x1x128xf32> to vector<512x4x128xf32>
    %reshape3A = vector.shape_cast %broadcast_in_dim3A_7 : vector<512x4x128xf32> to vector<2048x128xf32>
    %get3A_8 = arith.constant 0 : index
    %get3A_9 = arith.constant 0 : index
    %get3A_10 = vector.load %arg2[%get3A_8, %get3A_9] : memref<2048x128xf32, #tpu.memory_space<vmem>>, vector<2048x128xf32>
    %sub3A = arith.subf %get3A_10, %reshape3A : vector<2048x128xf32>
    %eq3A_11 = arith.constant 0 : i32
    %eq3A_12 = arith.cmpi eq, %arg0, %eq3A_11 : i32
    %convert_element_type3A_13 = arith.extui %eq3A_12 : i1 to i32
    %cond3A_14 = arith.constant 0 : i32
    %cond3A_15 = arith.cmpi ne, %convert_element_type3A_13, %cond3A_14 : i32
    scf.if %cond3A_15 {
      %get3A_21 = arith.constant 0 : index
      %get3A_22 = arith.constant 0 : index
      %get3A_23 = vector.load %arg9[%get3A_21, %get3A_22] : memref<8x128xf32, #tpu.memory_space<vmem>>, vector<1x128xf32>
      %reduce_sum3A = arith.constant dense<0.000000e+00> : vector<128xf32>
      %reduce_sum3A_24 = vector.multi_reduction <add>, %sub3A, %reduce_sum3A [0] : vector<2048x128xf32> to vector<128xf32>
      %broadcast_in_dim3A_25 = vector.shape_cast %reduce_sum3A_24 : vector<128xf32> to vector<1x128xf32>
      %add3A = arith.addf %get3A_23, %broadcast_in_dim3A_25 : vector<1x128xf32>
      %swap3A = arith.constant 0 : index
      %swap3A_26 = arith.constant 0 : index
      %swap3A_27 = vector.load %arg9[%swap3A, %swap3A_26] : memref<8x128xf32, #tpu.memory_space<vmem>>, vector<1x128xf32>
      tpu.vector_store %arg9[%swap3A, %swap3A_26], %add3A {strides = array<i32>} : memref<8x128xf32, #tpu.memory_space<vmem>>, vector<1x128xf32>,
      %get3A_28 = arith.constant 1 : index
      %get3A_29 = arith.constant 0 : index
      %get3A_30 = vector.load %arg9[%get3A_28, %get3A_29] : memref<8x128xf32, #tpu.memory_space<vmem>>, vector<1x128xf32>
      %mul3A = arith.mulf %sub3A, %sub3A : vector<2048x128xf32>
      %reduce_sum3A_31 = arith.constant dense<0.000000e+00> : vector<128xf32>
      %reduce_sum3A_32 = vector.multi_reduction <add>, %mul3A, %reduce_sum3A_31 [0] : vector<2048x128xf32> to vector<128xf32>
      %broadcast_in_dim3A_33 = vector.shape_cast %reduce_sum3A_32 : vector<128xf32> to vector<1x128xf32>
      %add3A_34 = arith.addf %get3A_30, %broadcast_in_dim3A_33 : vector<1x128xf32>
      %swap3A_35 = arith.constant 1 : index
      %swap3A_36 = arith.constant 0 : index
      %swap3A_37 = vector.load %arg9[%swap3A_35, %swap3A_36] : memref<8x128xf32, #tpu.memory_space<vmem>>, vector<1x128xf32>
      tpu.vector_store %arg9[%swap3A_35, %swap3A_36], %add3A_34 {strides = array<i32>} : memref<8x128xf32, #tpu.memory_space<vmem>>, vector<1x128xf32>,
    } else {
    }
    %eq3A_16 = arith.constant 1 : i32
    %eq3A_17 = arith.cmpi eq, %arg0, %eq3A_16 : i32
    %convert_element_type3A_18 = arith.extui %eq3A_17 : i1 to i32
    %cond3A_19 = arith.constant 0 : i32
    %cond3A_20 = arith.cmpi ne, %convert_element_type3A_18, %cond3A_19 : i32
    scf.if %cond3A_20 {
      %get3A_21 = arith.constant 0 : index
      %get3A_22 = arith.constant 0 : index
      %get3A_23 = vector.load %arg9[%get3A_21, %get3A_22] : memref<8x128xf32, #tpu.memory_space<vmem>>, vector<1x128xf32>
      %get3A_24 = arith.constant 1 : index
      %get3A_25 = arith.constant 0 : index
      %get3A_26 = vector.load %arg9[%get3A_24, %get3A_25] : memref<8x128xf32, #tpu.memory_space<vmem>>, vector<1x128xf32>
      %slice3A = vector.extract_strided_slice %get3A_23 {offsets = [0, 0], sizes = [1, 32], strides = [1, 1]} : vector<1x128xf32> to vector<1x32xf32>
      %slice3A_27 = vector.extract_strided_slice %get3A_23 {offsets = [0, 32], sizes = [1, 32], strides = [1, 1]} : vector<1x128xf32> to vector<1x32xf32>
      %add3A = arith.addf %slice3A, %slice3A_27 : vector<1x32xf32>
      %slice3A_28 = vector.extract_strided_slice %get3A_23 {offsets = [0, 64], sizes = [1, 32], strides = [1, 1]} : vector<1x128xf32> to vector<1x32xf32>
      %slice3A_29 = vector.extract_strided_slice %get3A_23 {offsets = [0, 96], sizes = [1, 32], strides = [1, 1]} : vector<1x128xf32> to vector<1x32xf32>
      %add3A_30 = arith.addf %slice3A_28, %slice3A_29 : vector<1x32xf32>
      %add3A_31 = arith.addf %add3A, %add3A_30 : vector<1x32xf32>
      %slice3A_32 = vector.extract_strided_slice %get3A_26 {offsets = [0, 0], sizes = [1, 32], strides = [1, 1]} : vector<1x128xf32> to vector<1x32xf32>
      %slice3A_33 = vector.extract_strided_slice %get3A_26 {offsets = [0, 32], sizes = [1, 32], strides = [1, 1]} : vector<1x128xf32> to vector<1x32xf32>
      %add3A_34 = arith.addf %slice3A_32, %slice3A_33 : vector<1x32xf32>
      %slice3A_35 = vector.extract_strided_slice %get3A_26 {offsets = [0, 64], sizes = [1, 32], strides = [1, 1]} : vector<1x128xf32> to vector<1x32xf32>
      %slice3A_36 = vector.extract_strided_slice %get3A_26 {offsets = [0, 96], sizes = [1, 32], strides = [1, 1]} : vector<1x128xf32> to vector<1x32xf32>
      %add3A_37 = arith.addf %slice3A_35, %slice3A_36 : vector<1x32xf32>
      %add3A_38 = arith.addf %add3A_34, %add3A_37 : vector<1x32xf32>
      %div3A = arith.constant 3.276800e+04 : f32
      %div3A_39 = vector.broadcast %div3A : f32 to vector<1x32xf32>
      %div3A_40 = arith.divf %add3A_31, %div3A_39 : vector<1x32xf32>
      %div3A_41 = arith.constant 3.276800e+04 : f32
      %div3A_42 = vector.broadcast %div3A_41 : f32 to vector<1x32xf32>
      %div3A_43 = arith.divf %add3A_38, %div3A_42 : vector<1x32xf32>
      %mul3A = arith.mulf %div3A_40, %div3A_40 : vector<1x32xf32>
      %sub3A_44 = arith.subf %div3A_43, %mul3A : vector<1x32xf32>
      %add3A_45 = arith.constant 1.000000e-03 : f32
      %add3A_46 = vector.broadcast %add3A_45 : f32 to vector<1x32xf32>
      %add3A_47 = arith.addf %sub3A_44, %add3A_46 : vector<1x32xf32>
      %rsqrt3A = math.rsqrt %add3A_47 : vector<1x32xf32>
      %concatenate3A_48 = tpu.concatenate %div3A_40, %div3A_40, %div3A_40, %div3A_40 in 1 : vector<1x32xf32>, vector<1x32xf32>, vector<1x32xf32>, vector<1x32xf32> -> vector<1x128xf32>
      %concatenate3A_49 = tpu.concatenate %rsqrt3A, %rsqrt3A, %rsqrt3A, %rsqrt3A in 1 : vector<1x32xf32>, vector<1x32xf32>, vector<1x32xf32>, vector<1x32xf32> -> vector<1x128xf32>
      %get3A_50 = arith.constant 0 : index
      %get3A_51 = arith.constant 0 : index
      %get3A_52 = vector.load %arg4[%get3A_50, %get3A_51] : memref<1x128xf32, #tpu.memory_space<vmem>>, vector<1x128xf32>
      %mul3A_53 = arith.mulf %concatenate3A_49, %get3A_52 : vector<1x128xf32>
      %sub3A_54 = vector.broadcast %concatenate3A_48 : vector<1x128xf32> to vector<2048x128xf32>
      %sub3A_55 = arith.subf %sub3A, %sub3A_54 : vector<2048x128xf32>
      %mul3A_56 = vector.broadcast %mul3A_53 : vector<1x128xf32> to vector<2048x128xf32>
      %mul3A_57 = arith.mulf %sub3A_55, %mul3A_56 : vector<2048x128xf32>
      %get3A_58 = arith.constant 0 : index
      %get3A_59 = arith.constant 0 : index
      %get3A_60 = vector.load %arg5[%get3A_58, %get3A_59] : memref<1x128xf32, #tpu.memory_space<vmem>>, vector<1x128xf32>
      %add3A_61 = vector.broadcast %get3A_60 : vector<1x128xf32> to vector<2048x128xf32>
      %add3A_62 = arith.addf %mul3A_57, %add3A_61 : vector<2048x128xf32>
      %max3A = arith.constant 0.000000e+00 : f32
      %max3A_63 = vector.broadcast %max3A : f32 to vector<2048x128xf32>
      %max3A_64 = arith.maximumf %add3A_62, %max3A_63 : vector<2048x128xf32>
      %convert_element_type3A_65 = arith.truncf %max3A_64 : vector<2048x128xf32> to vector<2048x128xbf16>
      %get3A_66 = arith.constant 0 : index
      %get3A_67 = arith.constant 0 : index
      %get3A_68 = vector.load %arg6[%get3A_66, %get3A_67] : memref<128x128xbf16, #tpu.memory_space<vmem>>, vector<128x128xbf16>
      %dot_general3A = arith.constant dense<0.000000e+00> : vector<2048x128xf32>
      %dot_general3A_69 = tpu.matmul %convert_element_type3A_65, %get3A_68, %dot_general3A {dimension_numbers = #tpu.dot_dimension_numbers<[1], [0], [0], [1], [0, 0, 1, 1], [], []>, transpose_lhs_hint = false} : vector<2048x128xbf16>, vector<128x128xbf16>, vector<2048x128xf32> -> vector<2048x128xf32>
      %reduce_sum3A = arith.constant dense<0.000000e+00> : vector<128xf32>
      %reduce_sum3A_70 = vector.multi_reduction <add>, %dot_general3A_69, %reduce_sum3A [0] : vector<2048x128xf32> to vector<128xf32>
      %broadcast_in_dim3A_71 = vector.shape_cast %reduce_sum3A_70 : vector<128xf32> to vector<1x128xf32>
      %mul3A_72 = arith.mulf %dot_general3A_69, %dot_general3A_69 : vector<2048x128xf32>
      %reduce_sum3A_73 = arith.constant dense<0.000000e+00> : vector<128xf32>
      %reduce_sum3A_74 = vector.multi_reduction <add>, %mul3A_72, %reduce_sum3A_73 [0] : vector<2048x128xf32> to vector<128xf32>
      %broadcast_in_dim3A_75 = vector.shape_cast %reduce_sum3A_74 : vector<128xf32> to vector<1x128xf32>
      %slice3A_76 = vector.extract_strided_slice %broadcast_in_dim3A_71 {offsets = [0, 0], sizes = [1, 32], strides = [1, 1]} : vector<1x128xf32> to vector<1x32xf32>
      %slice3A_77 = vector.extract_strided_slice %broadcast_in_dim3A_71 {offsets = [0, 32], sizes = [1, 32], strides = [1, 1]} : vector<1x128xf32> to vector<1x32xf32>
      %add3A_78 = arith.addf %slice3A_76, %slice3A_77 : vector<1x32xf32>
      %slice3A_79 = vector.extract_strided_slice %broadcast_in_dim3A_71 {offsets = [0, 64], sizes = [1, 32], strides = [1, 1]} : vector<1x128xf32> to vector<1x32xf32>
      %slice3A_80 = vector.extract_strided_slice %broadcast_in_dim3A_71 {offsets = [0, 96], sizes = [1, 32], strides = [1, 1]} : vector<1x128xf32> to vector<1x32xf32>
      %add3A_81 = arith.addf %slice3A_79, %slice3A_80 : vector<1x32xf32>
      %add3A_82 = arith.addf %add3A_78, %add3A_81 : vector<1x32xf32>
      %slice3A_83 = vector.extract_strided_slice %broadcast_in_dim3A_75 {offsets = [0, 0], sizes = [1, 32], strides = [1, 1]} : vector<1x128xf32> to vector<1x32xf32>
      %slice3A_84 = vector.extract_strided_slice %broadcast_in_dim3A_75 {offsets = [0, 32], sizes = [1, 32], strides = [1, 1]} : vector<1x128xf32> to vector<1x32xf32>
      %add3A_85 = arith.addf %slice3A_83, %slice3A_84 : vector<1x32xf32>
      %slice3A_86 = vector.extract_strided_slice %broadcast_in_dim3A_75 {offsets = [0, 64], sizes = [1, 32], strides = [1, 1]} : vector<1x128xf32> to vector<1x32xf32>
      %slice3A_87 = vector.extract_strided_slice %broadcast_in_dim3A_75 {offsets = [0, 96], sizes = [1, 32], strides = [1, 1]} : vector<1x128xf32> to vector<1x32xf32>
      %add3A_88 = arith.addf %slice3A_86, %slice3A_87 : vector<1x32xf32>
      %add3A_89 = arith.addf %add3A_85, %add3A_88 : vector<1x32xf32>
      %get3A_90 = arith.constant 0 : index
      %get3A_91 = arith.constant 0 : index
      %get3A_92 = vector.load %arg8[%get3A_90, %get3A_91] : memref<8x128xf32, #tpu.memory_space<vmem>>, vector<1x32xf32>
      %add3A_93 = arith.addf %get3A_92, %add3A_82 : vector<1x32xf32>
      %swap3A = arith.constant 0 : index
      %swap3A_94 = arith.constant 0 : index
      %swap3A_95 = vector.load %arg8[%swap3A, %swap3A_94] : memref<8x128xf32, #tpu.memory_space<vmem>>, vector<1x32xf32>
      tpu.vector_store %arg8[%swap3A, %swap3A_94], %add3A_93 {strides = array<i32>} : memref<8x128xf32, #tpu.memory_space<vmem>>, vector<1x32xf32>,
      %get3A_96 = arith.constant 1 : index
      %get3A_97 = arith.constant 0 : index
      %get3A_98 = vector.load %arg8[%get3A_96, %get3A_97] : memref<8x128xf32, #tpu.memory_space<vmem>>, vector<1x32xf32>
      %add3A_99 = arith.addf %get3A_98, %add3A_89 : vector<1x32xf32>
      %swap3A_100 = arith.constant 1 : index
      %swap3A_101 = arith.constant 0 : index
      %swap3A_102 = vector.load %arg8[%swap3A_100, %swap3A_101] : memref<8x128xf32, #tpu.memory_space<vmem>>, vector<1x32xf32>
      tpu.vector_store %arg8[%swap3A_100, %swap3A_101], %add3A_99 {strides = array<i32>} : memref<8x128xf32, #tpu.memory_space<vmem>>, vector<1x32xf32>,
      %slice3A_103 = vector.extract_strided_slice %dot_general3A_69 {offsets = [0, 0], sizes = [2048, 32], strides = [1, 1]} : vector<2048x128xf32> to vector<2048x32xf32>
      %slice3A_104 = vector.extract_strided_slice %dot_general3A_69 {offsets = [0, 32], sizes = [2048, 32], strides = [1, 1]} : vector<2048x128xf32> to vector<2048x32xf32>
      %max3A_105 = arith.maximumf %slice3A_103, %slice3A_104 : vector<2048x32xf32>
      %slice3A_106 = vector.extract_strided_slice %dot_general3A_69 {offsets = [0, 64], sizes = [2048, 32], strides = [1, 1]} : vector<2048x128xf32> to vector<2048x32xf32>
      %slice3A_107 = vector.extract_strided_slice %dot_general3A_69 {offsets = [0, 96], sizes = [2048, 32], strides = [1, 1]} : vector<2048x128xf32> to vector<2048x32xf32>
      %max3A_108 = arith.maximumf %slice3A_106, %slice3A_107 : vector<2048x32xf32>
      %max3A_109 = arith.maximumf %max3A_105, %max3A_108 : vector<2048x32xf32>
      %reshape3A_110 = vector.shape_cast %max3A_109 : vector<2048x32xf32> to vector<512x4x32xf32>
      %reduce_max3A = arith.constant dense<0xFF800000> : vector<512x32xf32>
      %reduce_max3A_111 = vector.multi_reduction <maximumf>, %reshape3A_110, %reduce_max3A [1] : vector<512x4x32xf32> to vector<512x32xf32>
      %swap3A_112 = arith.constant 0 : index
      %swap3A_113 = arith.constant 0 : index
      %swap3A_114 = vector.load %arg7[%swap3A_112, %swap3A_113] : memref<512x32xf32, #tpu.memory_space<vmem>>, vector<512x32xf32>
      tpu.vector_store %arg7[%swap3A_112, %swap3A_113], %reduce_max3A_111 {strides = array<i32>} : memref<512x32xf32, #tpu.memory_space<vmem>>, vector<512x32xf32>,
    } else {
    }
    return
  }
  func.func @transform_0(%arg0: i32, %arg1: i32) -> (i32, i32) {
    %c0_i32 = arith.constant 0 : i32
    %c0_i32_0 = arith.constant 0 : i32
    return %arg1, %c0_i32 : i32, i32
  }
  func.func @transform_1(%arg0: i32, %arg1: i32) -> (i32, i32) {
    %c0_i32 = arith.constant 0 : i32
    %c0_i32_0 = arith.constant 0 : i32
    return %arg1, %c0_i32 : i32, i32
  }
  func.func @transform_2(%arg0: i32, %arg1: i32) -> (i32, i32) {
    %c0_i32 = arith.constant 0 : i32
    %c0_i32_0 = arith.constant 0 : i32
    %c0_i32_1 = arith.constant 0 : i32
    return %c0_i32, %c0_i32_0 : i32, i32
  }
  func.func @transform_3(%arg0: i32, %arg1: i32) -> (i32, i32) {
    %c0_i32 = arith.constant 0 : i32
    %c0_i32_0 = arith.constant 0 : i32
    %c0_i32_1 = arith.constant 0 : i32
    return %c0_i32, %c0_i32_0 : i32, i32
  }
  func.func @transform_4(%arg0: i32, %arg1: i32) -> (i32, i32) {
    %c0_i32 = arith.constant 0 : i32
    %c0_i32_0 = arith.constant 0 : i32
    %c0_i32_1 = arith.constant 0 : i32
    return %c0_i32, %c0_i32_0 : i32, i32
  }
  func.func @transform_5(%arg0: i32, %arg1: i32) -> (i32, i32) {
    %c0_i32 = arith.constant 0 : i32
    %c0_i32_0 = arith.constant 0 : i32
    return %arg1, %c0_i32 : i32, i32
  }
  func.func @transform_6(%arg0: i32, %arg1: i32) -> (i32, i32) {
    %c0_i32 = arith.constant 0 : i32
    %c0_i32_0 = arith.constant 0 : i32
    %c0_i32_1 = arith.constant 0 : i32
    return %c0_i32, %c0_i32_0 : i32, i32
  }
}

module attributes {stable_mosaic.version = 14 : i64} {
  func.func @fin(%arg0: memref<2048x32xf32, #tpu.memory_space<vmem>>, %arg1: memref<8x128xf32, #tpu.memory_space<vmem>>, %arg2: memref<1x32xf32, #tpu.memory_space<vmem>>, %arg3: memref<1x32xf32, #tpu.memory_space<vmem>>, %arg4: memref<2048x32xf32, #tpu.memory_space<vmem>>) attributes {dimension_semantics = [], scalar_prefetch = 0 : i64, scratch_operands = 0 : i64, tpu.core_type = #tpu.core_type<tc>} {
    %get3A = arith.constant 0 : index
    %get3A_0 = arith.constant 0 : index
    %get3A_1 = vector.load %arg1[%get3A, %get3A_0] : memref<8x128xf32, #tpu.memory_space<vmem>>, vector<1x32xf32>
    %div3A = arith.constant 3.276800e+04 : f32
    %div3A_2 = vector.broadcast %div3A : f32 to vector<1x32xf32>
    %div3A_3 = arith.divf %get3A_1, %div3A_2 : vector<1x32xf32>
    %get3A_4 = arith.constant 1 : index
    %get3A_5 = arith.constant 0 : index
    %get3A_6 = vector.load %arg1[%get3A_4, %get3A_5] : memref<8x128xf32, #tpu.memory_space<vmem>>, vector<1x32xf32>
    %div3A_7 = arith.constant 3.276800e+04 : f32
    %div3A_8 = vector.broadcast %div3A_7 : f32 to vector<1x32xf32>
    %div3A_9 = arith.divf %get3A_6, %div3A_8 : vector<1x32xf32>
    %mul3A = arith.mulf %div3A_3, %div3A_3 : vector<1x32xf32>
    %sub3A = arith.subf %div3A_9, %mul3A : vector<1x32xf32>
    %get3A_10 = arith.constant 0 : index
    %get3A_11 = arith.constant 0 : index
    %get3A_12 = vector.load %arg0[%get3A_10, %get3A_11] : memref<2048x32xf32, #tpu.memory_space<vmem>>, vector<2048x32xf32>
    %sub3A_13 = vector.broadcast %div3A_3 : vector<1x32xf32> to vector<2048x32xf32>
    %sub3A_14 = arith.subf %get3A_12, %sub3A_13 : vector<2048x32xf32>
    %add3A = arith.constant 1.000000e-03 : f32
    %add3A_15 = vector.broadcast %add3A : f32 to vector<1x32xf32>
    %add3A_16 = arith.addf %sub3A, %add3A_15 : vector<1x32xf32>
    %rsqrt3A = math.rsqrt %add3A_16 : vector<1x32xf32>
    %get3A_17 = arith.constant 0 : index
    %get3A_18 = arith.constant 0 : index
    %get3A_19 = vector.load %arg2[%get3A_17, %get3A_18] : memref<1x32xf32, #tpu.memory_space<vmem>>, vector<1x32xf32>
    %mul3A_20 = arith.mulf %rsqrt3A, %get3A_19 : vector<1x32xf32>
    %mul3A_21 = vector.broadcast %mul3A_20 : vector<1x32xf32> to vector<2048x32xf32>
    %mul3A_22 = arith.mulf %sub3A_14, %mul3A_21 : vector<2048x32xf32>
    %get3A_23 = arith.constant 0 : index
    %get3A_24 = arith.constant 0 : index
    %get3A_25 = vector.load %arg3[%get3A_23, %get3A_24] : memref<1x32xf32, #tpu.memory_space<vmem>>, vector<1x32xf32>
    %add3A_26 = vector.broadcast %get3A_25 : vector<1x32xf32> to vector<2048x32xf32>
    %add3A_27 = arith.addf %mul3A_22, %add3A_26 : vector<2048x32xf32>
    %max3A = arith.constant 0.000000e+00 : f32
    %max3A_28 = vector.broadcast %max3A : f32 to vector<2048x32xf32>
    %max3A_29 = arith.maximumf %add3A_27, %max3A_28 : vector<2048x32xf32>
    %swap3A = arith.constant 0 : index
    %swap3A_30 = arith.constant 0 : index
    %swap3A_31 = vector.load %arg4[%swap3A, %swap3A_30] : memref<2048x32xf32, #tpu.memory_space<vmem>>, vector<2048x32xf32>
    tpu.vector_store %arg4[%swap3A, %swap3A_30], %max3A_29 {strides = array<i32>} : memref<2048x32xf32, #tpu.memory_space<vmem>>, vector<2048x32xf32>,
    return
  }
}

module attributes {stable_mosaic.version = 14 : i64} {
  func.func @body(%arg0: i32, %arg1: i32, %arg2: memref<2048x128xf32, #tpu.memory_space<vmem>>, %arg3: memref<256x32xf32, #tpu.memory_space<vmem>>, %arg4: memref<1x128xf32, #tpu.memory_space<vmem>>, %arg5: memref<1x128xf32, #tpu.memory_space<vmem>>, %arg6: memref<128x256xbf16, #tpu.memory_space<vmem>>, %arg7: memref<256x64xf32, #tpu.memory_space<vmem>>, %arg8: memref<8x128xf32, #tpu.memory_space<vmem>>, %arg9: memref<8x128xf32, #tpu.memory_space<vmem>>) attributes {dimension_semantics = [#tpu.dimension_semantics<arbitrary>, #tpu.dimension_semantics<arbitrary>], iteration_bounds = array<i64: 2, 8>, scalar_prefetch = 0 : i64, scratch_operands = 1 : i64, tpu.core_type = #tpu.core_type<tc>, window_params = [{transform_indices = @transform_0, window_bounds = array<i64: 2048, 128>}, {transform_indices = @transform_1, window_bounds = array<i64: 256, 32>}, {pipeline_mode = #tpu.pipeline_mode<synchronous>, transform_indices = @transform_2, window_bounds = array<i64: 1, 128>}, {pipeline_mode = #tpu.pipeline_mode<synchronous>, transform_indices = @transform_3, window_bounds = array<i64: 1, 128>}, {pipeline_mode = #tpu.pipeline_mode<synchronous>, transform_indices = @transform_4, window_bounds = array<i64: 128, 256>}, {transform_indices = @transform_5, window_bounds = array<i64: 256, 64>}, {pipeline_mode = #tpu.pipeline_mode<synchronous>, transform_indices = @transform_6, window_bounds = array<i64: 8, 128>}]} {
    %eq3A = arith.constant 0 : i32
    %eq3A_0 = arith.cmpi eq, %arg0, %eq3A : i32
    %eq3A_1 = arith.constant 0 : i32
    %eq3A_2 = arith.cmpi eq, %arg1, %eq3A_1 : i32
    %and3A = arith.andi %eq3A_0, %eq3A_2 : i1
    %convert_element_type3A = arith.extui %and3A : i1 to i32
    %cond3A = arith.constant 0 : i32
    %cond3A_3 = arith.cmpi ne, %convert_element_type3A, %cond3A : i32
    scf.if %cond3A_3 {
      %broadcast_in_dim3A_21 = arith.constant 0.000000e+00 : f32
      %broadcast_in_dim3A_22 = vector.broadcast %broadcast_in_dim3A_21 : f32 to vector<8x128xf32>
      %swap3A = arith.constant 0 : index
      %swap3A_23 = arith.constant 0 : index
      %swap3A_24 = vector.load %arg9[%swap3A, %swap3A_23] : memref<8x128xf32, #tpu.memory_space<vmem>>, vector<8x128xf32>
      tpu.vector_store %arg9[%swap3A, %swap3A_23], %broadcast_in_dim3A_22 {strides = array<i32>} : memref<8x128xf32, #tpu.memory_space<vmem>>, vector<8x128xf32>,
      %broadcast_in_dim3A_25 = arith.constant 0.000000e+00 : f32
      %broadcast_in_dim3A_26 = vector.broadcast %broadcast_in_dim3A_25 : f32 to vector<8x128xf32>
      %swap3A_27 = arith.constant 0 : index
      %swap3A_28 = arith.constant 0 : index
      %swap3A_29 = vector.load %arg8[%swap3A_27, %swap3A_28] : memref<8x128xf32, #tpu.memory_space<vmem>>, vector<8x128xf32>
      tpu.vector_store %arg8[%swap3A_27, %swap3A_28], %broadcast_in_dim3A_26 {strides = array<i32>} : memref<8x128xf32, #tpu.memory_space<vmem>>, vector<8x128xf32>,
    } else {
    }
    %get3A = arith.constant 0 : index
    %get3A_4 = arith.constant 0 : index
    %get3A_5 = vector.load %arg3[%get3A, %get3A_4] : memref<256x32xf32, #tpu.memory_space<vmem>>, vector<256x32xf32>
    %concatenate3A = tpu.concatenate %get3A_5, %get3A_5, %get3A_5, %get3A_5 in 1 : vector<256x32xf32>, vector<256x32xf32>, vector<256x32xf32>, vector<256x32xf32> -> vector<256x128xf32>
    %broadcast_in_dim3A = vector.shape_cast %concatenate3A : vector<256x128xf32> to vector<256x1x128xf32>
    %broadcast_in_dim3A_6 = vector.shape_cast %broadcast_in_dim3A : vector<256x1x128xf32> to vector<256x1x128xf32>
    %broadcast_in_dim3A_7 = vector.broadcast %broadcast_in_dim3A_6 : vector<256x1x128xf32> to vector<256x8x128xf32>
    %reshape3A = vector.shape_cast %broadcast_in_dim3A_7 : vector<256x8x128xf32> to vector<2048x128xf32>
    %get3A_8 = arith.constant 0 : index
    %get3A_9 = arith.constant 0 : index
    %get3A_10 = vector.load %arg2[%get3A_8, %get3A_9] : memref<2048x128xf32, #tpu.memory_space<vmem>>, vector<2048x128xf32>
    %sub3A = arith.subf %get3A_10, %reshape3A : vector<2048x128xf32>
    %eq3A_11 = arith.constant 0 : i32
    %eq3A_12 = arith.cmpi eq, %arg0, %eq3A_11 : i32
    %convert_element_type3A_13 = arith.extui %eq3A_12 : i1 to i32
    %cond3A_14 = arith.constant 0 : i32
    %cond3A_15 = arith.cmpi ne, %convert_element_type3A_13, %cond3A_14 : i32
    scf.if %cond3A_15 {
      %get3A_21 = arith.constant 0 : index
      %get3A_22 = arith.constant 0 : index
      %get3A_23 = vector.load %arg9[%get3A_21, %get3A_22] : memref<8x128xf32, #tpu.memory_space<vmem>>, vector<1x128xf32>
      %reduce_sum3A = arith.constant dense<0.000000e+00> : vector<128xf32>
      %reduce_sum3A_24 = vector.multi_reduction <add>, %sub3A, %reduce_sum3A [0] : vector<2048x128xf32> to vector<128xf32>
      %broadcast_in_dim3A_25 = vector.shape_cast %reduce_sum3A_24 : vector<128xf32> to vector<1x128xf32>
      %add3A = arith.addf %get3A_23, %broadcast_in_dim3A_25 : vector<1x128xf32>
      %swap3A = arith.constant 0 : index
      %swap3A_26 = arith.constant 0 : index
      %swap3A_27 = vector.load %arg9[%swap3A, %swap3A_26] : memref<8x128xf32, #tpu.memory_space<vmem>>, vector<1x128xf32>
      tpu.vector_store %arg9[%swap3A, %swap3A_26], %add3A {strides = array<i32>} : memref<8x128xf32, #tpu.memory_space<vmem>>, vector<1x128xf32>,
      %get3A_28 = arith.constant 1 : index
      %get3A_29 = arith.constant 0 : index
      %get3A_30 = vector.load %arg9[%get3A_28, %get3A_29] : memref<8x128xf32, #tpu.memory_space<vmem>>, vector<1x128xf32>
      %mul3A = arith.mulf %sub3A, %sub3A : vector<2048x128xf32>
      %reduce_sum3A_31 = arith.constant dense<0.000000e+00> : vector<128xf32>
      %reduce_sum3A_32 = vector.multi_reduction <add>, %mul3A, %reduce_sum3A_31 [0] : vector<2048x128xf32> to vector<128xf32>
      %broadcast_in_dim3A_33 = vector.shape_cast %reduce_sum3A_32 : vector<128xf32> to vector<1x128xf32>
      %add3A_34 = arith.addf %get3A_30, %broadcast_in_dim3A_33 : vector<1x128xf32>
      %swap3A_35 = arith.constant 1 : index
      %swap3A_36 = arith.constant 0 : index
      %swap3A_37 = vector.load %arg9[%swap3A_35, %swap3A_36] : memref<8x128xf32, #tpu.memory_space<vmem>>, vector<1x128xf32>
      tpu.vector_store %arg9[%swap3A_35, %swap3A_36], %add3A_34 {strides = array<i32>} : memref<8x128xf32, #tpu.memory_space<vmem>>, vector<1x128xf32>,
    } else {
    }
    %eq3A_16 = arith.constant 1 : i32
    %eq3A_17 = arith.cmpi eq, %arg0, %eq3A_16 : i32
    %convert_element_type3A_18 = arith.extui %eq3A_17 : i1 to i32
    %cond3A_19 = arith.constant 0 : i32
    %cond3A_20 = arith.cmpi ne, %convert_element_type3A_18, %cond3A_19 : i32
    scf.if %cond3A_20 {
      %get3A_21 = arith.constant 0 : index
      %get3A_22 = arith.constant 0 : index
      %get3A_23 = vector.load %arg9[%get3A_21, %get3A_22] : memref<8x128xf32, #tpu.memory_space<vmem>>, vector<1x128xf32>
      %get3A_24 = arith.constant 1 : index
      %get3A_25 = arith.constant 0 : index
      %get3A_26 = vector.load %arg9[%get3A_24, %get3A_25] : memref<8x128xf32, #tpu.memory_space<vmem>>, vector<1x128xf32>
      %slice3A = vector.extract_strided_slice %get3A_23 {offsets = [0, 0], sizes = [1, 32], strides = [1, 1]} : vector<1x128xf32> to vector<1x32xf32>
      %slice3A_27 = vector.extract_strided_slice %get3A_23 {offsets = [0, 32], sizes = [1, 32], strides = [1, 1]} : vector<1x128xf32> to vector<1x32xf32>
      %add3A = arith.addf %slice3A, %slice3A_27 : vector<1x32xf32>
      %slice3A_28 = vector.extract_strided_slice %get3A_23 {offsets = [0, 64], sizes = [1, 32], strides = [1, 1]} : vector<1x128xf32> to vector<1x32xf32>
      %slice3A_29 = vector.extract_strided_slice %get3A_23 {offsets = [0, 96], sizes = [1, 32], strides = [1, 1]} : vector<1x128xf32> to vector<1x32xf32>
      %add3A_30 = arith.addf %slice3A_28, %slice3A_29 : vector<1x32xf32>
      %add3A_31 = arith.addf %add3A, %add3A_30 : vector<1x32xf32>
      %slice3A_32 = vector.extract_strided_slice %get3A_26 {offsets = [0, 0], sizes = [1, 32], strides = [1, 1]} : vector<1x128xf32> to vector<1x32xf32>
      %slice3A_33 = vector.extract_strided_slice %get3A_26 {offsets = [0, 32], sizes = [1, 32], strides = [1, 1]} : vector<1x128xf32> to vector<1x32xf32>
      %add3A_34 = arith.addf %slice3A_32, %slice3A_33 : vector<1x32xf32>
      %slice3A_35 = vector.extract_strided_slice %get3A_26 {offsets = [0, 64], sizes = [1, 32], strides = [1, 1]} : vector<1x128xf32> to vector<1x32xf32>
      %slice3A_36 = vector.extract_strided_slice %get3A_26 {offsets = [0, 96], sizes = [1, 32], strides = [1, 1]} : vector<1x128xf32> to vector<1x32xf32>
      %add3A_37 = arith.addf %slice3A_35, %slice3A_36 : vector<1x32xf32>
      %add3A_38 = arith.addf %add3A_34, %add3A_37 : vector<1x32xf32>
      %div3A = arith.constant 6.553600e+04 : f32
      %div3A_39 = vector.broadcast %div3A : f32 to vector<1x32xf32>
      %div3A_40 = arith.divf %add3A_31, %div3A_39 : vector<1x32xf32>
      %div3A_41 = arith.constant 6.553600e+04 : f32
      %div3A_42 = vector.broadcast %div3A_41 : f32 to vector<1x32xf32>
      %div3A_43 = arith.divf %add3A_38, %div3A_42 : vector<1x32xf32>
      %mul3A = arith.mulf %div3A_40, %div3A_40 : vector<1x32xf32>
      %sub3A_44 = arith.subf %div3A_43, %mul3A : vector<1x32xf32>
      %add3A_45 = arith.constant 1.000000e-03 : f32
      %add3A_46 = vector.broadcast %add3A_45 : f32 to vector<1x32xf32>
      %add3A_47 = arith.addf %sub3A_44, %add3A_46 : vector<1x32xf32>
      %rsqrt3A = math.rsqrt %add3A_47 : vector<1x32xf32>
      %concatenate3A_48 = tpu.concatenate %div3A_40, %div3A_40, %div3A_40, %div3A_40 in 1 : vector<1x32xf32>, vector<1x32xf32>, vector<1x32xf32>, vector<1x32xf32> -> vector<1x128xf32>
      %concatenate3A_49 = tpu.concatenate %rsqrt3A, %rsqrt3A, %rsqrt3A, %rsqrt3A in 1 : vector<1x32xf32>, vector<1x32xf32>, vector<1x32xf32>, vector<1x32xf32> -> vector<1x128xf32>
      %get3A_50 = arith.constant 0 : index
      %get3A_51 = arith.constant 0 : index
      %get3A_52 = vector.load %arg4[%get3A_50, %get3A_51] : memref<1x128xf32, #tpu.memory_space<vmem>>, vector<1x128xf32>
      %mul3A_53 = arith.mulf %concatenate3A_49, %get3A_52 : vector<1x128xf32>
      %sub3A_54 = vector.broadcast %concatenate3A_48 : vector<1x128xf32> to vector<2048x128xf32>
      %sub3A_55 = arith.subf %sub3A, %sub3A_54 : vector<2048x128xf32>
      %mul3A_56 = vector.broadcast %mul3A_53 : vector<1x128xf32> to vector<2048x128xf32>
      %mul3A_57 = arith.mulf %sub3A_55, %mul3A_56 : vector<2048x128xf32>
      %get3A_58 = arith.constant 0 : index
      %get3A_59 = arith.constant 0 : index
      %get3A_60 = vector.load %arg5[%get3A_58, %get3A_59] : memref<1x128xf32, #tpu.memory_space<vmem>>, vector<1x128xf32>
      %add3A_61 = vector.broadcast %get3A_60 : vector<1x128xf32> to vector<2048x128xf32>
      %add3A_62 = arith.addf %mul3A_57, %add3A_61 : vector<2048x128xf32>
      %max3A = arith.constant 0.000000e+00 : f32
      %max3A_63 = vector.broadcast %max3A : f32 to vector<2048x128xf32>
      %max3A_64 = arith.maximumf %add3A_62, %max3A_63 : vector<2048x128xf32>
      %convert_element_type3A_65 = arith.truncf %max3A_64 : vector<2048x128xf32> to vector<2048x128xbf16>
      %get3A_66 = arith.constant 0 : index
      %get3A_67 = arith.constant 0 : index
      %get3A_68 = vector.load %arg6[%get3A_66, %get3A_67] : memref<128x256xbf16, #tpu.memory_space<vmem>>, vector<128x256xbf16>
      %dot_general3A = arith.constant dense<0.000000e+00> : vector<2048x256xf32>
      %dot_general3A_69 = tpu.matmul %convert_element_type3A_65, %get3A_68, %dot_general3A {dimension_numbers = #tpu.dot_dimension_numbers<[1], [0], [0], [1], [0, 0, 1, 1], [], []>, transpose_lhs_hint = false} : vector<2048x128xbf16>, vector<128x256xbf16>, vector<2048x256xf32> -> vector<2048x256xf32>
      %reduce_sum3A = arith.constant dense<0.000000e+00> : vector<256xf32>
      %reduce_sum3A_70 = vector.multi_reduction <add>, %dot_general3A_69, %reduce_sum3A [0] : vector<2048x256xf32> to vector<256xf32>
      %broadcast_in_dim3A_71 = vector.shape_cast %reduce_sum3A_70 : vector<256xf32> to vector<1x256xf32>
      %mul3A_72 = arith.mulf %dot_general3A_69, %dot_general3A_69 : vector<2048x256xf32>
      %reduce_sum3A_73 = arith.constant dense<0.000000e+00> : vector<256xf32>
      %reduce_sum3A_74 = vector.multi_reduction <add>, %mul3A_72, %reduce_sum3A_73 [0] : vector<2048x256xf32> to vector<256xf32>
      %broadcast_in_dim3A_75 = vector.shape_cast %reduce_sum3A_74 : vector<256xf32> to vector<1x256xf32>
      %slice3A_76 = vector.extract_strided_slice %broadcast_in_dim3A_71 {offsets = [0, 0], sizes = [1, 64], strides = [1, 1]} : vector<1x256xf32> to vector<1x64xf32>
      %slice3A_77 = vector.extract_strided_slice %broadcast_in_dim3A_71 {offsets = [0, 64], sizes = [1, 64], strides = [1, 1]} : vector<1x256xf32> to vector<1x64xf32>
      %add3A_78 = arith.addf %slice3A_76, %slice3A_77 : vector<1x64xf32>
      %slice3A_79 = vector.extract_strided_slice %broadcast_in_dim3A_71 {offsets = [0, 128], sizes = [1, 64], strides = [1, 1]} : vector<1x256xf32> to vector<1x64xf32>
      %slice3A_80 = vector.extract_strided_slice %broadcast_in_dim3A_71 {offsets = [0, 192], sizes = [1, 64], strides = [1, 1]} : vector<1x256xf32> to vector<1x64xf32>
      %add3A_81 = arith.addf %slice3A_79, %slice3A_80 : vector<1x64xf32>
      %add3A_82 = arith.addf %add3A_78, %add3A_81 : vector<1x64xf32>
      %slice3A_83 = vector.extract_strided_slice %broadcast_in_dim3A_75 {offsets = [0, 0], sizes = [1, 64], strides = [1, 1]} : vector<1x256xf32> to vector<1x64xf32>
      %slice3A_84 = vector.extract_strided_slice %broadcast_in_dim3A_75 {offsets = [0, 64], sizes = [1, 64], strides = [1, 1]} : vector<1x256xf32> to vector<1x64xf32>
      %add3A_85 = arith.addf %slice3A_83, %slice3A_84 : vector<1x64xf32>
      %slice3A_86 = vector.extract_strided_slice %broadcast_in_dim3A_75 {offsets = [0, 128], sizes = [1, 64], strides = [1, 1]} : vector<1x256xf32> to vector<1x64xf32>
      %slice3A_87 = vector.extract_strided_slice %broadcast_in_dim3A_75 {offsets = [0, 192], sizes = [1, 64], strides = [1, 1]} : vector<1x256xf32> to vector<1x64xf32>
      %add3A_88 = arith.addf %slice3A_86, %slice3A_87 : vector<1x64xf32>
      %add3A_89 = arith.addf %add3A_85, %add3A_88 : vector<1x64xf32>
      %get3A_90 = arith.constant 0 : index
      %get3A_91 = arith.constant 0 : index
      %get3A_92 = vector.load %arg8[%get3A_90, %get3A_91] : memref<8x128xf32, #tpu.memory_space<vmem>>, vector<1x64xf32>
      %add3A_93 = arith.addf %get3A_92, %add3A_82 : vector<1x64xf32>
      %swap3A = arith.constant 0 : index
      %swap3A_94 = arith.constant 0 : index
      %swap3A_95 = vector.load %arg8[%swap3A, %swap3A_94] : memref<8x128xf32, #tpu.memory_space<vmem>>, vector<1x64xf32>
      tpu.vector_store %arg8[%swap3A, %swap3A_94], %add3A_93 {strides = array<i32>} : memref<8x128xf32, #tpu.memory_space<vmem>>, vector<1x64xf32>,
      %get3A_96 = arith.constant 1 : index
      %get3A_97 = arith.constant 0 : index
      %get3A_98 = vector.load %arg8[%get3A_96, %get3A_97] : memref<8x128xf32, #tpu.memory_space<vmem>>, vector<1x64xf32>
      %add3A_99 = arith.addf %get3A_98, %add3A_89 : vector<1x64xf32>
      %swap3A_100 = arith.constant 1 : index
      %swap3A_101 = arith.constant 0 : index
      %swap3A_102 = vector.load %arg8[%swap3A_100, %swap3A_101] : memref<8x128xf32, #tpu.memory_space<vmem>>, vector<1x64xf32>
      tpu.vector_store %arg8[%swap3A_100, %swap3A_101], %add3A_99 {strides = array<i32>} : memref<8x128xf32, #tpu.memory_space<vmem>>, vector<1x64xf32>,
      %slice3A_103 = vector.extract_strided_slice %dot_general3A_69 {offsets = [0, 0], sizes = [2048, 64], strides = [1, 1]} : vector<2048x256xf32> to vector<2048x64xf32>
      %slice3A_104 = vector.extract_strided_slice %dot_general3A_69 {offsets = [0, 64], sizes = [2048, 64], strides = [1, 1]} : vector<2048x256xf32> to vector<2048x64xf32>
      %max3A_105 = arith.maximumf %slice3A_103, %slice3A_104 : vector<2048x64xf32>
      %slice3A_106 = vector.extract_strided_slice %dot_general3A_69 {offsets = [0, 128], sizes = [2048, 64], strides = [1, 1]} : vector<2048x256xf32> to vector<2048x64xf32>
      %slice3A_107 = vector.extract_strided_slice %dot_general3A_69 {offsets = [0, 192], sizes = [2048, 64], strides = [1, 1]} : vector<2048x256xf32> to vector<2048x64xf32>
      %max3A_108 = arith.maximumf %slice3A_106, %slice3A_107 : vector<2048x64xf32>
      %max3A_109 = arith.maximumf %max3A_105, %max3A_108 : vector<2048x64xf32>
      %reshape3A_110 = vector.shape_cast %max3A_109 : vector<2048x64xf32> to vector<256x8x64xf32>
      %reduce_max3A = arith.constant dense<0xFF800000> : vector<256x64xf32>
      %reduce_max3A_111 = vector.multi_reduction <maximumf>, %reshape3A_110, %reduce_max3A [1] : vector<256x8x64xf32> to vector<256x64xf32>
      %swap3A_112 = arith.constant 0 : index
      %swap3A_113 = arith.constant 0 : index
      %swap3A_114 = vector.load %arg7[%swap3A_112, %swap3A_113] : memref<256x64xf32, #tpu.memory_space<vmem>>, vector<256x64xf32>
      tpu.vector_store %arg7[%swap3A_112, %swap3A_113], %reduce_max3A_111 {strides = array<i32>} : memref<256x64xf32, #tpu.memory_space<vmem>>, vector<256x64xf32>,
    } else {
    }
    return
  }
  func.func @transform_0(%arg0: i32, %arg1: i32) -> (i32, i32) {
    %c0_i32 = arith.constant 0 : i32
    %c0_i32_0 = arith.constant 0 : i32
    return %arg1, %c0_i32 : i32, i32
  }
  func.func @transform_1(%arg0: i32, %arg1: i32) -> (i32, i32) {
    %c0_i32 = arith.constant 0 : i32
    %c0_i32_0 = arith.constant 0 : i32
    return %arg1, %c0_i32 : i32, i32
  }
  func.func @transform_2(%arg0: i32, %arg1: i32) -> (i32, i32) {
    %c0_i32 = arith.constant 0 : i32
    %c0_i32_0 = arith.constant 0 : i32
    %c0_i32_1 = arith.constant 0 : i32
    return %c0_i32, %c0_i32_0 : i32, i32
  }
  func.func @transform_3(%arg0: i32, %arg1: i32) -> (i32, i32) {
    %c0_i32 = arith.constant 0 : i32
    %c0_i32_0 = arith.constant 0 : i32
    %c0_i32_1 = arith.constant 0 : i32
    return %c0_i32, %c0_i32_0 : i32, i32
  }
  func.func @transform_4(%arg0: i32, %arg1: i32) -> (i32, i32) {
    %c0_i32 = arith.constant 0 : i32
    %c0_i32_0 = arith.constant 0 : i32
    %c0_i32_1 = arith.constant 0 : i32
    return %c0_i32, %c0_i32_0 : i32, i32
  }
  func.func @transform_5(%arg0: i32, %arg1: i32) -> (i32, i32) {
    %c0_i32 = arith.constant 0 : i32
    %c0_i32_0 = arith.constant 0 : i32
    return %arg1, %c0_i32 : i32, i32
  }
  func.func @transform_6(%arg0: i32, %arg1: i32) -> (i32, i32) {
    %c0_i32 = arith.constant 0 : i32
    %c0_i32_0 = arith.constant 0 : i32
    %c0_i32_1 = arith.constant 0 : i32
    return %c0_i32, %c0_i32_0 : i32, i32
  }
}

module attributes {stable_mosaic.version = 14 : i64} {
  func.func @fin(%arg0: memref<2048x64xf32, #tpu.memory_space<vmem>>, %arg1: memref<8x128xf32, #tpu.memory_space<vmem>>, %arg2: memref<1x64xf32, #tpu.memory_space<vmem>>, %arg3: memref<1x64xf32, #tpu.memory_space<vmem>>, %arg4: memref<2048x64xf32, #tpu.memory_space<vmem>>) attributes {dimension_semantics = [], scalar_prefetch = 0 : i64, scratch_operands = 0 : i64, tpu.core_type = #tpu.core_type<tc>} {
    %get3A = arith.constant 0 : index
    %get3A_0 = arith.constant 0 : index
    %get3A_1 = vector.load %arg1[%get3A, %get3A_0] : memref<8x128xf32, #tpu.memory_space<vmem>>, vector<1x64xf32>
    %div3A = arith.constant 6.553600e+04 : f32
    %div3A_2 = vector.broadcast %div3A : f32 to vector<1x64xf32>
    %div3A_3 = arith.divf %get3A_1, %div3A_2 : vector<1x64xf32>
    %get3A_4 = arith.constant 1 : index
    %get3A_5 = arith.constant 0 : index
    %get3A_6 = vector.load %arg1[%get3A_4, %get3A_5] : memref<8x128xf32, #tpu.memory_space<vmem>>, vector<1x64xf32>
    %div3A_7 = arith.constant 6.553600e+04 : f32
    %div3A_8 = vector.broadcast %div3A_7 : f32 to vector<1x64xf32>
    %div3A_9 = arith.divf %get3A_6, %div3A_8 : vector<1x64xf32>
    %mul3A = arith.mulf %div3A_3, %div3A_3 : vector<1x64xf32>
    %sub3A = arith.subf %div3A_9, %mul3A : vector<1x64xf32>
    %get3A_10 = arith.constant 0 : index
    %get3A_11 = arith.constant 0 : index
    %get3A_12 = vector.load %arg0[%get3A_10, %get3A_11] : memref<2048x64xf32, #tpu.memory_space<vmem>>, vector<2048x64xf32>
    %sub3A_13 = vector.broadcast %div3A_3 : vector<1x64xf32> to vector<2048x64xf32>
    %sub3A_14 = arith.subf %get3A_12, %sub3A_13 : vector<2048x64xf32>
    %add3A = arith.constant 1.000000e-03 : f32
    %add3A_15 = vector.broadcast %add3A : f32 to vector<1x64xf32>
    %add3A_16 = arith.addf %sub3A, %add3A_15 : vector<1x64xf32>
    %rsqrt3A = math.rsqrt %add3A_16 : vector<1x64xf32>
    %get3A_17 = arith.constant 0 : index
    %get3A_18 = arith.constant 0 : index
    %get3A_19 = vector.load %arg2[%get3A_17, %get3A_18] : memref<1x64xf32, #tpu.memory_space<vmem>>, vector<1x64xf32>
    %mul3A_20 = arith.mulf %rsqrt3A, %get3A_19 : vector<1x64xf32>
    %mul3A_21 = vector.broadcast %mul3A_20 : vector<1x64xf32> to vector<2048x64xf32>
    %mul3A_22 = arith.mulf %sub3A_14, %mul3A_21 : vector<2048x64xf32>
    %get3A_23 = arith.constant 0 : index
    %get3A_24 = arith.constant 0 : index
    %get3A_25 = vector.load %arg3[%get3A_23, %get3A_24] : memref<1x64xf32, #tpu.memory_space<vmem>>, vector<1x64xf32>
    %add3A_26 = vector.broadcast %get3A_25 : vector<1x64xf32> to vector<2048x64xf32>
    %add3A_27 = arith.addf %mul3A_22, %add3A_26 : vector<2048x64xf32>
    %max3A = arith.constant 0.000000e+00 : f32
    %max3A_28 = vector.broadcast %max3A : f32 to vector<2048x64xf32>
    %max3A_29 = arith.maximumf %add3A_27, %max3A_28 : vector<2048x64xf32>
    %swap3A = arith.constant 0 : index
    %swap3A_30 = arith.constant 0 : index
    %swap3A_31 = vector.load %arg4[%swap3A, %swap3A_30] : memref<2048x64xf32, #tpu.memory_space<vmem>>, vector<2048x64xf32>
    tpu.vector_store %arg4[%swap3A, %swap3A_30], %max3A_29 {strides = array<i32>} : memref<2048x64xf32, #tpu.memory_space<vmem>>, vector<2048x64xf32>,
    return
  }
}

</mosaic_0001>

<sc_bundles>
// kernel: kernel.12.cloned.1.call-start
scs
__scs_entry_jumppad:
0x0: {  	(pc) =	sbr.rel $0x88, $3  }
0x1: {  	(tag) =	ssettag $0x0;
	lr =	simm.s32 $0x1  }
0x2: {  	[smem:$0x3F92] =	sst lr;
	_ =	strace $0xD0000000  }
0x3: {  	_ = 	snop  }
0x4: {  	_ = 	snop  }
0x5: {  	_ = 	snop  }
0x6: {  	_ = 	snop  }
0x7: {  	_ = 	snop  }
__scs_overlays_trampoline_lowered:
0x8: {  	[smem:$0x3FA1] =	sst s0  }
0x9: {  	[smem:$0x3FA2] =	sst s1  }
0xa: {  	[smem:$0x3FA3] =	sst s2  }
0xb: {  	[smem:$0x3FA4] =	sst s3  }
0xc: {  	[smem:$0x3FA5] =	sst s4  }
0xd: {  	[smem:$0x3FA6] =	sst s5  }
0xe: {  	[smem:$0x3FA7] =	sst s6  }
0xf: {  	[smem:$0x3FA8] =	sst s7  }
0x10: {  	[smem:$0x3FA9] =	sst s8  }
0x11: {  	[smem:$0x3FAA] =	sst s9;
	s0 =	simm.s32 @!p0 $0x0  }
0x12: {  	s1 =	sld [smem:$0x3F90];
	s0 =	simm.s32 @p0 $0x1  }
0x13: {  	[smem:$0x3FAB] =	sst s0;
	s0 =	simm.s32 @!p1 $0x0  }
0x14: {  	s2 =	sld [smem:$0x3F8F];
	s0 =	simm.s32 @p1 $0x1  }
0x15: {  	[smem:$0x3FAC] =	sst s0;
	s0 =	simm.s32 @!p2 $0x0  }
0x16: {  	s3 =	sld [smem:$0x3FDB];
	s0 =	simm.s32 @p2 $0x1  }
0x17: {  	s4 =	simm.s32 $0x1BF5;
	[smem:$0x3FAE] =	sst s0  }
0x18: {  	s0 =	sld [smem:$0x3F91];
	_ =	swait.ge [sflag:s4], $0x0  }
0x19: {  	s7 =	sld [smem:$0x3F92]  }
0x1a: {  	s8 =	sadd.s32 $0xFFFFE003, lr  }
0x1b: {  	s9 =	sadd.s32 $0xFFFFFEF7, lr;
	s5 =	simm.s32 $0xFFFFFFFF;
	p2 =	slt.u32 s8, $0xFFFFF086  }
0x1c: {  	p1 =	slt.u32 s9, $0xF7A;
	s5 =	simm.s32 @!p2 $0x0  }
0x1d: {  	s5 =	simm.s32 @p1 $0x1;
	p0 =	seq.s32 s7, s2  }
0x1e: {  	s7 =	smul.u32 @!p0 $0xF7A, s2;
	p2 =	seq.s32 @!p0 s5, $0x0  }
0x1f: {  	s9 =	smul.u32 $0xF7A, s1;
	s8 =	simm.s32 @!p0 $0x1BF5;
	p2 =	por !p2, p0  }
0x20: {  	[sflag:s8] =	ssyncset.s32 @!p0 $0xFFFFF086;
	s6 =	sadd.s32 @!p0 s3, s7;
	s7 =	simm.s32 @!p0 $0x108  }
0x21: {  	s3 =	sadd.s32 s3, s9;
	s6 =	sadd.s32 @!p0 $0x88, s6;
	s7 =	simm.s32 @p2 $0x1082  }
0x22: {  	[simem:s7], [sflag:s8] =	dma.local @!p0 [hbm:s6], $0xF7A  }
0x23: {  	s9 =	sor.u32 $0xD0000000, s2;
	s6 =	simm.s32 $0x108;
	_ =	swait.ge @!p0 [sflag:s8], $0x0  }
0x24: {  	s3 =	sadd.s32 $0x88, s3;
	s6 =	simm.s32 @!p1 $0x1082;
	[sflag:s4] =	ssyncset.s32 $0xFFFFF086  }
0x25: {  	[simem:s6], [sflag:s4] =	dma.local [hbm:s3], $0xF7A  }
0x26: {  	[smem:$0x3F92] =	sst s1;
	(tag) =	ssettag s2;
	_ =	strace s9  }
0x27: {  	s1 =	sld [smem:$0x3FA2]  }
0x28: {  	s2 =	sld [smem:$0x3FA3]  }
0x29: {  	s4 =	sld [smem:$0x3FA5]  }
0x2a: {  	p0 =	seq.s32 s5, $0x0;
	s5 =	sld [smem:$0x3FA6]  }
0x2b: {  	s6 =	sld [smem:$0x3FA7]  }
0x2c: {  	s7 =	sld [smem:$0x3FA8]  }
0x2d: {  	s3 =	simm.s32 $0x108;
	s8 =	sld [smem:$0x3FA9]  }
0x2e: {  	s3 =	simm.s32 @!p0 $0x1082;
	s9 =	sld [smem:$0x3FAA]  }
0x2f: {  	lr =	sadd.s32 s0, s3;
	s0 =	sld [smem:$0x3FA1]  }
0x30: {  	s3 =	sld [smem:$0x3FA4]  }
0x31: {  	[smem:$0x3FAD] =	sst s10  }
0x32: {  	s10 =	sld [smem:$0x3FAB];
	_ =	sdelay $0x3  }
0x33: {  	p0 =	seq.s32 s10, $0x1;
	s10 =	sld [smem:$0x3FAD];
	_ =	sdelay $0x3  }
0x34: {  	[smem:$0x3FAD] =	sst s10  }
0x35: {  	s10 =	sld [smem:$0x3FAC];
	_ =	sdelay $0x3  }
0x36: {  	p1 =	seq.s32 s10, $0x1;
	s10 =	sld [smem:$0x3FAD];
	_ =	sdelay $0x3  }
0x37: {  	[smem:$0x3FAD] =	sst s10  }
0x38: {  	s10 =	sld [smem:$0x3FAE]  }
0x39: {  	_ = 	snop;
	(pc) =	sbr.ind lr, $3  }
0x3a: {  	_ = 	snop  }
0x3b: {  	_ = 	snop  }
0x3c: {  	p2 =	seq.s32 s10, $0x1;
	s10 =	sld [smem:$0x3FAD]  }
0x3d: {  	_ =	shalt  }
0x3e: {  	_ =	shalt  }
0x3f: {  	_ =	shalt  }
0x40: {  	_ =	shalt  }
0x41: {  	_ =	shalt  }
0x42: {  	_ =	shalt  }
0x43: {  	_ =	shalt  }
0x44: {  	_ =	shalt  }
0x45: {  	_ =	shalt  }
0x46: {  	_ =	shalt  }
0x47: {  	_ =	shalt  }
0x48: {  	_ =	shalt  }
0x49: {  	_ =	shalt  }
0x4a: {  	_ =	shalt  }
0x4b: {  	_ =	shalt  }
0x4c: {  	_ =	shalt  }
0x4d: {  	_ =	shalt  }
0x4e: {  	_ =	shalt  }
0x4f: {  	_ =	shalt  }
0x50: {  	_ =	shalt  }
0x51: {  	_ =	shalt  }
0x52: {  	_ =	shalt  }
0x53: {  	_ =	shalt  }
0x54: {  	_ =	shalt  }
0x55: {  	_ =	shalt  }
0x56: {  	_ =	shalt  }
0x57: {  	_ =	shalt  }
0x58: {  	_ =	shalt  }
0x59: {  	_ =	shalt  }
0x5a: {  	_ =	shalt  }
0x5b: {  	_ =	shalt  }
0x5c: {  	_ =	shalt  }
0x5d: {  	_ =	shalt  }
0x5e: {  	_ =	shalt  }
0x5f: {  	_ =	shalt  }
0x60: {  	_ =	shalt  }
0x61: {  	_ =	shalt  }
0x62: {  	_ =	shalt  }
0x63: {  	_ =	shalt  }
0x64: {  	_ =	shalt  }
0x65: {  	_ =	shalt  }
0x66: {  	_ =	shalt  }
0x67: {  	_ =	shalt  }
0x68: {  	_ =	shalt  }
0x69: {  	_ =	shalt  }
0x6a: {  	_ =	shalt  }
0x6b: {  	_ =	shalt  }
0x6c: {  	_ =	shalt  }
0x6d: {  	_ =	shalt  }
0x6e: {  	_ =	shalt  }
0x6f: {  	_ =	shalt  }
0x70: {  	_ =	shalt  }
0x71: {  	_ =	shalt  }
0x72: {  	_ =	shalt  }
0x73: {  	_ =	shalt  }
0x74: {  	_ =	shalt  }
0x75: {  	_ =	shalt  }
0x76: {  	_ =	shalt  }
0x77: {  	_ =	shalt  }
0x78: {  	_ =	shalt  }
0x79: {  	_ =	shalt  }
0x7a: {  	_ =	shalt  }
0x7b: {  	_ =	shalt  }
0x7c: {  	_ =	shalt  }
0x7d: {  	_ =	shalt  }
0x7e: {  	_ =	shalt  }
0x7f: {  	_ =	shalt  }
0x80: {  	_ =	shalt  }
0x81: {  	_ =	shalt  }
0x82: {  	_ =	shalt  }
0x83: {  	_ =	shalt  }
0x84: {  	_ =	shalt  }
0x85: {  	_ =	shalt  }
0x86: {  	_ =	shalt  }
0x87: {  	_ =	shalt  }
.Lfunc_end0:
.L_simem_size_0:
called_computation.1_lowered:
.L_overlay_start_0:
0x88: {  	s2 =	sld [smem:$0x3FD9]  }
0x89: {  	s3 =	sld [smem:$0x3FFE];
	_ =	sdelay $0x1  }
0x8a: {  	s1 =	srdreg.scid  }
0x8b: {  	s0 =	sand.u32 $0x1, s1  }
0x8c: {  	s14 =	sshll.u32 s0, $0xA;
	s2 =	sadd.s32 s3, s2  }
0x8d: {  	s2 =	sadd.s32 s2, s14  }
0x8e: {  	[smem:$0x3FB9] =	sst s2  }
0x8f: {  	_ = 	snop  }
0x90: {  	s2 =	sld [smem:$0x3FD0];
	_ =	sdelay $0x2  }
0x91: {  	s15 =	simm.s32 $0xA;
	s4 =	simm.s32 $0x10  }
0x92: {  	[smem:s4], [sflag:s15] =	dma.local [hbm:s2], $0x1  }
0x93: {  	_ =	swait.eq [sflag:s15], $0x1  }
0x94: {  	[sflag:s15] =	ssyncset.done $0x0  }
0x95: {  	[sflag:s15] =	ssyncadd.s32 $0xFFFFFFFF  }
0x96: {  	s16 =	sld [smem:$0x11];
	(tm) =	ssettm $0x1  }
0x97: {  	s17 =	sld [smem:$0x3FFB];
	_ =	sdelay $0x3  }
0x98: {  	_ =	strace s17  }
0x99: {  	s3 =	sld [smem:$0x3FFC];
	_ =	sdelay $0x3  }
0x9a: {  	_ =	strace s3  }
0x9b: {  	s3 =	sld [smem:$0x3FFD];
	_ =	sdelay $0x3  }
0x9c: {  	_ =	strace s3  }
0x9d: {  	_ =	strace $0x8FFFFFFF  }
0x9e: {  	s18 =	sld [smem:$0x3FDB];
	_ =	sdelay $0x1  }
0x9f: {  	s19 =	simm.s32 $_scs_section_size  }
0xa0: {  	s5 =	simm.s32 $_size__tile_overlayer_lowered;
	s6 =	simm.s32 $_tile_overlayer_lowered  }
0xa1: {  	s22 =	simm.s32 $0x1BFF;
	s21 =	sshll.u32 s6, $0x1;
	s3 =	sadd.s32 s19, s18  }
0xa2: {  	s7 =	simm.s32 $0x0;
	s20 =	sshll.u32 s5, $0x1;
	s5 =	sadd.s32 s21, s3  }
0xa3: {  	[timem:s7], [sflag:s22] =	dma.local [hbm:s5], s20  }
0xa4: {  	_ =	swait.ge [sflag:s22], s20  }
0xa5: {  	s4 =	ssub.s32 $0x0, s20;
	[sflag:s22] =	ssyncset.done $0x0  }
0xa6: {  	[sflag:s22] =	ssyncadd.s32 s4;
	_ =	sdelay $0x1  }
0xa7: {  	s23 =	simm.s32 $0x1B8B  }
0xa8: {  	_ =	swait.ge [sflag:s23], $0x1  }
0xa9: {  	[sflag:s23] =	ssyncset.done $0x0  }
0xaa: {  	s25 =	simm.s32 $0x1B8E;
	s24 =	sld [smem:$0x3FFE];
	[sflag:s23] =	ssyncadd.s32 $0xFFFFFFFF  }
0xab: {  	s26 =	simm.s32 $execute0_lowered;
	[smem:$0x3FD2] =	sst s25  }
0xac: {  	s5 =	sshll.u32 s26, $0x1;
	_ =	strace $0x80000049;
	[dreg:$0x1] =	wrdreg $0xFFFFFFFF  }
0xad: {  	s28 =	simm.s32 $_size_execute0_lowered;
	s3 =	sadd.s32 s3, s5;
	[dreg:$0x0] =	wrdreg $0x0  }
0xae: {  	s5 =	sshll.u32 s28, $0x1;
	[dreg:$0x2] =	wrdreg s3  }
0xaf: {  	[dreg:$0x3] =	wrdreg s5  }
0xb0: {  	[dreg:$0x4] =	wrdreg $0xC0  }
0xb1: {  	_ =	task [dreg:s7], $0x5FFFF  }
0xb2: {  	[dreg:$0x1] =	wrdreg $0xFFFFFFFF  }
0xb3: {  	[dreg:$0x0] =	wrdreg $0x60  }
0xb4: {  	[dreg:$0x2] =	wrdreg s24  }
0xb5: {  	[dreg:$0x3] =	wrdreg s16  }
0xb6: {  	[dreg:$0x4] =	wrdreg $0x9  }
0xb7: {  	_ =	task.clear_ibuf [dreg:s7], $0x5FFFF;
	_ =	strace $0x90000049  }
0xb8: {  	s29 =	simm.s32 $0x9;
	_ =	strace $0x8000004B  }
0xb9: {  	_ =	swait.ge [sflag:s29], $0x1  }
0xba: {  	[sflag:s29] =	ssyncadd.s32 $0xFFFFFFFF  }
0xbb: {  	_ =	strace $0x9000004B  }
0xbc: {  	_ =	sfence  }
0xbd: {  	s30 =	sld [smem:$0x0];
	_ =	sdelay $0x2  }
0xbe: {  	s31 =	sshll.u32 s1, $0xD;
	s1 =	sshrl.u32 s1, $0x2  }
0xbf: {  	s3 =	sand.u32 $0x4000, s31;
	s1 =	sadd.s32 s1, s30  }
0xc0: {  	s0 =	sor.u32 s3, s0;
	s1 =	sshll.u32 s1, $0x11  }
0xc1: {  	s0 =	sor.u32 s1, s0  }
0xc2: {  	s0 =	sadd.s32 $0x8F2B, s0  }
0xc3: {  	[sflag:s0] =	ssyncadd.remote.s32 $0x1  }
0xc4: {  	_ =	sfence.sel $0xFFFF  }
0xc5: {  	[dreg:$0x0] =	wrdreg $0xFFFFFFFF;
	(pc) =	sbr.abs _section_cstart, $3  }
0xc6: {  	[dreg:$0x1] =	wrdreg $0xFFFFFFFF  }
0xc7: {  	_ =	task.clear_ibuf [dreg:s7], $0x2FFFF;
	_ =	strace $0x9FFFFFFF  }
0xc8: {  	(tm) =	ssettm $0x7FFFFFFF  }
0xc9: {  	_ =	shalt  }
tec
execute0_lowered:
.L_overlay_start_1:
0x0: {  	(tag) =	ssettag $0x1  }
0x1: {  	s24 =	rddreg [dreg:$0x0]  }
0x2: {  	s1 =	rddreg [dreg:$0x1];
	s2 =	simm.s32 $0x0  }
0x3: {  	s8 =	simm.s32 $0x480;
	[smem:$0x7FF] =	sst s2  }
0x4: {  	s9 =	simm.s32 $0x500;
	_ =	strace $0x8000004A;
	[dreg:$0x7] =	wrdreg s8  }
0x5: {  	s10 =	simm.s32 $0x580;
	[dreg:$0x8] =	wrdreg s9  }
0x6: {  	s11 =	simm.s32 $0x600;
	[dreg:$0x9] =	wrdreg s10  }
0x7: {  	s12 =	simm.s32 $0x680;
	[dreg:$0xa] =	wrdreg s11  }
0x8: {  	s13 =	simm.s32 $0x700;
	[dreg:$0xb] =	wrdreg s12  }
0x9: {  	s14 =	simm.s32 $0x780;
	[dreg:$0xc] =	wrdreg s13  }
0xa: {  	s15 =	simm.s32 $0x800;
	[dreg:$0xd] =	wrdreg s14  }
0xb: {  	s16 =	simm.s32 $0x8C00;
	[dreg:$0xe] =	wrdreg s15  }
0xc: {  	s0 =	srdreg.scid;
	s17 =	simm.s32 $0x880;
	[dreg:$0xf] =	wrdreg s16  }
0xd: {  	s4 =	stileid.u32;
	s18 =	simm.s32 $0x9C00;
	[dreg:$0x10] =	wrdreg s17  }
0xe: {  	s19 =	simm.s32 $0x900;
	s0 =	sand.u32 $0x1, s0;
	[dreg:$0x11] =	wrdreg s18  }
0xf: {  	s20 =	simm.s32 $0xAC00;
	s3 =	sshll.u32 s0, $0x4;
	[dreg:$0x12] =	wrdreg s19  }
0x10: {  	s21 =	simm.s32 $0x980;
	[dreg:$0x13] =	wrdreg s20;
	s3 =	sor.u32 s4, s3  }
0x11: {  	s22 =	simm.s32 $0xBC00;
	[dreg:$0x14] =	wrdreg s21;
	s4 =	sshll.u32 s3, $0x7  }
0x12: {  	s5 =	sshll.u32 s3, $0xC;
	s6 =	sshll.u32 s3, $0xD;
	s3 =	sshll.u32 s3, $0x8  }
0x13: {  	[dreg:$0x15] =	wrdreg s22;
	s4 =	sadd.s32 s4, s24;
	s1 =	sadd.s32 s1, s3  }
0x14: {  	s6 =	sadd.s32 s6, s24;
	s4 =	sadd.s32 $0x45000, s4;
	[dreg:$0x4] =	wrdreg s1  }
0x15: {  	s5 =	sadd.s32 s5, s24;
	s6 =	sadd.s32 $0x46000, s6;
	[dreg:$0x3] =	wrdreg s4  }
0x16: {  	s7 =	sadd.s32 $0x23800, s5;
	[dreg:$0x5] =	wrdreg s6  }
0x17: {  	[dreg:$0x6] =	wrdreg s7  }
0x18: {  	s3 =	simm.s32 $0x2;
	s4 =	rddreg [dreg:$0x3]  }
0x19: {  	[tilespmem:s2], [sflag:$0x2] =	stream.linear.gather [hbm4b:s4+s2], $0x400, $0x38;
	[tilespmem:$0x10C00] =	vst v63  }
0x1a: {  	_ =	swait.ge [sflag:s3], $0x400  }
0x1b: {  	[sflag:s3] =	ssyncset.done $0x0  }
0x1c: {  	s4 =	simm.s32 $0x400;
	s23 =	rddreg [dreg:$0x4];
	[sflag:s3] =	ssyncadd.s32 $0xFFFFFC00  }
0x1d: {  	[tilespmem:s4], [sflag:$0x2] =	stream.linear.gather [hbm4b:s23+s2], $0x800, $0x38;
	[tilespmem:$0x10C00] =	vst v63  }
0x1e: {  	_ =	swait.ge [sflag:s3], $0x800  }
0x1f: {  	s25 =	rddreg [dreg:$0x15]  }
0x20: {  	s5 =	sadd.s32 $0x3800, s24;
	s15 =	rddreg [dreg:$0x13]  }
0x21: {  	s6 =	simm.s32 $0x80;
	s10 =	rddreg [dreg:$0x8];
	[sflag:s3] =	ssyncset.done $0x0  }
0x22: {  	s7 =	simm.s32 $0xC00;
	s9 =	rddreg [dreg:$0x7];
	[sflag:s3] =	ssyncadd.s32 $0xFFFFF800  }
0x23: {  	[tilespmem:s7], [sflag:$0x1] =	stream.indirect.gather [hbm4b:s5+s6], $0x20, s4, s6, $0xb8;
	[tilespmem:$0x10C00] =	vst v63  }
0x24: {  	s8 =	simm.s32 $0x1C00;
	s16 =	rddreg [dreg:$0xf]  }
0x25: {  	[tilespmem:s8], [sflag:$0x1] =	stream.indirect.gather [hbm4b:s5+s6], $0x20, s9, s6, $0xb8;
	[tilespmem:$0x10C00] =	vst v63  }
0x26: {  	s17 =	rddreg [dreg:$0x11];
	s9 =	simm.s32 $0x2C00  }
0x27: {  	[tilespmem:s9], [sflag:$0x1] =	stream.indirect.gather [hbm4b:s5+s6], $0x20, s10, s6, $0xb8;
	[tilespmem:$0x10C00] =	vst v63  }
0x28: {  	s11 =	rddreg [dreg:$0x9];
	s10 =	simm.s32 $0x3C00  }
0x29: {  	[tilespmem:s10], [sflag:$0x1] =	stream.indirect.gather [hbm4b:s5+s6], $0x20, s11, s6, $0xb8;
	[tilespmem:$0x10C00] =	vst v63  }
0x2a: {  	s12 =	rddreg [dreg:$0xa];
	s11 =	simm.s32 $0x4C00  }
0x2b: {  	[tilespmem:s11], [sflag:$0x1] =	stream.indirect.gather [hbm4b:s5+s6], $0x20, s12, s6, $0xb8;
	[tilespmem:$0x10C00] =	vst v63  }
0x2c: {  	s13 =	rddreg [dreg:$0xb];
	s12 =	simm.s32 $0x5C00  }
0x2d: {  	[tilespmem:s12], [sflag:$0x1] =	stream.indirect.gather [hbm4b:s5+s6], $0x20, s13, s6, $0xb8;
	[tilespmem:$0x10C00] =	vst v63  }
0x2e: {  	s14 =	rddreg [dreg:$0xc];
	s13 =	simm.s32 $0x6C00  }
0x2f: {  	[tilespmem:s13], [sflag:$0x1] =	stream.indirect.gather [hbm4b:s5+s6], $0x20, s14, s6, $0xb8;
	[tilespmem:$0x10C00] =	vst v63  }
0x30: {  	s18 =	rddreg [dreg:$0xd];
	s14 =	simm.s32 $0x7C00  }
0x31: {  	[tilespmem:s14], [sflag:$0x1] =	stream.indirect.gather [hbm4b:s5+s6], $0x20, s18, s6, $0xb8;
	[tilespmem:$0x10C00] =	vst v63  }
0x32: {  	s19 =	rddreg [dreg:$0xe]  }
0x33: {  	[tilespmem:s16], [sflag:$0x1] =	stream.indirect.gather [hbm4b:s5+s6], $0x20, s19, s6, $0xb8;
	[tilespmem:$0x10C00] =	vst v63  }
0x34: {  	s26 =	rddreg [dreg:$0x10]  }
0x35: {  	[tilespmem:s17], [sflag:$0x1] =	stream.indirect.gather [hbm4b:s5+s6], $0x20, s26, s6, $0xb8;
	[tilespmem:$0x10C00] =	vst v63  }
0x36: {  	s20 =	rddreg [dreg:$0x12]  }
0x37: {  	[tilespmem:s15], [sflag:$0x1] =	stream.indirect.gather [hbm4b:s5+s6], $0x20, s20, s6, $0xb8;
	[tilespmem:$0x10C00] =	vst v63  }
0x38: {  	s21 =	rddreg [dreg:$0x14]  }
0x39: {  	[tilespmem:s25], [sflag:$0x1] =	stream.indirect.gather [hbm4b:s5+s6], $0x20, s21, s6, $0xb8;
	[tilespmem:$0x10C00] =	vst v63  }
0x3a: {  	s22 =	simm.s32 $0xA00;
	s23 =	simm.s32 $0xCC00  }
0x3b: {  	[tilespmem:s23], [sflag:$0x1] =	stream.indirect.gather [hbm4b:s5+s6], $0x20, s22, s6, $0xb8;
	[tilespmem:$0x10C00] =	vst v63  }
0x3c: {  	s26 =	simm.s32 $0xDC00;
	s25 =	simm.s32 $0xA80  }
0x3d: {  	[tilespmem:s26], [sflag:$0x1] =	stream.indirect.gather [hbm4b:s5+s6], $0x20, s25, s6, $0xb8;
	[tilespmem:$0x10C00] =	vst v63  }
0x3e: {  	s16 =	simm.s32 $0xB00;
	s17 =	simm.s32 $0xEC00  }
0x3f: {  	[tilespmem:s17], [sflag:$0x1] =	stream.indirect.gather [hbm4b:s5+s6], $0x20, s16, s6, $0xb8;
	[tilespmem:$0x10C00] =	vst v63  }
0x40: {  	s21 =	simm.s32 $0xB80;
	s22 =	simm.s32 $0xFC00;
	s23 =	simm.s32 $0x1  }
0x41: {  	[tilespmem:s22], [sflag:$0x1] =	stream.indirect.gather [hbm4b:s5+s6], $0x20, s21, s6, $0xb8;
	[tilespmem:$0x10C00] =	vst v63  }
0x42: {  	_ =	swait.ge [sflag:s23], $0x1000  }
0x43: {  	[sflag:s23] =	ssyncset.done $0x0  }
0x44: {  	[sflag:s23] =	ssyncadd.s32 $0xFFFFF000  }
0x45: {  	_ =	swait.ge [sflag:s23], $0x1000  }
0x46: {  	[sflag:s23] =	ssyncset.done $0x0  }
0x47: {  	[sflag:s23] =	ssyncadd.s32 $0xFFFFF000  }
0x48: {  	_ =	swait.ge [sflag:s23], $0x1000  }
0x49: {  	[sflag:s23] =	ssyncset.done $0x0  }
0x4a: {  	[sflag:s23] =	ssyncadd.s32 $0xFFFFF000  }
0x4b: {  	_ =	swait.ge [sflag:s23], $0x1000  }
0x4c: {  	[sflag:s23] =	ssyncset.done $0x0  }
0x4d: {  	[sflag:s23] =	ssyncadd.s32 $0xFFFFF000  }
0x4e: {  	_ =	swait.ge [sflag:s23], $0x1000  }
0x4f: {  	[sflag:s23] =	ssyncset.done $0x0  }
0x50: {  	[sflag:s23] =	ssyncadd.s32 $0xFFFFF000  }
0x51: {  	_ =	swait.ge [sflag:s23], $0x1000  }
0x52: {  	[sflag:s23] =	ssyncset.done $0x0  }
0x53: {  	[sflag:s23] =	ssyncadd.s32 $0xFFFFF000  }
0x54: {  	_ =	swait.ge [sflag:s23], $0x1000  }
0x55: {  	[sflag:s23] =	ssyncset.done $0x0  }
0x56: {  	[sflag:s23] =	ssyncadd.s32 $0xFFFFF000  }
0x57: {  	_ =	swait.ge [sflag:s23], $0x1000  }
0x58: {  	[sflag:s23] =	ssyncset.done $0x0  }
0x59: {  	[sflag:s23] =	ssyncadd.s32 $0xFFFFF000  }
0x5a: {  	_ =	swait.ge [sflag:s23], $0x1000  }
0x5b: {  	[sflag:s23] =	ssyncset.done $0x0  }
0x5c: {  	[sflag:s23] =	ssyncadd.s32 $0xFFFFF000  }
0x5d: {  	_ =	swait.ge [sflag:s23], $0x1000  }
0x5e: {  	[sflag:s23] =	ssyncset.done $0x0  }
0x5f: {  	[sflag:s23] =	ssyncadd.s32 $0xFFFFF000  }
0x60: {  	_ =	swait.ge [sflag:s23], $0x1000  }
0x61: {  	[sflag:s23] =	ssyncset.done $0x0  }
0x62: {  	[sflag:s23] =	ssyncadd.s32 $0xFFFFF000  }
0x63: {  	_ =	swait.ge [sflag:s23], $0x1000  }
0x64: {  	[sflag:s23] =	ssyncset.done $0x0  }
0x65: {  	[sflag:s23] =	ssyncadd.s32 $0xFFFFF000  }
0x66: {  	_ =	swait.ge [sflag:s23], $0x1000  }
0x67: {  	[sflag:s23] =	ssyncset.done $0x0  }
0x68: {  	[sflag:s23] =	ssyncadd.s32 $0xFFFFF000  }
0x69: {  	_ =	swait.ge [sflag:s23], $0x1000  }
0x6a: {  	[sflag:s23] =	ssyncset.done $0x0  }
0x6b: {  	[sflag:s23] =	ssyncadd.s32 $0xFFFFF000  }
0x6c: {  	_ =	swait.ge [sflag:s23], $0x1000  }
0x6d: {  	[sflag:s23] =	ssyncset.done $0x0  }
0x6e: {  	[sflag:s23] =	ssyncadd.s32 $0xFFFFF000  }
0x6f: {  	_ =	swait.ge [sflag:s23], $0x1000  }
0x70: {  	[sflag:s23] =	ssyncset.done $0x0  }
0x71: {  	s18 =	rddreg [dreg:$0x5];
	[sflag:s23] =	ssyncadd.s32 $0xFFFFF000  }
0x72: {  	[hbm4b:s18+s2] =	stream.linear.scatter [tilespmem:s7], [sflag:$0x2], $0x10000, $0x38;
	[tilespmem:$0x10C00] =	vst v63  }
0x73: {  	_ =	swait.ge [sflag:s3], $0x10000  }
0x74: {  	[sflag:s3] =	ssyncset.done $0x0  }
0x75: {  	s24 =	sadd.s32 $0x13800, s24;
	[sflag:s3] =	ssyncadd.s32 $0xFFFF0000  }
0x76: {  	[tilespmem:s7], [sflag:$0x1] =	stream.indirect.gather [hbm4b:s24+s6], $0x20, s2, s6, $0xb8;
	[tilespmem:$0x10C00] =	vst v63  }
0x77: {  	_ = 	snop  }
0x78: {  	[tilespmem:s8], [sflag:$0x1] =	stream.indirect.gather [hbm4b:s24+s6], $0x20, s6, s6, $0xb8;
	[tilespmem:$0x10C00] =	vst v63  }
0x79: {  	s25 =	simm.s32 $0x100  }
0x7a: {  	[tilespmem:s9], [sflag:$0x1] =	stream.indirect.gather [hbm4b:s24+s6], $0x20, s25, s6, $0xb8;
	[tilespmem:$0x10C00] =	vst v63  }
0x7b: {  	s26 =	simm.s32 $0x180  }
0x7c: {  	[tilespmem:s10], [sflag:$0x1] =	stream.indirect.gather [hbm4b:s24+s6], $0x20, s26, s6, $0xb8;
	[tilespmem:$0x10C00] =	vst v63  }
0x7d: {  	s28 =	simm.s32 $0x200  }
0x7e: {  	[tilespmem:s11], [sflag:$0x1] =	stream.indirect.gather [hbm4b:s24+s6], $0x20, s28, s6, $0xb8;
	[tilespmem:$0x10C00] =	vst v63  }
0x7f: {  	s29 =	simm.s32 $0x280  }
0x80: {  	[tilespmem:s12], [sflag:$0x1] =	stream.indirect.gather [hbm4b:s24+s6], $0x20, s29, s6, $0xb8;
	[tilespmem:$0x10C00] =	vst v63  }
0x81: {  	s30 =	simm.s32 $0x300  }
0x82: {  	[tilespmem:s13], [sflag:$0x1] =	stream.indirect.gather [hbm4b:s24+s6], $0x20, s30, s6, $0xb8;
	[tilespmem:$0x10C00] =	vst v63  }
0x83: {  	s31 =	simm.s32 $0x380  }
0x84: {  	[tilespmem:s14], [sflag:$0x1] =	stream.indirect.gather [hbm4b:s24+s6], $0x20, s31, s6, $0xb8;
	[tilespmem:$0x10C00] =	vst v63  }
0x85: {  	_ =	swait.ge [sflag:s23], $0x1000  }
0x86: {  	[sflag:s23] =	ssyncset.done $0x0  }
0x87: {  	[sflag:s23] =	ssyncadd.s32 $0xFFFFF000  }
0x88: {  	_ =	swait.ge [sflag:s23], $0x1000  }
0x89: {  	[sflag:s23] =	ssyncset.done $0x0  }
0x8a: {  	[sflag:s23] =	ssyncadd.s32 $0xFFFFF000  }
0x8b: {  	_ =	swait.ge [sflag:s23], $0x1000  }
0x8c: {  	[sflag:s23] =	ssyncset.done $0x0  }
0x8d: {  	[sflag:s23] =	ssyncadd.s32 $0xFFFFF000  }
0x8e: {  	_ =	swait.ge [sflag:s23], $0x1000  }
0x8f: {  	[sflag:s23] =	ssyncset.done $0x0  }
0x90: {  	[sflag:s23] =	ssyncadd.s32 $0xFFFFF000  }
0x91: {  	_ =	swait.ge [sflag:s23], $0x1000  }
0x92: {  	[sflag:s23] =	ssyncset.done $0x0  }
0x93: {  	s0 =	ssub.s32 $0x2, s0;
	[sflag:s23] =	ssyncadd.s32 $0xFFFFF000  }
0x94: {  	s19 =	sshrl.u32 s0, $0x1;
	_ =	swait.ge [sflag:s23], $0x1000  }
0x95: {  	s0 =	ssub.s32 s0, s19;
	[sflag:s23] =	ssyncset.done $0x0  }
0x96: {  	s0 =	smax.u32 s0, $0x1;
	[sflag:s23] =	ssyncadd.s32 $0xFFFFF000  }
0x97: {  	p0 =	sne.s32 s0, $0x1;
	_ =	swait.ge [sflag:s23], $0x1000  }
.Ltmp0:
0x98: {  	[sflag:s23] =	ssyncset.done $0x0;
	(pc) =	sbr.rel @!p0 .LBB2_2-.Ltmp0, $4  }
0x99: {  	[sflag:s23] =	ssyncadd.s32 $0xFFFFF000  }
0x9a: {  	_ =	swait.ge [sflag:s23], $0x1000  }
0x9b: {  	s0 =	sadd.s32 $0xFFFFFFFF, s0;
	[sflag:s23] =	ssyncset.done $0x0  }
0x9c: {  	s20 =	simm.s32 $0xEC00;
	s1 =	rddreg [dreg:$0x6];
	[sflag:s23] =	ssyncadd.s32 $0xFFFFF000  }
.LBB2_1:
0x9d: {  	[hbm4b:s1+s2] =	stream.linear.scatter [tilespmem:s7], [sflag:$0x2], $0x8000, $0x38;
	[tilespmem:$0x10C00] =	vst v63  }
0x9e: {  	_ =	swait.ge [sflag:s3], $0x8000  }
0x9f: {  	[sflag:s3] =	ssyncset.done $0x0  }
0xa0: {  	s16 =	rddreg [dreg:$0x3];
	[sflag:s3] =	ssyncadd.s32 $0xFFFF8000  }
0xa1: {  	[tilespmem:s2], [sflag:$0x2] =	stream.linear.gather [hbm4b:s16+s2], $0x400, $0x38;
	[tilespmem:$0x10C00] =	vst v63  }
0xa2: {  	_ =	swait.ge [sflag:s3], $0x400  }
0xa3: {  	[sflag:s3] =	ssyncset.done $0x0  }
0xa4: {  	s17 =	rddreg [dreg:$0x4];
	[sflag:s3] =	ssyncadd.s32 $0xFFFFFC00  }
0xa5: {  	[tilespmem:s4], [sflag:$0x2] =	stream.linear.gather [hbm4b:s17+s2], $0x800, $0x38;
	[tilespmem:$0x10C00] =	vst v63  }
0xa6: {  	_ =	swait.ge [sflag:s3], $0x800  }
0xa7: {  	s1 =	rddreg [dreg:$0x15]  }
0xa8: {  	s15 =	rddreg [dreg:$0x13]  }
0xa9: {  	[sflag:s3] =	ssyncset.done $0x0;
	s16 =	rddreg [dreg:$0x8]  }
0xaa: {  	s17 =	rddreg [dreg:$0x7];
	[sflag:s3] =	ssyncadd.s32 $0xFFFFF800  }
0xab: {  	[tilespmem:s7], [sflag:$0x1] =	stream.indirect.gather [hbm4b:s5+s6], $0x20, s4, s6, $0xb8;
	[tilespmem:$0x10C00] =	vst v63  }
0xac: {  	s18 =	rddreg [dreg:$0xf]  }
0xad: {  	[tilespmem:s8], [sflag:$0x1] =	stream.indirect.gather [hbm4b:s5+s6], $0x20, s17, s6, $0xb8;
	[tilespmem:$0x10C00] =	vst v63  }
0xae: {  	s19 =	rddreg [dreg:$0x11]  }
0xaf: {  	[tilespmem:s9], [sflag:$0x1] =	stream.indirect.gather [hbm4b:s5+s6], $0x20, s16, s6, $0xb8;
	[tilespmem:$0x10C00] =	vst v63  }
0xb0: {  	s17 =	rddreg [dreg:$0x9]  }
0xb1: {  	[tilespmem:s10], [sflag:$0x1] =	stream.indirect.gather [hbm4b:s5+s6], $0x20, s17, s6, $0xb8;
	[tilespmem:$0x10C00] =	vst v63  }
0xb2: {  	s16 =	rddreg [dreg:$0xa]  }
0xb3: {  	[tilespmem:s11], [sflag:$0x1] =	stream.indirect.gather [hbm4b:s5+s6], $0x20, s16, s6, $0xb8;
	[tilespmem:$0x10C00] =	vst v63  }
0xb4: {  	s17 =	rddreg [dreg:$0xb]  }
0xb5: {  	[tilespmem:s12], [sflag:$0x1] =	stream.indirect.gather [hbm4b:s5+s6], $0x20, s17, s6, $0xb8;
	[tilespmem:$0x10C00] =	vst v63  }
0xb6: {  	s16 =	rddreg [dreg:$0xc]  }
0xb7: {  	[tilespmem:s13], [sflag:$0x1] =	stream.indirect.gather [hbm4b:s5+s6], $0x20, s16, s6, $0xb8;
	[tilespmem:$0x10C00] =	vst v63  }
0xb8: {  	s17 =	rddreg [dreg:$0xd]  }
0xb9: {  	[tilespmem:s14], [sflag:$0x1] =	stream.indirect.gather [hbm4b:s5+s6], $0x20, s17, s6, $0xb8;
	[tilespmem:$0x10C00] =	vst v63  }
0xba: {  	s16 =	rddreg [dreg:$0xe]  }
0xbb: {  	[tilespmem:s18], [sflag:$0x1] =	stream.indirect.gather [hbm4b:s5+s6], $0x20, s16, s6, $0xb8;
	[tilespmem:$0x10C00] =	vst v63  }
0xbc: {  	s17 =	rddreg [dreg:$0x10]  }
0xbd: {  	[tilespmem:s19], [sflag:$0x1] =	stream.indirect.gather [hbm4b:s5+s6], $0x20, s17, s6, $0xb8;
	[tilespmem:$0x10C00] =	vst v63  }
0xbe: {  	s18 =	rddreg [dreg:$0x12]  }
0xbf: {  	[tilespmem:s15], [sflag:$0x1] =	stream.indirect.gather [hbm4b:s5+s6], $0x20, s18, s6, $0xb8;
	[tilespmem:$0x10C00] =	vst v63  }
0xc0: {  	s19 =	rddreg [dreg:$0x14]  }
0xc1: {  	[tilespmem:s1], [sflag:$0x1] =	stream.indirect.gather [hbm4b:s5+s6], $0x20, s19, s6, $0xb8;
	[tilespmem:$0x10C00] =	vst v63  }
0xc2: {  	s18 =	simm.s32 $0xA00;
	s19 =	simm.s32 $0xCC00  }
0xc3: {  	[tilespmem:s19], [sflag:$0x1] =	stream.indirect.gather [hbm4b:s5+s6], $0x20, s18, s6, $0xb8;
	[tilespmem:$0x10C00] =	vst v63  }
0xc4: {  	s16 =	simm.s32 $0xA80;
	s17 =	simm.s32 $0xDC00  }
0xc5: {  	[tilespmem:s17], [sflag:$0x1] =	stream.indirect.gather [hbm4b:s5+s6], $0x20, s16, s6, $0xb8;
	[tilespmem:$0x10C00] =	vst v63  }
0xc6: {  	s18 =	simm.s32 $0xB00  }
0xc7: {  	[tilespmem:s20], [sflag:$0x1] =	stream.indirect.gather [hbm4b:s5+s6], $0x20, s18, s6, $0xb8;
	[tilespmem:$0x10C00] =	vst v63  }
0xc8: {  	_ = 	snop  }
0xc9: {  	[tilespmem:s22], [sflag:$0x1] =	stream.indirect.gather [hbm4b:s5+s6], $0x20, s21, s6, $0xb8;
	[tilespmem:$0x10C00] =	vst v63  }
0xca: {  	_ =	swait.ge [sflag:s23], $0x1000  }
0xcb: {  	[sflag:s23] =	ssyncset.done $0x0  }
0xcc: {  	[sflag:s23] =	ssyncadd.s32 $0xFFFFF000  }
0xcd: {  	_ =	swait.ge [sflag:s23], $0x1000  }
0xce: {  	[sflag:s23] =	ssyncset.done $0x0  }
0xcf: {  	[sflag:s23] =	ssyncadd.s32 $0xFFFFF000  }
0xd0: {  	_ =	swait.ge [sflag:s23], $0x1000  }
0xd1: {  	[sflag:s23] =	ssyncset.done $0x0  }
0xd2: {  	[sflag:s23] =	ssyncadd.s32 $0xFFFFF000  }
0xd3: {  	_ =	swait.ge [sflag:s23], $0x1000  }
0xd4: {  	[sflag:s23] =	ssyncset.done $0x0  }
0xd5: {  	[sflag:s23] =	ssyncadd.s32 $0xFFFFF000  }
0xd6: {  	_ =	swait.ge [sflag:s23], $0x1000  }
0xd7: {  	[sflag:s23] =	ssyncset.done $0x0  }
0xd8: {  	[sflag:s23] =	ssyncadd.s32 $0xFFFFF000  }
0xd9: {  	_ =	swait.ge [sflag:s23], $0x1000  }
0xda: {  	[sflag:s23] =	ssyncset.done $0x0  }
0xdb: {  	[sflag:s23] =	ssyncadd.s32 $0xFFFFF000  }
0xdc: {  	_ =	swait.ge [sflag:s23], $0x1000  }
0xdd: {  	[sflag:s23] =	ssyncset.done $0x0  }
0xde: {  	[sflag:s23] =	ssyncadd.s32 $0xFFFFF000  }
0xdf: {  	_ =	swait.ge [sflag:s23], $0x1000  }
0xe0: {  	[sflag:s23] =	ssyncset.done $0x0  }
0xe1: {  	[sflag:s23] =	ssyncadd.s32 $0xFFFFF000  }
0xe2: {  	_ =	swait.ge [sflag:s23], $0x1000  }
0xe3: {  	[sflag:s23] =	ssyncset.done $0x0  }
0xe4: {  	[sflag:s23] =	ssyncadd.s32 $0xFFFFF000  }
0xe5: {  	_ =	swait.ge [sflag:s23], $0x1000  }
0xe6: {  	[sflag:s23] =	ssyncset.done $0x0  }
0xe7: {  	[sflag:s23] =	ssyncadd.s32 $0xFFFFF000  }
0xe8: {  	_ =	swait.ge [sflag:s23], $0x1000  }
0xe9: {  	[sflag:s23] =	ssyncset.done $0x0  }
0xea: {  	[sflag:s23] =	ssyncadd.s32 $0xFFFFF000  }
0xeb: {  	_ =	swait.ge [sflag:s23], $0x1000  }
0xec: {  	[sflag:s23] =	ssyncset.done $0x0  }
0xed: {  	[sflag:s23] =	ssyncadd.s32 $0xFFFFF000  }
0xee: {  	_ =	swait.ge [sflag:s23], $0x1000  }
0xef: {  	[sflag:s23] =	ssyncset.done $0x0  }
0xf0: {  	[sflag:s23] =	ssyncadd.s32 $0xFFFFF000  }
0xf1: {  	_ =	swait.ge [sflag:s23], $0x1000  }
0xf2: {  	[sflag:s23] =	ssyncset.done $0x0  }
0xf3: {  	[sflag:s23] =	ssyncadd.s32 $0xFFFFF000  }
0xf4: {  	_ =	swait.ge [sflag:s23], $0x1000  }
0xf5: {  	[sflag:s23] =	ssyncset.done $0x0  }
0xf6: {  	[sflag:s23] =	ssyncadd.s32 $0xFFFFF000  }
0xf7: {  	_ =	swait.ge [sflag:s23], $0x1000  }
0xf8: {  	[sflag:s23] =	ssyncset.done $0x0  }
0xf9: {  	s19 =	rddreg [dreg:$0x5];
	[sflag:s23] =	ssyncadd.s32 $0xFFFFF000  }
0xfa: {  	[hbm4b:s19+s2] =	stream.linear.scatter [tilespmem:s7], [sflag:$0x2], $0x10000, $0x38;
	[tilespmem:$0x10C00] =	vst v63  }
0xfb: {  	_ =	swait.ge [sflag:s3], $0x10000  }
0xfc: {  	[sflag:s3] =	ssyncset.done $0x0  }
0xfd: {  	[sflag:s3] =	ssyncadd.s32 $0xFFFF0000  }
0xfe: {  	[tilespmem:s7], [sflag:$0x1] =	stream.indirect.gather [hbm4b:s24+s6], $0x20, s2, s6, $0xb8;
	[tilespmem:$0x10C00] =	vst v63  }
0xff: {  	_ = 	snop  }
0x100: {  	[tilespmem:s8], [sflag:$0x1] =	stream.indirect.gather [hbm4b:s24+s6], $0x20, s6, s6, $0xb8;
	[tilespmem:$0x10C00] =	vst v63  }
0x101: {  	_ = 	snop  }
0x102: {  	[tilespmem:s9], [sflag:$0x1] =	stream.indirect.gather [hbm4b:s24+s6], $0x20, s25, s6, $0xb8;
	[tilespmem:$0x10C00] =	vst v63  }
0x103: {  	_ = 	snop  }
0x104: {  	[tilespmem:s10], [sflag:$0x1] =	stream.indirect.gather [hbm4b:s24+s6], $0x20, s26, s6, $0xb8;
	[tilespmem:$0x10C00] =	vst v63  }
0x105: {  	_ = 	snop  }
0x106: {  	[tilespmem:s11], [sflag:$0x1] =	stream.indirect.gather [hbm4b:s24+s6], $0x20, s28, s6, $0xb8;
	[tilespmem:$0x10C00] =	vst v63  }
0x107: {  	_ = 	snop  }
0x108: {  	[tilespmem:s12], [sflag:$0x1] =	stream.indirect.gather [hbm4b:s24+s6], $0x20, s29, s6, $0xb8;
	[tilespmem:$0x10C00] =	vst v63  }
0x109: {  	_ = 	snop  }
0x10a: {  	[tilespmem:s13], [sflag:$0x1] =	stream.indirect.gather [hbm4b:s24+s6], $0x20, s30, s6, $0xb8;
	[tilespmem:$0x10C00] =	vst v63  }
0x10b: {  	_ = 	snop  }
0x10c: {  	[tilespmem:s14], [sflag:$0x1] =	stream.indirect.gather [hbm4b:s24+s6], $0x20, s31, s6, $0xb8;
	[tilespmem:$0x10C00] =	vst v63  }
0x10d: {  	_ =	swait.ge [sflag:s23], $0x1000  }
0x10e: {  	[sflag:s23] =	ssyncset.done $0x0  }
0x10f: {  	[sflag:s23] =	ssyncadd.s32 $0xFFFFF000  }
0x110: {  	_ =	swait.ge [sflag:s23], $0x1000  }
0x111: {  	[sflag:s23] =	ssyncset.done $0x0  }
0x112: {  	[sflag:s23] =	ssyncadd.s32 $0xFFFFF000  }
0x113: {  	_ =	swait.ge [sflag:s23], $0x1000  }
0x114: {  	[sflag:s23] =	ssyncset.done $0x0  }
0x115: {  	[sflag:s23] =	ssyncadd.s32 $0xFFFFF000  }
0x116: {  	_ =	swait.ge [sflag:s23], $0x1000  }
0x117: {  	[sflag:s23] =	ssyncset.done $0x0  }
0x118: {  	[sflag:s23] =	ssyncadd.s32 $0xFFFFF000  }
0x119: {  	_ =	swait.ge [sflag:s23], $0x1000  }
0x11a: {  	[sflag:s23] =	ssyncset.done $0x0  }
0x11b: {  	[sflag:s23] =	ssyncadd.s32 $0xFFFFF000  }
0x11c: {  	_ =	swait.ge [sflag:s23], $0x1000  }
0x11d: {  	[sflag:s23] =	ssyncset.done $0x0  }
0x11e: {  	[sflag:s23] =	ssyncadd.s32 $0xFFFFF000  }
0x11f: {  	p0 =	sne.s32 s0, $0x1;
	_ =	swait.ge [sflag:s23], $0x1000  }
.Ltmp1:
0x120: {  	[sflag:s23] =	ssyncset.done $0x0;
	(pc) =	sbr.rel @p0 .LBB2_1-.Ltmp1, $4  }
0x121: {  	[sflag:s23] =	ssyncadd.s32 $0xFFFFF000  }
0x122: {  	_ =	swait.ge [sflag:s23], $0x1000  }
0x123: {  	[sflag:s23] =	ssyncset.done $0x0  }
0x124: {  	s0 =	sadd.s32 $0xFFFFFFFF, s0;
	s1 =	rddreg [dreg:$0x6];
	[sflag:s23] =	ssyncadd.s32 $0xFFFFF000  }
.LBB2_2:
0x125: {  	[hbm4b:s1+s2] =	stream.linear.scatter [tilespmem:s7], [sflag:$0x2], $0x8000, $0x38;
	[tilespmem:$0x10C00] =	vst v63  }
0x126: {  	_ =	swait.ge [sflag:s3], $0x8000  }
0x127: {  	[sflag:s3] =	ssyncset.done $0x0  }
0x128: {  	[sflag:s3] =	ssyncadd.s32 $0xFFFF8000  }
0x129: {  	_ =	sfence.sel $0x180000  }
0x12a: {  	[bflag:$0x0] =	sbarrier.arrive $0xFFFF  }
0x12b: {  	_ =	strace $0x9000004A  }
0x12c: {  	s0 =	stileid.u32;
	[bflag:$0x2] =	sbarrier.arrive $0xFFFF  }
0x12d: {  	p0 =	sne.s32 s0, $0x0;
	s0 =	rddreg [dreg:$0x2]  }
0x12e: {  	s0 =	sadd.s32 @!p0 $0x100000, s0  }
0x12f: {  	[sflag:s0] =	ssyncadd.tile.s32 @!p0 $0x1;
	_ =	shalt  }
.Lfunc_end2:
_tile_overlayer_lowered:
.L_overlay_start_2:
0x130: {  	(tag) =	ssettag $0x2  }
0x131: {  	s0 =	rddreg [dreg:$0x0];
	s2 =	stileid.u32  }
0x132: {  	s1 =	rddreg [dreg:$0x1];
	p0 =	sne.s32 s2, $0x0  }
0x133: {  	s3 =	rddreg [dreg:$0x2];
	[bflag:$0x3] =	sbarrier.arrive $0xFFFF;
	s2 =	simm.s32 @!p0 $0x1C02  }
0x134: {  	[timem:s3], [sflag:s2] =	dma.local @!p0 [hbm:s0], s1  }
0x135: {  	s0 =	simm.s32 @!p0 $0x2  }
0x136: {  	_ =	swait.ge @!p0 [sflag:s0], s1  }
0x137: {  	s1 =	ssub.s32 @!p0 $0x0, s1;
	[sflag:s0] =	ssyncset.done @!p0 $0x0  }
0x138: {  	[sflag:s0] =	ssyncadd.s32 @!p0 s1  }
0x139: {  	[bflag:$0x3] =	sbarrier.arrive $0xFFFF  }
0x13a: {  	_ =	shalt  }

// kernel: kernel.9.cloned.1.call-start
scs
__scs_entry_jumppad:
0x0: {  	(pc) =	sbr.rel $0x88, $3  }
0x1: {  	(tag) =	ssettag $0x0;
	lr =	simm.s32 $0x1  }
0x2: {  	[smem:$0x3F92] =	sst lr;
	_ =	strace $0xD0000000  }
0x3: {  	_ = 	snop  }
0x4: {  	_ = 	snop  }
0x5: {  	_ = 	snop  }
0x6: {  	_ = 	snop  }
0x7: {  	_ = 	snop  }
__scs_overlays_trampoline_lowered:
0x8: {  	[smem:$0x3FA1] =	sst s0  }
0x9: {  	[smem:$0x3FA2] =	sst s1  }
0xa: {  	[smem:$0x3FA3] =	sst s2  }
0xb: {  	[smem:$0x3FA4] =	sst s3  }
0xc: {  	[smem:$0x3FA5] =	sst s4  }
0xd: {  	[smem:$0x3FA6] =	sst s5  }
0xe: {  	[smem:$0x3FA7] =	sst s6  }
0xf: {  	[smem:$0x3FA8] =	sst s7  }
0x10: {  	[smem:$0x3FA9] =	sst s8  }
0x11: {  	[smem:$0x3FAA] =	sst s9;
	s0 =	simm.s32 @!p0 $0x0  }
0x12: {  	s1 =	sld [smem:$0x3F90];
	s0 =	simm.s32 @p0 $0x1  }
0x13: {  	[smem:$0x3FAB] =	sst s0;
	s0 =	simm.s32 @!p1 $0x0  }
0x14: {  	s2 =	sld [smem:$0x3F8F];
	s0 =	simm.s32 @p1 $0x1  }
0x15: {  	[smem:$0x3FAC] =	sst s0;
	s0 =	simm.s32 @!p2 $0x0  }
0x16: {  	s3 =	sld [smem:$0x3FDB];
	s0 =	simm.s32 @p2 $0x1  }
0x17: {  	s4 =	simm.s32 $0x1BF5;
	[smem:$0x3FAE] =	sst s0  }
0x18: {  	s0 =	sld [smem:$0x3F91];
	_ =	swait.ge [sflag:s4], $0x0  }
0x19: {  	s7 =	sld [smem:$0x3F92]  }
0x1a: {  	s8 =	sadd.s32 $0xFFFFE003, lr  }
0x1b: {  	s9 =	sadd.s32 $0xFFFFFEF7, lr;
	s5 =	simm.s32 $0xFFFFFFFF;
	p2 =	slt.u32 s8, $0xFFFFF086  }
0x1c: {  	p1 =	slt.u32 s9, $0xF7A;
	s5 =	simm.s32 @!p2 $0x0  }
0x1d: {  	s5 =	simm.s32 @p1 $0x1;
	p0 =	seq.s32 s7, s2  }
0x1e: {  	s7 =	smul.u32 @!p0 $0xF7A, s2;
	p2 =	seq.s32 @!p0 s5, $0x0  }
0x1f: {  	s9 =	smul.u32 $0xF7A, s1;
	s8 =	simm.s32 @!p0 $0x1BF5;
	p2 =	por !p2, p0  }
0x20: {  	[sflag:s8] =	ssyncset.s32 @!p0 $0xFFFFF086;
	s6 =	sadd.s32 @!p0 s3, s7;
	s7 =	simm.s32 @!p0 $0x108  }
0x21: {  	s3 =	sadd.s32 s3, s9;
	s6 =	sadd.s32 @!p0 $0x88, s6;
	s7 =	simm.s32 @p2 $0x1082  }
0x22: {  	[simem:s7], [sflag:s8] =	dma.local @!p0 [hbm:s6], $0xF7A  }
0x23: {  	s9 =	sor.u32 $0xD0000000, s2;
	s6 =	simm.s32 $0x108;
	_ =	swait.ge @!p0 [sflag:s8], $0x0  }
0x24: {  	s3 =	sadd.s32 $0x88, s3;
	s6 =	simm.s32 @!p1 $0x1082;
	[sflag:s4] =	ssyncset.s32 $0xFFFFF086  }
0x25: {  	[simem:s6], [sflag:s4] =	dma.local [hbm:s3], $0xF7A  }
0x26: {  	[smem:$0x3F92] =	sst s1;
	(tag) =	ssettag s2;
	_ =	strace s9  }
0x27: {  	s1 =	sld [smem:$0x3FA2]  }
0x28: {  	s2 =	sld [smem:$0x3FA3]  }
0x29: {  	s4 =	sld [smem:$0x3FA5]  }
0x2a: {  	p0 =	seq.s32 s5, $0x0;
	s5 =	sld [smem:$0x3FA6]  }
0x2b: {  	s6 =	sld [smem:$0x3FA7]  }
0x2c: {  	s7 =	sld [smem:$0x3FA8]  }
0x2d: {  	s3 =	simm.s32 $0x108;
	s8 =	sld [smem:$0x3FA9]  }
0x2e: {  	s3 =	simm.s32 @!p0 $0x1082;
	s9 =	sld [smem:$0x3FAA]  }
0x2f: {  	lr =	sadd.s32 s0, s3;
	s0 =	sld [smem:$0x3FA1]  }
0x30: {  	s3 =	sld [smem:$0x3FA4]  }
0x31: {  	[smem:$0x3FAD] =	sst s10  }
0x32: {  	s10 =	sld [smem:$0x3FAB];
	_ =	sdelay $0x3  }
0x33: {  	p0 =	seq.s32 s10, $0x1;
	s10 =	sld [smem:$0x3FAD];
	_ =	sdelay $0x3  }
0x34: {  	[smem:$0x3FAD] =	sst s10  }
0x35: {  	s10 =	sld [smem:$0x3FAC];
	_ =	sdelay $0x3  }
0x36: {  	p1 =	seq.s32 s10, $0x1;
	s10 =	sld [smem:$0x3FAD];
	_ =	sdelay $0x3  }
0x37: {  	[smem:$0x3FAD] =	sst s10  }
0x38: {  	s10 =	sld [smem:$0x3FAE]  }
0x39: {  	_ = 	snop;
	(pc) =	sbr.ind lr, $3  }
0x3a: {  	_ = 	snop  }
0x3b: {  	_ = 	snop  }
0x3c: {  	p2 =	seq.s32 s10, $0x1;
	s10 =	sld [smem:$0x3FAD]  }
0x3d: {  	_ =	shalt  }
0x3e: {  	_ =	shalt  }
0x3f: {  	_ =	shalt  }
0x40: {  	_ =	shalt  }
0x41: {  	_ =	shalt  }
0x42: {  	_ =	shalt  }
0x43: {  	_ =	shalt  }
0x44: {  	_ =	shalt  }
0x45: {  	_ =	shalt  }
0x46: {  	_ =	shalt  }
0x47: {  	_ =	shalt  }
0x48: {  	_ =	shalt  }
0x49: {  	_ =	shalt  }
0x4a: {  	_ =	shalt  }
0x4b: {  	_ =	shalt  }
0x4c: {  	_ =	shalt  }
0x4d: {  	_ =	shalt  }
0x4e: {  	_ =	shalt  }
0x4f: {  	_ =	shalt  }
0x50: {  	_ =	shalt  }
0x51: {  	_ =	shalt  }
0x52: {  	_ =	shalt  }
0x53: {  	_ =	shalt  }
0x54: {  	_ =	shalt  }
0x55: {  	_ =	shalt  }
0x56: {  	_ =	shalt  }
0x57: {  	_ =	shalt  }
0x58: {  	_ =	shalt  }
0x59: {  	_ =	shalt  }
0x5a: {  	_ =	shalt  }
0x5b: {  	_ =	shalt  }
0x5c: {  	_ =	shalt  }
0x5d: {  	_ =	shalt  }
0x5e: {  	_ =	shalt  }
0x5f: {  	_ =	shalt  }
0x60: {  	_ =	shalt  }
0x61: {  	_ =	shalt  }
0x62: {  	_ =	shalt  }
0x63: {  	_ =	shalt  }
0x64: {  	_ =	shalt  }
0x65: {  	_ =	shalt  }
0x66: {  	_ =	shalt  }
0x67: {  	_ =	shalt  }
0x68: {  	_ =	shalt  }
0x69: {  	_ =	shalt  }
0x6a: {  	_ =	shalt  }
0x6b: {  	_ =	shalt  }
0x6c: {  	_ =	shalt  }
0x6d: {  	_ =	shalt  }
0x6e: {  	_ =	shalt  }
0x6f: {  	_ =	shalt  }
0x70: {  	_ =	shalt  }
0x71: {  	_ =	shalt  }
0x72: {  	_ =	shalt  }
0x73: {  	_ =	shalt  }
0x74: {  	_ =	shalt  }
0x75: {  	_ =	shalt  }
0x76: {  	_ =	shalt  }
0x77: {  	_ =	shalt  }
0x78: {  	_ =	shalt  }
0x79: {  	_ =	shalt  }
0x7a: {  	_ =	shalt  }
0x7b: {  	_ =	shalt  }
0x7c: {  	_ =	shalt  }
0x7d: {  	_ =	shalt  }
0x7e: {  	_ =	shalt  }
0x7f: {  	_ =	shalt  }
0x80: {  	_ =	shalt  }
0x81: {  	_ =	shalt  }
0x82: {  	_ =	shalt  }
0x83: {  	_ =	shalt  }
0x84: {  	_ =	shalt  }
0x85: {  	_ =	shalt  }
0x86: {  	_ =	shalt  }
0x87: {  	_ =	shalt  }
.Lfunc_end0:
.L_simem_size_0:
called_computation_lowered:
.L_overlay_start_0:
0x88: {  	s2 =	sld [smem:$0x3FD9]  }
0x89: {  	s3 =	sld [smem:$0x3FFE];
	_ =	sdelay $0x1  }
0x8a: {  	s1 =	srdreg.scid  }
0x8b: {  	s0 =	sand.u32 $0x1, s1  }
0x8c: {  	s14 =	sshll.u32 s0, $0xA;
	s2 =	sadd.s32 s3, s2  }
0x8d: {  	s2 =	sadd.s32 s2, s14  }
0x8e: {  	[smem:$0x3FB9] =	sst s2  }
0x8f: {  	_ = 	snop  }
0x90: {  	s2 =	sld [smem:$0x3FD0];
	_ =	sdelay $0x2  }
0x91: {  	s15 =	simm.s32 $0xA;
	s4 =	simm.s32 $0x10  }
0x92: {  	[smem:s4], [sflag:s15] =	dma.local [hbm:s2], $0x1  }
0x93: {  	_ =	swait.eq [sflag:s15], $0x1  }
0x94: {  	[sflag:s15] =	ssyncset.done $0x0  }
0x95: {  	s16 =	sld [smem:$0x10];
	[sflag:s15] =	ssyncadd.s32 $0xFFFFFFFF  }
0x96: {  	s17 =	sld [smem:$0x11];
	(tm) =	ssettm $0x1  }
0x97: {  	s18 =	sld [smem:$0x3FFB];
	_ =	sdelay $0x3  }
0x98: {  	_ =	strace s18  }
0x99: {  	s4 =	sld [smem:$0x3FFC];
	_ =	sdelay $0x3  }
0x9a: {  	_ =	strace s4  }
0x9b: {  	s4 =	sld [smem:$0x3FFD];
	_ =	sdelay $0x3  }
0x9c: {  	_ =	strace s4  }
0x9d: {  	_ =	strace $0x8FFFFFFF  }
0x9e: {  	s19 =	sld [smem:$0x3FDB];
	_ =	sdelay $0x1  }
0x9f: {  	s5 =	simm.s32 $_scs_section_size  }
0xa0: {  	s6 =	simm.s32 $_size__tile_overlayer_lowered;
	s7 =	simm.s32 $_tile_overlayer_lowered  }
0xa1: {  	s22 =	simm.s32 $0x1BFF;
	s21 =	sshll.u32 s7, $0x1;
	s4 =	sadd.s32 s5, s19  }
0xa2: {  	s8 =	simm.s32 $0x0;
	s20 =	sshll.u32 s6, $0x1;
	s6 =	sadd.s32 s21, s4  }
0xa3: {  	[timem:s8], [sflag:s22] =	dma.local [hbm:s6], s20  }
0xa4: {  	_ =	swait.ge [sflag:s22], s20  }
0xa5: {  	s5 =	ssub.s32 $0x0, s20;
	[sflag:s22] =	ssyncset.done $0x0  }
0xa6: {  	[sflag:s22] =	ssyncadd.s32 s5;
	_ =	sdelay $0x1  }
0xa7: {  	s23 =	simm.s32 $0x1B8B  }
0xa8: {  	_ =	swait.ge [sflag:s23], $0x1  }
0xa9: {  	[sflag:s23] =	ssyncset.done $0x0  }
0xaa: {  	s25 =	simm.s32 $0x1B8E;
	s24 =	sld [smem:$0x3FFE];
	[sflag:s23] =	ssyncadd.s32 $0xFFFFFFFF  }
0xab: {  	s26 =	simm.s32 $execute0_lowered;
	[smem:$0x3FD2] =	sst s25  }
0xac: {  	s6 =	sshll.u32 s26, $0x1;
	_ =	strace $0x80000046;
	[dreg:$0x1] =	wrdreg $0xFFFFFFFF  }
0xad: {  	s28 =	simm.s32 $_size_execute0_lowered;
	s4 =	sadd.s32 s4, s6;
	[dreg:$0x0] =	wrdreg $0x0  }
0xae: {  	s6 =	sshll.u32 s28, $0x1;
	[dreg:$0x2] =	wrdreg s4  }
0xaf: {  	[dreg:$0x3] =	wrdreg s6  }
0xb0: {  	[dreg:$0x4] =	wrdreg $0xC0  }
0xb1: {  	_ =	task [dreg:s8], $0x5FFFF  }
0xb2: {  	[dreg:$0x1] =	wrdreg $0xFFFFFFFF  }
0xb3: {  	[dreg:$0x0] =	wrdreg $0x60  }
0xb4: {  	[dreg:$0x2] =	wrdreg s24  }
0xb5: {  	[dreg:$0x3] =	wrdreg s16  }
0xb6: {  	[dreg:$0x4] =	wrdreg s17  }
0xb7: {  	[dreg:$0x5] =	wrdreg $0x9  }
0xb8: {  	_ =	task.clear_ibuf [dreg:s8], $0x6FFFF;
	_ =	strace $0x90000046  }
0xb9: {  	s29 =	simm.s32 $0x9;
	_ =	strace $0x80000048  }
0xba: {  	_ =	swait.ge [sflag:s29], $0x1  }
0xbb: {  	[sflag:s29] =	ssyncadd.s32 $0xFFFFFFFF  }
0xbc: {  	_ =	strace $0x90000048  }
0xbd: {  	_ =	sfence  }
0xbe: {  	s30 =	sld [smem:$0x0];
	_ =	sdelay $0x2  }
0xbf: {  	s31 =	sshll.u32 s1, $0xD;
	s1 =	sshrl.u32 s1, $0x2  }
0xc0: {  	s3 =	sand.u32 $0x4000, s31;
	s1 =	sadd.s32 s1, s30  }
0xc1: {  	s0 =	sor.u32 s3, s0;
	s1 =	sshll.u32 s1, $0x11  }
0xc2: {  	s0 =	sor.u32 s1, s0  }
0xc3: {  	s0 =	sadd.s32 $0x8F2B, s0  }
0xc4: {  	[sflag:s0] =	ssyncadd.remote.s32 $0x1  }
0xc5: {  	_ =	sfence.sel $0xFFFF  }
0xc6: {  	[dreg:$0x0] =	wrdreg $0xFFFFFFFF;
	(pc) =	sbr.abs _section_cstart, $3  }
0xc7: {  	[dreg:$0x1] =	wrdreg $0xFFFFFFFF  }
0xc8: {  	_ =	task.clear_ibuf [dreg:s8], $0x2FFFF;
	_ =	strace $0x9FFFFFFF  }
0xc9: {  	(tm) =	ssettm $0x7FFFFFFF  }
tec
execute0_lowered:
.L_overlay_start_1:
0x0: {  	(tag) =	ssettag $0x1  }
0x1: {  	s3 =	rddreg [dreg:$0x0]  }
0x2: {  	s5 =	rddreg [dreg:$0x1]  }
0x3: {  	s7 =	rddreg [dreg:$0x2]  }
0x4: {  	s0 =	rddreg [dreg:$0x3];
	s1 =	simm.s32 $0x0;
	s2 =	srdreg.scid  }
0x5: {  	v0 =	vimm.s32 $0xB9BEBBB8;
	s12 =	simm.s32 $0xC4C0;
	[smem:$0x7FF] =	sst s1;
	s4 =	sand.u32 $0x1, s2  }
0x6: {  	v1 =	vimm.s32 $0xBDBABFBC;
	vm0 =	vcmask $0x1F10;
	v3 =	vimm.s32 $0x52741630;
	s13 =	simm.s32 $0x0;
	s2 =	stileid.u32;
	s6 =	smul.u32 $0xC00, s4  }
0x7: {  	v4 =	vimm.s32 $0x74163052;
	v8 =	vimm.s32 $0xDAFC9EB8;
	v9 =	vimm.f32 $0.0e+00;
	s8 =	sshll.u32 s4, $0x4;
	_ =	strace $0x80000047;
	s9 =	ssub.s32 $0x2, s4  }
0x8: {  	v10 =	vimm.s32 $0x0;
	v2 =	vunpack.c.0.s8.s32 v0;
	v1 =	vunpack.c.0.s8.s32 v1;
	s8 =	sor.u32 s2, s8;
	s11 =	sshrl.u32 s9, $0x1;
	s6 =	sadd.s32 s6, s3  }
.Ltmp0:
0x9: {  	v0 =	vlaneseq.u32;
	v5 =	vunpack.c.l.s4.s8 v3;
	v3 =	vimm.s32 $0x63052741;
	s10 =	sshll.u32 s8, $0x7;
	s9 =	ssub.s32 s9, s11;
	(pc) =	sbr.rel .LBB2_1-.Ltmp0, $4  }
0xa: {  	v7 =	vunpack.c.l.s4.s8 v4;
	v8 =	vunpack.c.l.s4.s8 v8;
	v6 =	vunpack.c.l.s4.s8 v3;
	s31 =	smul.u32 $0x18, s8;
	s8 =	sshll.u32 s8, $0x8;
	s11 =	simm.s32 $0xC0C0  }
0xb: {  	v2 =	vsel vm0, v1, v2;
	v1 =	vmul.u32 $0x3, v0;
	v5 =	vunpack.c.0.s8.s32 v5;
	s10 =	sadd.s32 s10, s3;
	s3 =	sshll.u32 s4, $0xD;
	s4 =	sadd.s32 $0x43800, s6  }
0xc: {  	v7 =	vunpack.c.0.s8.s32 v7;
	v8 =	vunpack.c.0.s8.s32 v8;
	v2 =	vcombine.low v2, v2;
	s7 =	sadd.s32 s7, s8;
	s8 =	smax.u32 s9, $0x1;
	s9 =	simm.s32 $0x1  }
0xd: {  	v6 =	vunpack.c.0.s8.s32 v6;
	v3 =	vadd.s32 $0x1, v1;
	v4 =	vadd.s32 $0x2, v1;
	s5 =	sadd.s32 s5, s31;
	s6 =	sadd.s32 $0x45000, s10;
	s10 =	simm.s32 $0xC000  }
.LBB2_15:
0xe: {  	[hbm4b:s6+s1] =	stream.linear.scatter [tilespmem:s11], [sflag:$0x1], $0x400, $0x38;
	[tilespmem:$0xCCC0] =	vst v63  }
0xf: {  	s13 =	sadd.s32 $0x1, s13;
	_ =	swait.ge [sflag:s9], $0x400  }
0x10: {  	p0 =	sne.s32 s13, s8;
	[sflag:s9] =	ssyncset.done $0x0  }
.Ltmp1:
0x11: {  	[sflag:s9] =	ssyncadd.s32 $0xFFFFFC00;
	(pc) =	sbr.rel @!p0 .LBB2_16-.Ltmp1, $4  }
0x12: {  	[hbm4b:s7+s1] =	stream.linear.scatter [tilespmem:s12], [sflag:$0x1], $0x800, $0x38;
	[tilespmem:$0xCCC0] =	vst v63  }
0x13: {  	_ =	swait.ge [sflag:s9], $0x800  }
0x14: {  	[sflag:s9] =	ssyncset.done $0x0  }
0x15: {  	[sflag:s9] =	ssyncadd.s32 $0xFFFFF800  }
.LBB2_1:
0x16: {  	[tilespmem:s1], [sflag:$0x1] =	stream.linear.gather [hbm4b:s4+s1], $0x6000, $0x38;
	[tilespmem:$0xCCC0] =	vst v63  }
0x17: {  	s15 =	simm.s32 $0x90  }
0x18: {  	_ =	swait.ge [sflag:s9], $0x6000;
	v11 =	vadd.s32 s15, v1  }
0x19: {  	s14 =	simm.s32 $0x0;
	s19 =	simm.s32 $0xC0;
	[sflag:s9] =	ssyncset.done $0x0;
	v11 =	vand.u32 $0x7FF8, v11  }
0x1a: {  	s20 =	simm.s32 $0xF0;
	s22 =	simm.s32 $0x120;
	v12 =	vor.u32 s14, v1;
	[sflag:s9] =	ssyncadd.s32 $0xFFFFA000;
	v11 =	vor.u32 v5, v11  }
0x1b: {  	v13 =	vor.u32 s19, v1;
	v14 =	vadd.s32 s20, v1;
	v12 =	vand.u32 v2, v12;
	[tilespmem:s10], [sflag:$0x1] =	stream.linear.gather [hbm4b:s5+s1], $0xC0, $0x38;
	[tilespmem:$0xCCC0] =	vst v63  }
0x1c: {  	s16 =	simm.s32 $0x150;
	v15 =	vadd.s32 s22, v1;
	v13 =	vand.u32 v8, v13;
	v14 =	vand.u32 $0xFFF8, v14;
	_ =	swait.ge [sflag:s9], $0xC0  }
0x1d: {  	v16 =	vadd.s32 s16, v1;
	v15 =	vand.u32 $0x7FF8, v15;
	v14 =	vor.u32 v5, v14;
	[sflag:s9] =	ssyncset.done $0x0  }
0x1e: {  	s17 =	simm.s32 $0x60;
	v17 =	vadd.s32 s15, v3;
	v16 =	vand.u32 $0xFFF8, v16;
	v15 =	vor.u32 v5, v15;
	[sflag:s9] =	ssyncadd.s32 $0xFFFFFF40  }
0x1f: {  	v18 =	vadd.s32 s17, v1;
	v17 =	vand.u32 $0x7FF8, v17;
	v16 =	vor.u32 v5, v16;
	v11 =	vld.idx.msk [tilespmem:v11+s1+$0x0], $0xffff  }
0x20: {  	v18 =	vand.u32 $0xFFF8, v18;
	v17 =	vor.u32 v6, v17;
	v12 =	vld.idx.msk [tilespmem:v12+s1+$0x0], $0xffff  }
0x21: {  	s21 =	simm.s32 $0x30;
	v19 =	vadd.s32 s20, v3;
	v18 =	vor.u32 v5, v18;
	v13 =	vld.idx.msk [tilespmem:v13+s1+$0x0], $0xffff  }
0x22: {  	v20 =	vadd.s32 s21, v1;
	v21 =	vor.u32 s19, v3;
	v19 =	vand.u32 $0xFFF8, v19;
	v14 =	vld.idx.msk [tilespmem:v14+s1+$0x0], $0xffff  }
0x23: {  	s23 =	simm.s32 $0x6040;
	v22 =	vadd.s32 s22, v3;
	v20 =	vand.u32 $0x7FF8, v20;
	v19 =	vor.u32 v6, v19;
	v15 =	vld.idx.msk [tilespmem:v15+s1+$0x0], $0xffff  }
0x24: {  	v23 =	vadd.s32 s15, v4;
	v22 =	vand.u32 $0x7FF8, v22;
	[tilespmem:s23+$0xFFFFFFF0] =	vst v11;
	v11 =	vld.idx.msk [tilespmem:v16+s1+$0x0], $0xffff;
	v16 =	vor.u32 v5, v20  }
0x25: {  	v20 =	vor.u32 v6, v22;
	v22 =	vand.u32 $0x7FF8, v23;
	v17 =	vld.idx.msk [tilespmem:v17+s1+$0x0], $0xffff  }
0x26: {  	v18 =	vld.idx.msk [tilespmem:v18+s1+$0x0], $0xffff;
	v23 =	vadd.s32 s16, v3;
	[tilespmem:s23+$0x0] =	vst v13;
	v13 =	vor.u32 v7, v22  }
0x27: {  	[tilespmem:s23+$0x10] =	vst v14;
	v14 =	vor.u32 s14, v3;
	v22 =	vadd.s32 s17, v3;
	v23 =	vand.u32 $0xFFF8, v23;
	v21 =	vld.idx.msk [tilespmem:v21+s1+$0x0], $0xffff  }
0x28: {  	v24 =	vadd.s32 s21, v3;
	[tilespmem:s23+$0x20] =	vst v15;
	v19 =	vld.idx.msk [tilespmem:v19+s1+$0x0], $0xffff;
	v22 =	vand.u32 $0xFFF8, v22;
	v23 =	vor.u32 v6, v23  }
0x29: {  	s18 =	simm.s32 $0x8040;
	v24 =	vand.u32 $0x7FF8, v24;
	[tilespmem:s23+$0xFFFFFFC0] =	vst v12;
	v22 =	vor.u32 v6, v22;
	v15 =	vld.idx.msk [tilespmem:v16+s1+$0x0], $0xffff  }
0x2a: {  	s25 =	simm.s32 $0x210;
	v16 =	vadd.s32 s22, v4;
	[tilespmem:s18+$0xFFFFFFF0] =	vst v17;
	v17 =	vld.idx.msk [tilespmem:v20+s1+$0x0], $0xffff;
	v20 =	vor.u32 v6, v24  }
0x2b: {  	s15 =	simm.s32 $0x180;
	v26 =	vadd.s32 s25, v1;
	[tilespmem:s23+$0xFFFFFFE0] =	vst v18;
	v16 =	vand.u32 $0x7FF8, v16;
	v12 =	vld.idx.msk [tilespmem:v13+s1+$0x0], $0xffff;
	v13 =	vor.u32 s19, v4  }
0x2c: {  	v25 =	vor.u32 s15, v1;
	v14 =	vld.idx.msk [tilespmem:v14+s1+$0x0], $0xffff;
	[tilespmem:s23+$0x30] =	vst v11;
	v24 =	vadd.s32 s20, v4;
	v16 =	vor.u32 v7, v16  }
0x2d: {  	s28 =	simm.s32 $0x2A0;
	v18 =	vadd.s32 s16, v4;
	[tilespmem:s18+$0x0] =	vst v21;
	v11 =	vand.u32 $0xFFF8, v24;
	v24 =	vand.u32 v2, v25;
	v23 =	vld.idx.msk [tilespmem:v23+s1+$0x0], $0xffff  }
0x2e: {  	s26 =	simm.s32 $0x270;
	v27 =	vadd.s32 s28, v1;
	v18 =	vand.u32 $0xFFF8, v18;
	v25 =	vor.u32 s14, v4;
	[tilespmem:s23+$0xFFFFFFD0] =	vst v15;
	v15 =	vld.idx.msk [tilespmem:v22+s1+$0x0], $0xffff  }
0x2f: {  	v28 =	vadd.s32 s26, v4;
	v18 =	vor.u32 v7, v18;
	v21 =	vand.u32 $0x7FF8, v26;
	[tilespmem:s18+$0x10] =	vst v19;
	v20 =	vld.idx.msk [tilespmem:v20+s1+$0x0], $0xffff  }
0x30: {  	s29 =	simm.s32 $0x2D0;
	v26 =	vadd.s32 s17, v4;
	v11 =	vor.u32 v7, v11;
	v22 =	vadd.s32 s21, v4;
	[tilespmem:s18+$0x20] =	vst v17;
	v13 =	vld.idx.msk [tilespmem:v13+s1+$0x0], $0xffff  }
0x31: {  	s16 =	simm.s32 $0xA040;
	s17 =	simm.s32 $0x240;
	v19 =	vadd.s32 s29, v1;
	[tilespmem:s18+$0xFFFFFFC0] =	vst v14;
	v22 =	vand.u32 $0x7FF8, v22;
	v17 =	vor.u32 v5, v21;
	v16 =	vld.idx.msk [tilespmem:v16+s1+$0x0], $0xffff  }
0x32: {  	v21 =	vor.u32 v7, v22;
	v22 =	vor.u32 s17, v1;
	[tilespmem:s16+$0xFFFFFFF0] =	vst v12;
	v12 =	vadd.s32 s26, v1;
	v24 =	vld.idx.msk [tilespmem:v24+s1+$0x0], $0xffff  }
0x33: {  	v19 =	vand.u32 $0xFFF8, v19;
	v25 =	vld.idx.msk [tilespmem:v25+s1+$0x0], $0xffff;
	[tilespmem:s18+$0x30] =	vst v23;
	v22 =	vand.u32 v8, v22;
	v12 =	vand.u32 $0xFFF8, v12  }
0x34: {  	v29 =	vor.u32 s17, v3;
	v19 =	vor.u32 v5, v19;
	v18 =	vld.idx.msk [tilespmem:v18+s1+$0x0], $0xffff;
	v12 =	vor.u32 v5, v12  }
0x35: {  	v14 =	vand.u32 $0xFFF8, v26;
	v26 =	vand.u32 $0x7FF8, v27;
	v27 =	vadd.s32 s28, v3;
	v11 =	vld.idx.msk [tilespmem:v11+s1+$0x0], $0xffff;
	[tilespmem:s18+$0xFFFFFFE0] =	vst v15  }
0x36: {  	s30 =	simm.s32 $0x1E0;
	s31 =	simm.s32 $0x1B0;
	v14 =	vor.u32 v7, v14;
	v23 =	vor.u32 v5, v26;
	v26 =	vadd.s32 s25, v3;
	v17 =	vld.idx.msk [tilespmem:v17+s1+$0x0], $0xffff;
	[tilespmem:s18+$0xFFFFFFD0] =	vst v20  }
0x37: {  	v15 =	vadd.s32 s31, v1;
	v20 =	vand.u32 $0x7FF8, v26;
	v26 =	vadd.s32 s30, v1;
	v21 =	vld.idx.msk [tilespmem:v21+s1+$0x0], $0xffff;
	[tilespmem:s16+$0x0] =	vst v13  }
0x38: {  	s18 =	simm.s32 $0x60C0;
	v26 =	vand.u32 $0xFFF8, v26;
	v13 =	vor.u32 v6, v20;
	[tilespmem:s16+$0x20] =	vst v16;
	v16 =	vadd.s32 s26, v3;
	v20 =	vld.idx.msk [tilespmem:v22+s1+$0x0], $0xffff  }
0x39: {  	v15 =	vand.u32 $0x7FF8, v15;
	[tilespmem:s18+$0xFFFFFFC0] =	vst v24;
	v26 =	vor.u32 v5, v26;
	v16 =	vand.u32 $0xFFF8, v16;
	v12 =	vld.idx.msk [tilespmem:v12+s1+$0x0], $0xffff  }
0x3a: {  	v24 =	vadd.s32 s28, v4;
	[tilespmem:s16+$0xFFFFFFC0] =	vst v25;
	v30 =	vor.u32 v6, v16;
	v16 =	vld.idx.msk [tilespmem:v19+s1+$0x0], $0xffff;
	v19 =	vand.u32 $0x7FF8, v27  }
0x3b: {  	v23 =	vld.idx.msk [tilespmem:v23+s1+$0x0], $0xffff;
	v25 =	vadd.s32 s31, v3;
	v22 =	vadd.s32 s25, v4;
	[tilespmem:s16+$0x30] =	vst v18;
	v31 =	vor.u32 v6, v19  }
0x3c: {  	[tilespmem:s18+$0xFFFFFFF0] =	vst v17;
	v17 =	vand.u32 $0x7FF8, v24;
	v24 =	vor.u32 v5, v15;
	v15 =	vand.u32 $0x7FF8, v22;
	v22 =	vld.idx.msk [tilespmem:v14+s1+$0x0], $0xffff  }
0x3d: {  	v28 =	vand.u32 $0xFFF8, v28;
	v32 =	vand.u32 $0x7FF8, v25;
	v18 =	vadd.s32 s31, v4;
	[tilespmem:s16+$0x10] =	vst v11;
	v27 =	vld.idx.msk [tilespmem:v13+s1+$0x0], $0xffff  }
0x3e: {  	v25 =	vor.u32 s15, v3;
	v14 =	vadd.s32 s29, v3;
	v33 =	vor.u32 v7, v15;
	v26 =	vld.idx.msk [tilespmem:v26+s1+$0x0], $0xffff;
	[tilespmem:s18+$0x0] =	vst v20  }
0x3f: {  	v13 =	vadd.s32 s30, v3;
	v17 =	vor.u32 v7, v17;
	[tilespmem:s18+$0x10] =	vst v12;
	v12 =	vadd.s32 s30, v4;
	v19 =	vld.idx.msk [tilespmem:v29+s1+$0x0], $0xffff  }
0x40: {  	[tilespmem:s18+$0x20] =	vst v23;
	v13 =	vand.u32 $0xFFF8, v13;
	v23 =	vand.u32 $0xFFF8, v12;
	v12 =	vand.u32 $0xFFF8, v14;
	v15 =	vld.idx.msk [tilespmem:v30+s1+$0x0], $0xffff  }
0x41: {  	s19 =	simm.s32 $0x80C0;
	[tilespmem:s16+$0xFFFFFFD0] =	vst v21;
	v13 =	vor.u32 v6, v13;
	v14 =	vand.u32 $0x7FF8, v18;
	v21 =	vld.idx.msk [tilespmem:v31+s1+$0x0], $0xffff;
	v18 =	vor.u32 v6, v12  }
0x42: {  	s22 =	simm.s32 $0x8;
	v20 =	vld.idx.msk [tilespmem:v24+s1+$0x0], $0xffff;
	v12 =	vor.u32 v7, v28;
	v11 =	vor.u32 v7, v23;
	[tilespmem:s19+$0xFFFFFFF0] =	vst v27  }
0x43: {  	s20 =	simm.s32 $0xA0C0;
	s23 =	simm.s32 $0x450;
	s21 =	simm.s32 $0x0;
	v24 =	vor.u32 v6, v32;
	v14 =	vor.u32 v7, v14;
	[tilespmem:s18+$0xFFFFFFE0] =	vst v26;
	v23 =	vld.idx.msk [tilespmem:v33+s1+$0x0], $0xffff;
	v26 =	vadd.s32 s29, v4  }
.LBB2_2:
0x44: {  	s24 =	sadd.s32 $0xFFFFFEE0, s23;
	s14 =	sadd.s32 $0xFFFFFF40, s23;
	v25 =	vld.idx.msk [tilespmem:v25+s21+$0x0], $0xffff;
	v27 =	vor.u32 s15, v4;
	s15 =	sadd.s32 $0xFFFFFEB0, s23;
	v28 =	vor.u32 s17, v4;
	v26 =	vand.u32 $0xFFF8, v26;
	[tilespmem:s16+$0xFFFFFFE0] =	vst v22  }
0x45: {  	s25 =	sadd.s32 $0xFFFFFF10, s23;
	s22 =	sadd.s32 $0x8, s22;
	s16 =	smov.u32 s20;
	v22 =	vor.u32 s15, v1;
	v29 =	vadd.s32 s24, v1;
	v30 =	vadd.s32 s14, v3;
	[tilespmem:s18+$0x30] =	vst v16  }
0x46: {  	p0 =	slt.u32 s22, $0x1F8;
	v16 =	vand.u32 v2, v22;
	v22 =	vand.u32 $0x7FF8, v30;
	[tilespmem:s19+$0x0] =	vst v19;
	v18 =	vld.idx.msk [tilespmem:v18+s21+$0x0], $0xffff;
	v19 =	vor.u32 v7, v26  }
0x47: {  	v26 =	vand.u32 $0x7FF8, v29;
	v29 =	vadd.s32 s25, v1;
	v30 =	vadd.s32 s14, v1;
	[tilespmem:s18+$0xFFFFFFD0] =	vst v20;
	v13 =	vld.idx.msk [tilespmem:v13+s21+$0x0], $0xffff  }
0x48: {  	s17 =	sadd.s32 $0xFFFFFF70, s23;
	s26 =	sadd.s32 $0xFFFFFFA0, s23;
	v20 =	vand.u32 $0xFFF8, v29;
	v29 =	vand.u32 $0x7FF8, v30;
	v30 =	vadd.s32 s14, v4;
	v24 =	vld.idx.msk [tilespmem:v24+s21+$0x0], $0xffff;
	[tilespmem:s19+$0x20] =	vst v21  }
0x49: {  	s28 =	sadd.s32 $0xFFFFFFD0, s23;
	v31 =	vadd.s32 s26, v3;
	v21 =	vor.u32 v5, v29;
	v29 =	vor.u32 s17, v1;
	[tilespmem:s20+$0xFFFFFFF0] =	vst v23;
	v23 =	vld.idx.msk [tilespmem:v28+s21+$0x0], $0xffff  }
0x4a: {  	v32 =	vadd.s32 s28, v3;
	s14 =	simm.s32 $0x0;
	v28 =	vand.u32 v8, v29;
	v29 =	vadd.s32 s26, v1;
	[tilespmem:s19+$0x10] =	vst v15;
	v15 =	vld.idx.msk [tilespmem:v17+s21+$0x0], $0xffff  }
0x4b: {  	v33 =	vadd.s32 s23, v1;
	v17 =	vand.u32 $0xFFF8, v29;
	v29 =	vadd.s32 s28, v1;
	v16 =	vld.idx.msk [tilespmem:v16+s14+$0x0], $0xffff;
	[tilespmem:s19+$0xFFFFFFC0] =	vst v25  }
0x4c: {  	v17 =	vor.u32 v5, v17;
	v25 =	vand.u32 $0x7FF8, v29;
	v29 =	vand.u32 $0xFFF8, v33;
	v27 =	vld.idx.msk [tilespmem:v27+s21+$0x0], $0xffff;
	[tilespmem:s19+$0x30] =	vst v18  }
0x4d: {  	v18 =	vand.u32 $0xFFF8, v31;
	v25 =	vor.u32 v5, v25;
	v29 =	vor.u32 v5, v29;
	[tilespmem:s19+$0xFFFFFFE0] =	vst v13;
	v19 =	vld.idx.msk [tilespmem:v19+s21+$0x0], $0xffff  }
0x4e: {  	v20 =	vor.u32 v5, v20;
	v31 =	vadd.s32 s28, v4;
	v13 =	vadd.s32 s26, v4;
	v21 =	vld.idx.msk [tilespmem:v21+s14+$0x0], $0xffff;
	[tilespmem:s19+$0xFFFFFFD0] =	vst v24  }
0x4f: {  	v31 =	vand.u32 $0x7FF8, v31;
	v24 =	vadd.s32 s24, v3;
	v33 =	vand.u32 $0xFFF8, v13;
	v14 =	vld.idx.msk [tilespmem:v14+s21+$0x0], $0xffff;
	[tilespmem:s20+$0x0] =	vst v23  }
0x50: {  	v22 =	vor.u32 v6, v22;
	s18 =	sadd.s32 $0x80, s18;
	v13 =	vadd.s32 s25, v3;
	v23 =	vand.u32 $0x7FF8, v24;
	v24 =	vld.idx.msk [tilespmem:v28+s14+$0x0], $0xffff;
	[tilespmem:s20+$0x20] =	vst v15  }
0x51: {  	v13 =	vand.u32 $0xFFF8, v13;
	v15 =	vadd.s32 s25, v4;
	v28 =	vor.u32 s17, v3;
	[tilespmem:s18+$0xFFFFFFC0] =	vst v16;
	v17 =	vld.idx.msk [tilespmem:v17+s14+$0x0], $0xffff  }
0x52: {  	v34 =	vor.u32 v6, v18;
	v13 =	vor.u32 v6, v13;
	v16 =	vand.u32 $0x7FF8, v32;
	v35 =	vld.idx.msk [tilespmem:v25+s14+$0x0], $0xffff  }
0x53: {  	v18 =	vadd.s32 s24, v4;
	v32 =	vand.u32 $0xFFF8, v15;
	v36 =	vor.u32 v6, v16;
	[tilespmem:s20+$0xFFFFFFC0] =	vst v27;
	v12 =	vld.idx.msk [tilespmem:v12+s21+$0x0], $0xffff  }
0x54: {  	v15 =	vadd.s32 s23, v3;
	v27 =	vand.u32 $0x7FF8, v18;
	[tilespmem:s18+$0xFFFFFFF0] =	vst v21;
	v16 =	vld.idx.msk [tilespmem:v29+s14+$0x0], $0xffff  }
0x55: {  	v15 =	vand.u32 $0xFFF8, v15;
	v21 =	vor.u32 v5, v26;
	v26 =	vld.idx.msk [tilespmem:v22+s14+$0x0], $0xffff;
	[tilespmem:s20+$0x30] =	vst v19  }
0x56: {  	v18 =	vor.u32 v6, v15;
	v19 =	vand.u32 $0x7FF8, v30;
	v29 =	vld.idx.msk [tilespmem:v20+s14+$0x0], $0xffff;
	[tilespmem:s18+$0x0] =	vst v24  }
0x57: {  	v30 =	vor.u32 v7, v19;
	[tilespmem:s18+$0x10] =	vst v17;
	v22 =	vld.idx.msk [tilespmem:v11+s21+$0x0], $0xffff;
	s21 =	smov.u32 s14  }
.Ltmp2:
0x58: {  	v25 =	vor.u32 s15, v3;
	v19 =	vld.idx.msk [tilespmem:v28+s21+$0x0], $0xffff;
	[tilespmem:s18+$0x20] =	vst v35;
	(pc) =	sbr.rel @p0 .LBB2_2-.Ltmp2, $4  }
0x59: {  	v15 =	vld.idx.msk [tilespmem:v34+s21+$0x0], $0xffff;
	[tilespmem:s20+$0x10] =	vst v12  }
0x5a: {  	s19 =	sadd.s32 $0x80, s19;
	v12 =	vor.u32 v7, v33;
	v20 =	vld.idx.msk [tilespmem:v21+s21+$0x0], $0xffff;
	[tilespmem:s20+$0xFFFFFFD0] =	vst v14  }
0x5b: {  	v11 =	vor.u32 v7, v32;
	v17 =	vor.u32 v7, v31;
	[tilespmem:s19+$0xFFFFFFF0] =	vst v26;
	v21 =	vld.idx.msk [tilespmem:v36+s21+$0x0], $0xffff  }
0x5c: {  	v24 =	vor.u32 v6, v23;
	v14 =	vor.u32 v7, v27;
	s20 =	sadd.s32 $0x80, s20;
	v26 =	vadd.s32 s23, v4;
	s23 =	sadd.s32 $0x180, s23;
	[tilespmem:s18+$0xFFFFFFE0] =	vst v29;
	v23 =	vld.idx.msk [tilespmem:v30+s21+$0x0], $0xffff  }
0x5d: {  	_ =	sdelay $0x1  }
0x5e: {  	[tilespmem:s16+$0xFFFFFFE0] =	vst v22  }
0x5f: {  	[tilespmem:s18+$0x30] =	vst v16  }
0x60: {  	v57 =	vld.idx.msk [tilespmem:v25+s21+$0x0], $0xffff;
	[tilespmem:s19+$0x0] =	vst v19  }
0x61: {  	v56 =	vor.u32 s17, v4;
	v13 =	vld.idx.msk [tilespmem:v13+s21+$0x0], $0xffff;
	[tilespmem:s19+$0x10] =	vst v15  }
0x62: {  	v58 =	vor.u32 s15, v4;
	v18 =	vld.idx.msk [tilespmem:v18+s21+$0x0], $0xffff;
	[tilespmem:s18+$0xFFFFFFD0] =	vst v20  }
0x63: {  	v59 =	vand.u32 $0xFFF8, v26;
	v12 =	vld.idx.msk [tilespmem:v12+s21+$0x0], $0xffff;
	[tilespmem:s19+$0x20] =	vst v21  }
0x64: {  	v60 =	vor.u32 v7, v59;
	v61 =	vld.idx.msk [tilespmem:v24+s21+$0x0], $0xffff;
	[tilespmem:s20+$0xFFFFFFF0] =	vst v23  }
0x65: {  	v62 =	vld.idx.msk [tilespmem:v17+s21+$0x0], $0xffff;
	[tilespmem:s19+$0xFFFFFFC0] =	vst v57  }
0x66: {  	v22 =	vld.idx.msk [tilespmem:v56+s21+$0x0], $0xffff;
	[tilespmem:s19+$0xFFFFFFE0] =	vst v13  }
0x67: {  	v16 =	vld.idx.msk [tilespmem:v58+s21+$0x0], $0xffff;
	[tilespmem:s19+$0x30] =	vst v18  }
0x68: {  	v11 =	vld.idx.msk [tilespmem:v11+s21+$0x0], $0xffff;
	[tilespmem:s20+$0x10] =	vst v12  }
0x69: {  	v63 =	vld.idx.msk [tilespmem:v60+s21+$0x0], $0xffff;
	[tilespmem:s19+$0xFFFFFFD0] =	vst v61  }
0x6a: {  	v14 =	vld.idx.msk [tilespmem:v14+s21+$0x0], $0xffff;
	[tilespmem:s20+$0x20] =	vst v62  }
.Ltmp3:
0x6b: {  	[tilespmem:s20+$0x0] =	vst v22;
	(pc) =	sbr.rel .LBB2_4-.Ltmp3, $4  }
0x6c: {  	[tilespmem:s20+$0xFFFFFFC0] =	vst v16  }
0x6d: {  	[tilespmem:s20+$0xFFFFFFE0] =	vst v11  }
0x6e: {  	[tilespmem:s20+$0x30] =	vst v63  }
0x6f: {  	[tilespmem:s20+$0xFFFFFFD0] =	vst v14  }
.LBB2_7:
0x70: {  	v11 =	vpsel p0, v18, v18  }
.LBB2_14:
0x71: {  	v12 =	vmov s16;
	_ =	sdelay $0x3  }
0x72: {  	v13 =	vld [tilespmem:s16+$0xC0C0]  }
0x73: {  	v12 =	vld.idx.msk [tilespmem:v12+s11+$0x0], $0xffff;
	_ =	sdelay $0x1  }
0x74: {  	v14 =	vmov s15;
	v16 =	vadd.s32 $0xFFFFFFFF, v0  }
0x75: {  	v17 =	vadd.s32 s16, v16  }
0x76: {  	vm0 =	vlt.s32 v17, v11  }
0x77: {  	v11 =	vsel vm0, v13, v12  }
0x78: {  	[tilespmem:s16+$0xC0C0] =	vst v11  }
0x79: {  	v11 =	vld.idx.msk [tilespmem:v14+s12+$0x0], $0xffff  }
0x7a: {  	v59 =	vld [tilespmem:s15+$0xC4C0]  }
0x7b: {  	s14 =	sadd.s32 $0x1, s14;
	v60 =	vld [tilespmem:s15+$0xC4D0]  }
0x7c: {  	p0 =	sne.s32 s14, $0x40  }
.Ltmp4:
0x7d: {  	v62 =	vadd.s32 $0xF, v0;
	v61 =	vadd.s32 s15, v16;
	(pc) =	sbr.rel @!p0 .LBB2_15-.Ltmp4, $4  }
0x7e: {  	v63 =	vor.u32 s15, v62;
	vm14 =	vlt.s32 v61, v15  }
0x7f: {  	vm15 =	vlt.s32 v63, v15;
	v12 =	vsel vm14, v59, v11  }
0x80: {  	v11 =	vsel vm15, v60, v11;
	[tilespmem:s15+$0xC4C0] =	vst v12  }
0x81: {  	[tilespmem:s15+$0xC4D0] =	vst v11  }
.LBB2_4:
0x82: {  	s15 =	sshll.u32 s14, $0x5  }
0x83: {  	s16 =	sadd.s32 $0x20, s15  }
0x84: {  	s17 =	sadd.s32 $0xFFFFFFFF, s15;
	v16 =	vmov s16  }
0x85: {  	v15 =	vmov s17;
	v17 =	vadd.s32 $0xFFFFFFFF, v16  }
0x86: {  	vm0 =	vlt.s32 v15, v17  }
0x87: {  	v11 =	vsel vm0, $0x3F800000, v9  }
0x88: {  	(xrf0) =	vmax.scan.msk.f32 $0xffff, v11;
	_ =	sdelay $0x5  }
0x89: {  	v11, _, _ =	vpop (xrf0)  }
0x8a: {  	(v2sf) =	vpush v11, $0xF;
	_ =	sdelay $0xb  }
0x8b: {  	s29 =	smul.u32 $0x3, s14;
	_ =	sdelay $0x1  }
0x8c: {  	v11 =	vmov s29  }
0x8d: {  	v12 =	vadd.s32 $0x1, v11;
	s30 =	spop (v2sf)  }
0x8e: {  	v13 =	vadd.s32 $0x2, v11;
	p0 =	sgt.f32 s30, $0.0e+00  }
.Ltmp5:
0x8f: {  	_ = 	snop;
	(pc) =	sbr.rel @!p0 .LBB2_5-.Ltmp5, $4  }
0x90: {  	_ = 	snop  }
0x91: {  	s16 =	sshll.u32 s14, $0x4;
	v11 =	vld.idx.msk [tilespmem:v11+s10+$0x0], $0xffff  }
0x92: {  	s31 =	sadd.s32 $0xFFFFFFFF, s16;
	s18 =	sadd.s32 $0x10, s16;
	v12 =	vld.idx.msk [tilespmem:v12+s10+$0x0], $0xffff  }
0x93: {  	v18 =	vmov s31;
	v14 =	vmov s18;
	v13 =	vld.idx.msk [tilespmem:v13+s10+$0x0], $0xffff  }
0x94: {  	s18 =	simm.s32 $0xA080;
	s19 =	simm.s32 $0x8080  }
0x95: {  	s20 =	simm.s32 $0x6080;
	s21 =	smov.u32 s3;
	s17 =	simm.s32 $0x0  }
.LBB2_9:
0x96: {  	v19 =	vld [tilespmem:s20+$0xFFFFFF80]  }
0x97: {  	v20 =	vld [tilespmem:s19+$0xFFFFFF80]  }
0x98: {  	v21 =	vld [tilespmem:s18+$0xFFFFFF80]  }
0x99: {  	v22 =	vld [tilespmem:s20+$0xFFFFFF90]  }
0x9a: {  	v23 =	vld [tilespmem:s20+$0xFFFFFFA0]  }
0x9b: {  	v24 =	vld [tilespmem:s19+$0xFFFFFFA0]  }
0x9c: {  	v36 =	vld [tilespmem:s18+$0xFFFFFFA0]  }
0x9d: {  	v25 =	vld [tilespmem:s19+$0xFFFFFFB0]  }
0x9e: {  	v28 =	vld [tilespmem:s18+$0xFFFFFFB0]  }
0x9f: {  	v41 =	vld [tilespmem:s20+$0xFFFFFFC0];
	v19 =	vsub.f32 v19, v11;
	v20 =	vsub.f32 v20, v12  }
0xa0: {  	v43 =	vld [tilespmem:s19+$0xFFFFFFC0];
	v54 =	vimm.s32 $0x0;
	v21 =	vsub.f32 v21, v13;
	v22 =	vsub.f32 v22, v11  }
0xa1: {  	v31 =	vld [tilespmem:s19+$0xFFFFFFE0];
	v23 =	vsub.f32 v23, v11;
	v19 =	vmul.f32 v19, v19;
	v20 =	vmul.f32 v20, v20  }
0xa2: {  	v35 =	vld [tilespmem:s19+$0xFFFFFF90];
	v55 =	vimm.s32 $0x0;
	v24 =	vsub.f32 v24, v12;
	v27 =	vsub.f32 v36, v13  }
0xa3: {  	v60 =	vld [tilespmem:s20+$0xFFFFFFD0];
	v39 =	vsub.f32 v25, v12;
	v19 =	vadd.f32 v20, v19;
	v20 =	vmul.f32 v21, v21  }
0xa4: {  	v58 =	vimm.s32 $0x0;
	v42 =	vsub.f32 v28, v13;
	v49 =	vsub.f32 v41, v11  }
0xa5: {  	v50 =	vsub.f32 v43, v12;
	v22 =	vmul.f32 v22, v22;
	v19 =	vadd.f32 v20, v19;
	v20 =	vld [tilespmem:s18+$0xFFFFFF90]  }
0xa6: {  	v31 =	vsub.f32 v31, v12;
	v23 =	vmul.f32 v23, v23;
	v24 =	vmul.f32 v24, v24  }
0xa7: {  	v38 =	vmul.f32 v27, v27;
	v45 =	vmul.f32 v42, v42;
	v21 =	vsub.f32 v35, v12  }
0xa8: {  	v27 =	vsub.f32 v60, v11;
	v31 =	vmul.f32 v31, v31;
	v23 =	vadd.f32 v24, v23  }
0xa9: {  	v24 =	vmul.f32 v50, v50;
	v21 =	vmul.f32 v21, v21;
	vm3 =	vle.f32 v19, $6.399999860e-01  }
0xaa: {  	v30 =	vld [tilespmem:s19+$0xFFFFFFD0];
	vm0 =	vle.f32 v19, $2.559999940e+00;
	v19 =	vsel vm3, $0x1, v10;
	v20 =	vsub.f32 v20, v13  }
0xab: {  	v35 =	vimm.s32 $0x0;
	v23 =	vadd.f32 v38, v23;
	(xrf0) =	vadd.scan.msk.s32 $0xffff, v19;
	v19 =	vsel vm0, $0x1, v10  }
0xac: {  	v27 =	vmul.f32 v27, v27;
	(xrf0) =	vadd.scan.msk.s32 $0xffff, v19;
	v19 =	vadd.f32 v21, v22;
	v20 =	vmul.f32 v20, v20  }
0xad: {  	vm15 =	vle.f32 v23, $6.399999860e-01;
	vm6 =	vle.f32 v23, $2.559999940e+00;
	v40 =	vmpcnt.ones.xlane vm3  }
0xae: {  	v37 =	vld [tilespmem:s20+$0xFFFFFFB0];
	v44 =	vmpcnt.ones.xlane vm0;
	v47 =	vsel vm15, $0x1, v10;
	v19 =	vadd.f32 v20, v19  }
0xaf: {  	v48 =	vsel vm6, $0x1, v10;
	v22 =	vmul.f32 v39, v39;
	v39 =	vsub.f32 v30, v12  }
0xb0: {  	v46 =	vld [tilespmem:s18+$0xFFFFFFC0];
	v59 =	vmpcnt.ones.xlane vm15;
	v61 =	vmpcnt.ones.xlane vm6;
	vm2 =	vle.f32 v19, $6.399999860e-01  }
0xb1: {  	v28 =	vmul.f32 v39, v39;
	v20, _, _ =	vpop (xrf0);
	vm1 =	vle.f32 v19, $2.559999940e+00;
	v19 =	vsel vm2, $0x1, v10  }
0xb2: {  	v20 =	vadd.s32 v18, v20;
	v18 =	vadd.s32 v18, v40;
	v40 =	vld [tilespmem:s18+$0xFFFFFFE0];
	(xrf0) =	vadd.scan.msk.s32 $0xffff, v19;
	v19 =	vsel vm1, $0x1, v10  }
0xb3: {  	v25 =	vadd.s32 v15, v44;
	v27 =	vadd.f32 v28, v27;
	v26, _, _ =	vpop (xrf0);
	(xrf0) =	vadd.scan.msk.s32 $0xffff, v19;
	v19 =	vsub.f32 v37, v11  }
0xb4: {  	v51 =	vmpcnt.ones.xlane vm2;
	v52 =	vmpcnt.ones.xlane vm1;
	v21 =	vadd.s32 v15, v26  }
0xb5: {  	vm4 =	vlt.s32 v20, v14;
	v26 =	vsub.f32 v46, v13;
	(xrf0) =	vadd.scan.msk.s32 $0xffff, v47;
	v47 =	vld [tilespmem:s19+$0x0];
	v19 =	vmul.f32 v19, v19  }
0xb6: {  	v63 =	vld [tilespmem:s18+$0xFFFFFFD0];
	v46 =	vimm.s32 $0x0;
	vm13 =	vmand vm3, vm4;
	vm7 =	vlt.s32 v21, v16  }
0xb7: {  	vm0 =	vmand vm0, vm7;
	(xrf0) =	vadd.scan.msk.s32 $0xffff, v48;
	v48 =	vld [tilespmem:s18+$0x0];
	v30 =	vsub.f32 v40, v13;
	v19 =	vadd.f32 v22, v19  }
0xb8: {  	v53 =	vmul.f32 v26, v26;
	v26 =	vsel vm0, $0xFFFFFFFF, v54;
	v22 =	vmul.f32 v49, v49;
	v15, _, _ =	vpop (xrf0)  }
0xb9: {  	v30 =	vmul.f32 v30, v30;
	v23 =	vadd.s32 v18, v15;
	v19 =	vadd.f32 v45, v19  }
0xba: {  	v29, _, _ =	vpop (xrf0);
	v22 =	vadd.f32 v24, v22;
	v18 =	vadd.s32 v18, v51;
	v28 =	vsub.f32 v47, v12  }
0xbb: {  	v15 =	vadd.s32 v25, v29;
	vm8 =	vlt.s32 v23, v14;
	v29 =	vsub.f32 v63, v13  }
0xbc: {  	v54 =	vsub.f32 v48, v13;
	vm5 =	vle.f32 v19, $6.399999860e-01;
	vm4 =	vle.f32 v19, $2.559999940e+00  }
0xbd: {  	v37 =	vld [tilespmem:s20+$0xFFFFFFE0];
	vm10 =	vmand vm2, vm8;
	vm11 =	vlt.s32 v15, v16;
	v22 =	vadd.f32 v53, v22  }
0xbe: {  	[tilespmem:$0x1FF00] =	vst v26;
	v28 =	vmul.f32 v28, v28;
	v19 =	vsel vm5, $0x1, v10;
	v26 =	vsel vm10, $0xFFFFFFFF, v55  }
0xbf: {  	v45 =	vld [tilespmem:s18+$0xFFFFFFF0];
	vm0 =	vmand vm1, vm11;
	v33 =	vmpcnt.ones.xlane vm5;
	v34 =	vmpcnt.ones.xlane vm4  }
0xc0: {  	v56, _, _ =	vpop (xrf0);
	v44 =	vmul.f32 v29, v29;
	(xrf0) =	vadd.scan.msk.s32 $0xffff, v19;
	v19 =	vsel vm4, $0x1, v10;
	v24 =	vsel vm0, $0xFFFFFFFF, v58  }
0xc1: {  	[tilespmem:$0x1FF10] =	vst v26;
	v26 =	vadd.s32 v18, v56;
	vm1 =	vle.f32 v22, $6.399999860e-01;
	vm2 =	vle.f32 v22, $2.559999940e+00  }
0xc2: {  	v22 =	vsub.f32 v37, v11;
	v56 =	vimm.s32 $0x0;
	(xrf0) =	vadd.scan.msk.s32 $0xffff, v19;
	v19 =	vadd.s32 v25, v52  }
0xc3: {  	v42 =	vld [tilespmem:s20+$0xFFFFFFF0];
	vm12 =	vlt.s32 v26, v14;
	v62 =	vsel vm1, $0x1, v10;
	v25 =	vadd.s32 v18, v59  }
0xc4: {  	v57, _, _ =	vpop (xrf0);
	v38 =	vsel vm2, $0x1, v10;
	v27 =	vadd.f32 v44, v27;
	v29 =	vsub.f32 v45, v13  }
0xc5: {  	[tilespmem:$0x1FF20] =	vst v24;
	v60 =	vmpcnt.ones.xlane vm2;
	v24 =	vadd.s32 v19, v57;
	vm10 =	vmand vm15, vm12  }
0xc6: {  	(xrf0) =	vadd.scan.msk.s32 $0xffff, v62;
	v19 =	vadd.s32 v19, v61;
	v37 =	vmul.f32 v22, v22;
	v57 =	vmpcnt.ones.xlane vm1  }
0xc7: {  	vm14 =	vlt.s32 v24, v16;
	(xrf0) =	vadd.scan.msk.s32 $0xffff, v38;
	v41 =	vadd.s32 v19, v34;
	v38 =	vld [tilespmem:s20+$0x0];
	vm3 =	vle.f32 v27, $6.399999860e-01  }
0xc8: {  	v34 =	vsub.f32 v42, v11;
	v29 =	vmul.f32 v29, v29;
	v31 =	vadd.f32 v31, v37  }
0xc9: {  	v42 =	vimm.s32 $0x0;
	vm14 =	vmand vm6, vm14;
	v49 =	vsel vm3, $0x1, v10  }
0xca: {  	v63 =	vmpcnt.ones.xlane vm3;
	v50 =	vmul.f32 v34, v34;
	v18, _, _ =	vpop (xrf0);
	v30 =	vadd.f32 v30, v31  }
0xcb: {  	v36, _, _ =	vpop (xrf0);
	v32 =	vadd.s32 v25, v18;
	v25 =	vadd.s32 v25, v33;
	v33 =	vadd.s32 v41, v60  }
0xcc: {  	v18 =	vadd.s32 v19, v36;
	vm15 =	vlt.s32 v32, v14;
	v53 =	vsub.f32 v38, v11  }
0xcd: {  	v19, _, _ =	vpop (xrf0);
	v59 =	vadd.s32 v25, v57;
	vm15 =	vmand vm5, vm15;
	vm6 =	vlt.s32 v18, v16  }
0xce: {  	v19 =	vadd.s32 v25, v19;
	v36, _, _ =	vpop (xrf0);
	vm5 =	vle.f32 v30, $6.399999860e-01;
	vm7 =	vmand vm4, vm6  }
0xcf: {  	v43 =	vld [tilespmem:s19+$0xFFFFFFF0];
	vm8 =	vlt.s32 v19, v14;
	v22 =	vadd.s32 v41, v36;
	vm4 =	vle.f32 v27, $2.559999940e+00  }
0xd0: {  	v55 =	vmul.f32 v53, v53;
	v58 =	vsel vm5, $0x1, v10;
	v27 =	vmul.f32 v54, v54  }
0xd1: {  	(xrf0) =	vadd.scan.msk.s32 $0xffff, v49;
	v41 =	vimm.s32 $0x0;
	v47 =	vmpcnt.ones.xlane vm5;
	v35 =	vsel vm7, $0xFFFFFFFF, v35  }
0xd2: {  	vm9 =	vmand vm1, vm8;
	vm11 =	vlt.s32 v22, v16;
	v52 =	vsel vm4, $0x1, v10  }
0xd3: {  	vm8 =	vle.f32 v30, $2.559999940e+00;
	v39 =	vmpcnt.ones.xlane vm4;
	v36 =	vsel vm9, $0xFFFFFFFF, v46  }
0xd4: {  	[tilespmem:$0x1FF30] =	vst v35;
	v35 =	vsub.f32 v43, v12;
	vm12 =	vmand vm2, vm11;
	v28 =	vadd.f32 v28, v55  }
0xd5: {  	(xrf0) =	vadd.scan.msk.s32 $0xffff, v52;
	v30 =	vsel vm8, $0x1, v10;
	v45 =	vmpcnt.ones.xlane vm8;
	v46 =	vimm.s32 $0x0  }
0xd6: {  	v52 =	vimm.s32 $0x0;
	v55 =	vimm.s32 $0x0;
	(xrf0) =	vadd.scan.msk.s32 $0xffff, v58;
	v51 =	vmul.f32 v35, v35  }
0xd7: {  	v62, _, _ =	vpop (xrf0);
	[tilespmem:$0x1FF40] =	vst v36;
	v36 =	vsel vm12, $0xFFFFFFFF, v56;
	v43 =	vadd.s32 v33, v39;
	(xrf0) =	vadd.scan.msk.s32 $0xffff, v30  }
0xd8: {  	v39 =	vld [tilespmem:s19+$0x10];
	v28 =	vadd.f32 v27, v28;
	v27 =	vadd.s32 v59, v62;
	v31 =	vadd.f32 v51, v50  }
0xd9: {  	v56 =	vimm.s32 $0x0;
	v58 =	vimm.s32 $0x0;
	vm9 =	vlt.s32 v27, v14  }
0xda: {  	vm12 =	vle.f32 v28, $6.399999860e-01;
	vm7 =	vle.f32 v28, $2.559999940e+00;
	v51 =	vld [tilespmem:s20+$0x10];
	v29 =	vadd.f32 v29, v31  }
0xdb: {  	s22 =	sadd.s32 $0x10, s21;
	vm6 =	vmand vm3, vm9;
	v38 =	vsel vm12, $0x1, v10;
	v28 =	vsel vm7, $0x1, v10;
	v37, _, _ =	vpop (xrf0)  }
0xdc: {  	v31 =	vadd.s32 v43, v45;
	v45 =	vor.u32 s22, v0;
	v40, _, _ =	vpop (xrf0);
	vm1 =	vle.f32 v29, $6.399999860e-01  }
0xdd: {  	[tilespmem:$0x1FF50] =	vst v36;
	v39 =	vsub.f32 v39, v12;
	vm2 =	vle.f32 v29, $2.559999940e+00;
	v44, _, _ =	vpop (xrf0);
	v61 =	vsel vm1, $0x1, v10  }
0xde: {  	v25 =	vadd.s32 v33, v37;
	v36 =	vsel vm2, $0x1, v10;
	v30 =	vadd.s32 v43, v44;
	v43 =	vld [tilespmem:s19+$0x20];
	(xrf0) =	vadd.scan.msk.s32 $0xffff, v61  }
0xdf: {  	v29 =	vadd.s32 v59, v63;
	vm11 =	vlt.s32 v25, v16;
	v37 =	vsub.f32 v51, v11;
	v61 =	vld [tilespmem:s19+$0x30];
	(xrf0) =	vadd.scan.msk.s32 $0xffff, v36  }
0xe0: {  	v39 =	vmul.f32 v39, v39;
	vm9 =	vmand vm4, vm11;
	v50 =	vmpcnt.ones.xlane vm2;
	(xrf0) =	vadd.scan.msk.s32 $0xffff, v38  }
0xe1: {  	v57 =	vmpcnt.ones.xlane vm1;
	v37 =	vmul.f32 v37, v37;
	(xrf0) =	vadd.scan.msk.s32 $0xffff, v28;
	v28 =	vsel vm6, $0xFFFFFFFF, v41;
	v41 =	vld [tilespmem:s18+$0x10]  }
0xe2: {  	v44 =	vmpcnt.ones.xlane vm7;
	vm6 =	vlt.s32 v30, v16;
	[tilespmem:$0x1FF60] =	vst v28;
	v28 =	vsel vm9, $0xFFFFFFFF, v42  }
0xe3: {  	v37 =	vadd.f32 v39, v37;
	vm8 =	vmand vm8, vm6;
	v42 =	vld [tilespmem:s20+$0x20];
	[tilespmem:$0x1FF70] =	vst v28;
	v28 =	vadd.s32 v29, v40  }
0xe4: {  	v60 =	vsub.f32 v43, v12;
	v43 =	vsub.f32 v61, v12;
	vm11 =	vlt.s32 v28, v14  }
0xe5: {  	v38 =	vsel vm8, $0xFFFFFFFF, v52;
	v40 =	vadd.s32 v31, v50;
	v50 =	vld [tilespmem:s18+$0x30];
	v48, _, _ =	vpop (xrf0);
	vm4 =	vmand vm5, vm11  }
0xe6: {  	s25 =	sadd.s32 $0x20, s21;
	v49, _, _ =	vpop (xrf0);
	v43 =	vmul.f32 v43, v43;
	v34 =	vsel vm4, $0xFFFFFFFF, v46;
	v41 =	vsub.f32 v41, v13  }
0xe7: {  	v53, _, _ =	vpop (xrf0);
	[tilespmem:$0x1FF80] =	vst v34;
	v34 =	vadd.s32 v29, v47;
	v29 =	vadd.s32 v31, v49;
	v47 =	vor.u32 s25, v0  }
0xe8: {  	v61 =	vld [tilespmem:s20+$0x50];
	v54, _, _ =	vpop (xrf0);
	v59 =	vsub.f32 v42, v11;
	v42 =	vmul.f32 v60, v60;
	v33 =	vadd.s32 v34, v48  }
0xe9: {  	vm9 =	vlt.s32 v29, v16;
	v31 =	vadd.s32 v40, v54;
	v48 =	vor.u32 s21, v0  }
0xea: {  	v36 =	vadd.s32 v34, v57;
	v62 =	vmul.f32 v41, v41;
	v60 =	vsub.f32 v50, v13  }
0xeb: {  	v46 =	vld [tilespmem:s18+$0x20];
	vm11 =	vmand vm2, vm9;
	vm4 =	vlt.s32 v33, v14;
	vm6 =	vlt.s32 v31, v16  }
0xec: {  	v34 =	vadd.s32 v36, v53;
	v52 =	vmul.f32 v59, v59;
	v53 =	vimm.s32 $0x0  }
0xed: {  	v49 =	vld [tilespmem:s20+$0x30];
	[tilespmem:v20+s11+$0x0] =	vst.idx.msk vm13, v48;
	v20 =	vsub.f32 v61, v11;
	v35 =	vsel vm11, $0xFFFFFFFF, v55;
	vm5 =	vmand vm1, vm4  }
0xee: {  	v57 =	vld [tilespmem:s20+$0x40];
	vm8 =	vmand vm7, vm6;
	vm9 =	vlt.s32 v34, v14;
	v37 =	vadd.f32 v62, v37  }
0xef: {  	v50 =	vld [tilespmem:$0x1FF20];
	v62 =	vmul.f32 v60, v60;
	v60 =	vimm.s32 $0x0;
	[tilespmem:$0x1FFB0] =	vst v35;
	v35 =	vsel vm5, $0xFFFFFFFF, v56  }
0xf0: {  	[tilespmem:$0x1FF90] =	vst v38;
	v59 =	vld [tilespmem:s18+$0x40];
	v63 =	vsub.f32 v46, v13;
	vm11 =	vmand vm12, vm9;
	v54 =	vadd.f32 v42, v52  }
0xf1: {  	v61 =	vld [tilespmem:$0x1FF10];
	v20 =	vmul.f32 v20, v20;
	[tilespmem:$0x1FFA0] =	vst v35;
	v35 =	vsel vm8, $0xFFFFFFFF, v58;
	v38 =	vsel vm11, $0xFFFFFFFF, v53  }
0xf2: {  	s26 =	sadd.s32 $0x30, s21;
	v52 =	vld [tilespmem:s19+$0x50];
	v56 =	vsub.f32 v49, v11;
	vm0 =	vle.f32 v37, $6.399999860e-01;
	vm1 =	vle.f32 v37, $2.559999940e+00;
	[tilespmem:$0x1FFD0] =	vst v35  }
0xf3: {  	v58 =	vld [tilespmem:s19+$0x40];
	v35 =	vor.u32 s26, v0;
	[tilespmem:$0x1FFC0] =	vst v38;
	v38 =	vadd.s32 v40, v44;
	v55 =	vmul.f32 v63, v63  }
0xf4: {  	v49 =	vld [tilespmem:s18+$0x50];
	v46 =	vsel vm0, $0x1, v10;
	v37 =	vmpcnt.ones.xlane vm1;
	v51 =	vsel vm1, $0x1, v10  }
0xf5: {  	v42 =	vsub.f32 v57, v11;
	vm9 =	vnez.u8 v50;
	v41 =	vmul.f32 v56, v56  }
0xf6: {  	v40 =	vsub.f32 v59, v13;
	v56 =	vld [tilespmem:$0x1FF00];
	vm7 =	vnez.u8 v61;
	v39 =	vadd.f32 v55, v54  }
0xf7: {  	v37 =	vadd.s32 v38, v37;
	v42 =	vmul.f32 v42, v42;
	v41 =	vadd.f32 v43, v41  }
0xf8: {  	v63 =	vsub.f32 v52, v12;
	v40 =	vmul.f32 v40, v40;
	vm11 =	vle.f32 v39, $6.399999860e-01  }
0xf9: {  	v43 =	vld [tilespmem:s20+$0x60];
	v44 =	vsub.f32 v58, v12;
	vm8 =	vle.f32 v39, $2.559999940e+00;
	v57 =	vsub.f32 v49, v13  }
0xfa: {  	v52 =	vld [tilespmem:s18+$0x60];
	v53 =	vsel vm11, $0x1, v10;
	v39 =	vsel vm8, $0x1, v10;
	v41 =	vadd.f32 v62, v41  }
0xfb: {  	[tilespmem:v26+s11+$0x0] =	vst.idx.msk vm10, v47;
	v62 =	vmul.f32 v63, v63;
	v63 =	vld [tilespmem:s19+$0x70];
	v44 =	vmul.f32 v44, v44;
	vm6 =	vnez.u8 v56  }
0xfc: {  	[tilespmem:v24+s12+$0x0] =	vst.idx.msk vm14, v47;
	v55 =	vld [tilespmem:s19+$0x60];
	v54 =	vmpcnt.ones.xlane vm8;
	v24 =	vmul.f32 v57, v57;
	vm13 =	vle.f32 v41, $2.559999940e+00  }
0xfd: {  	vm3 =	vle.f32 v41, $6.399999860e-01;
	v20 =	vadd.f32 v62, v20;
	v42 =	vadd.f32 v44, v42;
	v44 =	vld [tilespmem:s20+$0x70]  }
0xfe: {  	[tilespmem:v23+s11+$0x0] =	vst.idx.msk vm7, v45;
	v41 =	vadd.s32 v37, v54;
	v59 =	vmpcnt.ones.xlane vm13;
	v58 =	vsub.f32 v43, v11  }
0xff: {  	v54 =	vld [tilespmem:s18+$0x70];
	[tilespmem:v15+s12+$0x0] =	vst.idx.msk vm9, v45;
	v15 =	vsel vm3, $0x1, v10;
	v61 =	vsub.f32 v52, v13;
	v20 =	vadd.f32 v24, v20  }
0x100: {  	[tilespmem:v32+s11+$0x0] =	vst.idx.msk vm15, v35;
	v56 =	vsel vm13, $0x1, v10;
	v40 =	vadd.f32 v40, v42;
	v62 =	vsub.f32 v63, v12  }
0x101: {  	v26 =	vmul.f32 v58, v58;
	[tilespmem:v21+s12+$0x0] =	vst.idx.msk vm6, v48;
	v48 =	vsel vm13, $0xFFFFFFFF, v60;
	v60 =	vsub.f32 v55, v12  }
0x102: {  	(xrf0) =	vadd.scan.msk.s32 $0xffff, v46;
	v45 =	vmul.f32 v61, v61;
	vm4 =	vle.f32 v20, $6.399999860e-01;
	v44 =	vsub.f32 v44, v11  }
0x103: {  	(xrf0) =	vadd.scan.msk.s32 $0xffff, v51;
	vm5 =	vle.f32 v20, $2.559999940e+00;
	v21 =	vadd.s32 v41, v59;
	v43 =	vmul.f32 v60, v60  }
0x104: {  	(xrf0) =	vadd.scan.msk.s32 $0xffff, v53;
	v42 =	vsub.f32 v54, v13;
	v63 =	vmul.f32 v62, v62;
	v44 =	vmul.f32 v44, v44  }
0x105: {  	(xrf0) =	vadd.scan.msk.s32 $0xffff, v39;
	vm9 =	vle.f32 v40, $6.399999860e-01;
	vm10 =	vle.f32 v40, $2.559999940e+00;
	v26 =	vadd.f32 v43, v26  }
0x106: {  	(xrf0) =	vadd.scan.msk.s32 $0xffff, v15;
	v49 =	vsel vm4, $0x1, v10;
	v47 =	vmul.f32 v42, v42;
	v46 =	vadd.f32 v63, v44  }
0x107: {  	(xrf0) =	vadd.scan.msk.s32 $0xffff, v56;
	v50 =	vmpcnt.ones.xlane vm5;
	v40 =	vmpcnt.ones.xlane vm10;
	v63 =	vld [tilespmem:$0x1FF30];
	v26 =	vadd.f32 v45, v26  }
0x108: {  	v54 =	vmpcnt.ones.xlane vm12;
	[tilespmem:$0x1FFE0] =	vst v48;
	v59 =	vsel vm9, $0x1, v10;
	v48 =	vadd.f32 v47, v46  }
0x109: {  	v15 =	vsel vm10, $0x1, v10;
	v20, _, _ =	vpop (xrf0);
	(xrf0) =	vadd.scan.msk.s32 $0xffff, v59;
	v40 =	vadd.s32 v21, v40;
	vm6 =	vle.f32 v26, $2.559999940e+00  }
0x10a: {  	v51, _, _ =	vpop (xrf0);
	(xrf0) =	vadd.scan.msk.s32 $0xffff, v15;
	v15 =	vsel vm5, $0x1, v10;
	v52 =	vmpcnt.ones.xlane vm6;
	vm15 =	vle.f32 v48, $2.559999940e+00  }
0x10b: {  	v24 =	vadd.s32 v40, v50;
	v43, _, _ =	vpop (xrf0);
	(xrf0) =	vadd.scan.msk.s32 $0xffff, v49;
	vm2 =	vle.f32 v26, $6.399999860e-01;
	v53 =	vmpcnt.ones.xlane vm15  }
0x10c: {  	v44, _, _ =	vpop (xrf0);
	(xrf0) =	vadd.scan.msk.s32 $0xffff, v15;
	v15 =	vsel vm2, $0x1, v10;
	vm13 =	vnez.u8 v63;
	v42 =	vadd.s32 v24, v52;
	v52 =	vld [tilespmem:$0x1FF40]  }
0x10d: {  	v56 =	vadd.s32 v36, v54;
	v54 =	vld [tilespmem:$0x1FF50];
	v45, _, _ =	vpop (xrf0);
	(xrf0) =	vadd.scan.msk.s32 $0xffff, v15;
	v15 =	vadd.s32 v42, v53  }
0x10e: {  	v60 =	vmpcnt.ones.xlane vm0;
	v20 =	vadd.s32 v56, v20;
	vm14 =	vlt.s32 v15, v17  }
0x10f: {  	v38 =	vadd.s32 v38, v51;
	v58 =	vsel vm14, $0x3F800000, v9;
	vm14 =	vlt.s32 v20, v14  }
0x110: {  	v55 =	vsel vm6, $0x1, v10;
	vm0 =	vmand vm0, vm14;
	vm14 =	vlt.s32 v38, v16  }
0x111: {  	vm7 =	vle.f32 v48, $6.399999860e-01;
	vm12 =	vmand vm1, vm14;
	vm14 =	vnez.u8 v52  }
0x112: {  	v26, _, _ =	vpop (xrf0);
	v57 =	vsel vm7, $0x1, v10;
	(xrf0) =	vadd.scan.msk.s32 $0xffff, v55;
	[tilespmem:v18+s12+$0x0] =	vst.idx.msk vm13, v35;
	vm13 =	vnez.u8 v54  }
0x113: {  	v46, _, _ =	vpop (xrf0);
	(xrf0) =	vadd.scan.msk.s32 $0xffff, v57;
	v57 =	vld [tilespmem:$0x1FF60]  }
0x114: {  	v61 =	vimm.s32 $0x0  }
0x115: {  	s28 =	sadd.s32 $0x40, s21;
	v32 =	vsel vm0, $0xFFFFFFFF, v61  }
0x116: {  	v51 =	vor.u32 s28, v0;
	v59 =	vsel vm15, $0x1, v10;
	[tilespmem:$0x1FFF0] =	vst v32  }
0x117: {  	v47, _, _ =	vpop (xrf0);
	(xrf0) =	vadd.scan.msk.s32 $0xffff, v59;
	[tilespmem:v19+s11+$0x0] =	vst.idx.msk vm14, v51  }
0x118: {  	v32, _, _ =	vpop (xrf0);
	(xrf0) =	vmax.scan.msk.f32 $0xffff, v58;
	v58 =	vld [tilespmem:$0x1FF70];
	[tilespmem:v22+s12+$0x0] =	vst.idx.msk vm13, v51;
	vm13 =	vnez.u8 v57  }
0x119: {  	v61 =	vld [tilespmem:$0x1FF80]  }
0x11a: {  	v62 =	vmpcnt.ones.xlane vm11;
	v23 =	vadd.s32 v56, v60  }
0x11b: {  	v39 =	vadd.s32 v23, v43  }
0x11c: {  	s29 =	sadd.s32 $0x50, s21;
	v23 =	vadd.s32 v23, v62;
	vm14 =	vlt.s32 v39, v14  }
0x11d: {  	v53 =	vor.u32 s29, v0;
	vm11 =	vmand vm11, vm14;
	vm14 =	vnez.u8 v58  }
0x11e: {  	v35 =	vadd.s32 v37, v44;
	v37 =	vadd.s32 v23, v45;
	v45 =	vld [tilespmem:$0x1FF90];
	[tilespmem:v27+s11+$0x0] =	vst.idx.msk vm13, v53;
	vm13 =	vnez.u8 v61  }
0x11f: {  	v48 =	vld [tilespmem:$0x1FFA0];
	_ =	sdelay $0x2  }
0x120: {  	s30 =	sadd.s32 $0x60, s21  }
0x121: {  	v59 =	vor.u32 s30, v0;
	[tilespmem:v25+s12+$0x0] =	vst.idx.msk vm14, v53;
	vm14 =	vnez.u8 v45  }
0x122: {  	v50 =	vld [tilespmem:$0x1FFB0];
	[tilespmem:v28+s11+$0x0] =	vst.idx.msk vm13, v59;
	vm13 =	vnez.u8 v48  }
0x123: {  	v53 =	vld [tilespmem:$0x1FFC0];
	_ =	sdelay $0x1  }
0x124: {  	v18, _, _ =	vpop (xrf0)  }
0x125: {  	s31 =	sadd.s32 $0x70, s21;
	v56 =	vmpcnt.ones.xlane vm3;
	v19, _, _ =	vpop (xrf0)  }
0x126: {  	v62 =	vor.u32 s31, v0;
	v55, _, _ =	vpop (xrf0);
	[tilespmem:v30+s12+$0x0] =	vst.idx.msk vm14, v59;
	vm14 =	vnez.u8 v50  }
0x127: {  	v23 =	vadd.s32 v23, v56;
	v56 =	vld [tilespmem:$0x1FFE0];
	v44, _, _ =	vpop (xrf0);
	[tilespmem:v33+s11+$0x0] =	vst.idx.msk vm13, v62;
	vm13 =	vnez.u8 v53  }
0x128: {  	v22 =	vadd.s32 v24, v55;
	v55 =	vld [tilespmem:$0x1FFD0];
	v27, _, _ =	vpop (xrf0)  }
0x129: {  	v57 =	vld [tilespmem:$0x1FFF0];
	v60, _, _ =	vpop (xrf0)  }
0x12a: {  	s23 =	sadd.s32 $0x80, s21;
	(v2sf) =	vpush v60, $0xF  }
0x12b: {  	v49 =	vor.u32 s23, v0;
	vm0 =	vlt.s32 v35, v16;
	vm1 =	vlt.s32 v37, v14  }
0x12c: {  	vm8 =	vmand vm8, vm0;
	vm0 =	vmand vm3, vm1;
	v25 =	vadd.s32 v41, v26;
	[tilespmem:v29+s12+$0x0] =	vst.idx.msk vm14, v62  }
0x12d: {  	vm1 =	vlt.s32 v25, v16;
	vm14 =	vnez.u8 v55;
	[tilespmem:v34+s11+$0x0] =	vst.idx.msk vm13, v49;
	vm13 =	vnez.u8 v56  }
0x12e: {  	vm1 =	vmand vm13, vm1;
	vm13 =	vnez.u8 v57  }
0x12f: {  	v63 =	vmpcnt.ones.xlane vm9  }
0x130: {  	s25 =	sadd.s32 $0xA0, s21;
	v21 =	vadd.s32 v21, v47;
	v47 =	vmpcnt.ones.xlane vm4  }
0x131: {  	s24 =	sadd.s32 $0x90, s21;
	v46 =	vadd.s32 v23, v46;
	v23 =	vadd.s32 v23, v63;
	v58 =	vor.u32 s25, v0  }
0x132: {  	v52 =	vor.u32 s24, v0;
	vm3 =	vlt.s32 v46, v14;
	v18 =	vadd.s32 v40, v18;
	[tilespmem:v39+s11+$0x0] =	vst.idx.msk vm11, v58  }
0x133: {  	vm3 =	vmand vm9, vm3;
	v51 =	vadd.s32 v23, v32;
	v23 =	vadd.s32 v23, v47;
	[tilespmem:v31+s12+$0x0] =	vst.idx.msk vm14, v49  }
0x134: {  	v54 =	vmpcnt.ones.xlane vm2;
	v19 =	vadd.s32 v23, v19;
	vm14 =	vlt.s32 v21, v16;
	[tilespmem:v20+s11+$0x0] =	vst.idx.msk vm13, v52  }
0x135: {  	s26 =	sadd.s32 $0xB0, s21;
	vm11 =	vlt.s32 v22, v16;
	vm9 =	vmand vm10, vm14;
	[tilespmem:v38+s12+$0x0] =	vst.idx.msk vm12, v52;
	vm12 =	vlt.s32 v51, v14  }
0x136: {  	v60 =	vor.u32 s26, v0;
	vm13 =	vlt.s32 v18, v16;
	vm4 =	vmand vm4, vm12  }
0x137: {  	s28 =	sadd.s32 $0xC0, s21;
	[tilespmem:v35+s12+$0x0] =	vst.idx.msk vm8, v58;
	vm14 =	vlt.s32 v19, v14;
	v20 =	vadd.s32 v23, v54;
	vm5 =	vmand vm5, vm13  }
0x138: {  	[tilespmem:v37+s11+$0x0] =	vst.idx.msk vm0, v60;
	v62 =	vor.u32 s28, v0;
	vm10 =	vmand vm2, vm14;
	v61 =	vadd.s32 v20, v44  }
0x139: {  	p0 =	sgt.u32 s17, $0x1E;
	v59 =	vadd.s32 v42, v27;
	[tilespmem:v46+s11+$0x0] =	vst.idx.msk vm3, v62;
	s22 =	spop (v2sf);
	vm12 =	vmand vm6, vm11;
	vm13 =	vlt.s32 v61, v14  }
0x13a: {  	s29 =	sadd.s32 $0xD0, s21;
	p1 =	sgt.f32 @!p0 s22, $0.0e+00;
	vm14 =	vlt.s32 v59, v16;
	[tilespmem:v25+s12+$0x0] =	vst.idx.msk vm1, v60;
	vm2 =	vmand vm7, vm13  }
0x13b: {  	v63 =	vor.u32 s29, v0;
	vm3 =	vmand vm15, vm14;
	[tilespmem:v21+s12+$0x0] =	vst.idx.msk vm9, v62  }
0x13c: {  	s30 =	sadd.s32 $0xE0, s21;
	p1 =	por p0, !p1;
	[tilespmem:v51+s11+$0x0] =	vst.idx.msk vm4, v63  }
.Ltmp6:
0x13d: {  	[tilespmem:v18+s12+$0x0] =	vst.idx.msk vm5, v63;
	v18 =	vor.u32 s30, v0;
	(pc) =	sbr.rel @!p1 .LBB2_9-.Ltmp6, $4  }
0x13e: {  	s31 =	sadd.s32 $0xF0, s21;
	[tilespmem:v19+s11+$0x0] =	vst.idx.msk vm10, v18  }
0x13f: {  	v19 =	vmpcnt.ones.xlane vm7;
	[tilespmem:v22+s12+$0x0] =	vst.idx.msk vm12, v18;
	v18 =	vor.u32 s31, v0  }
0x140: {  	s17 =	sadd.s32 $0x1, s17;
	s19 =	sadd.s32 $0x100, s19;
	[tilespmem:v61+s11+$0x0] =	vst.idx.msk vm2, v18  }
0x141: {  	s18 =	sadd.s32 $0x100, s18;
	s20 =	sadd.s32 $0x100, s20;
	s21 =	sadd.s32 $0x100, s21;
	[tilespmem:v59+s12+$0x0] =	vst.idx.msk vm3, v18;
	v18 =	vadd.s32 v20, v19  }
.Ltmp7:
0x142: {  	(pc) =	sbr.rel .LBB2_6-.Ltmp7, $2  }
0x143: {  	_ =	sdelay $0x2  }
0x144: {  	s17 =	smov.u32 @p0 s17;
	v18 =	vpsel p0, v18, v18;
	v15 =	vpsel p0, v15, v15  }
.LBB2_5:
0x145: {  	s17 =	simm.s32 $0x0  }
.LBB2_6:
0x146: {  	v16 =	vadd.s32 $0xFFFFFFFF, v14  }
0x147: {  	vm0 =	vlt.s32 v18, v16  }
0x148: {  	v17 =	vsel vm0, $0x3F800000, v9  }
0x149: {  	(xrf0) =	vmax.scan.msk.f32 $0xffff, v17;
	_ =	sdelay $0x5  }
0x14a: {  	v17, _, _ =	vpop (xrf0)  }
0x14b: {  	(v2sf) =	vpush v17, $0xF;
	_ =	sdelay $0xe  }
0x14c: {  	p0 =	sgt.u32 s17, $0x1F;
	s18 =	spop (v2sf)  }
0x14d: {  	p1 =	sgt.f32 @!p0 s18, $0.0e+00;
	_ =	sdelay $0x1  }
0x14e: {  	p1 =	por p0, !p1  }
.Ltmp8:
0x14f: {  	_ = 	snop;
	(pc) =	sbr.rel @p1 .LBB2_7-.Ltmp8, $1  }
0x150: {  	_ =	sdelay $0x3  }
0x151: {  	s19 =	sshll.u32 s17, $0x8  }
0x152: {  	s18 =	sadd.s32 s19, s3;
	s21 =	sand.u32 $0x3FFFFF00, s19  }
0x153: {  	s19 =	sadd.s32 $0xA080, s21;
	s20 =	sadd.s32 $0x8080, s21;
	s21 =	sadd.s32 $0x6080, s21  }
.LBB2_12:
0x154: {  	v17 =	vld [tilespmem:s21+$0xFFFFFF80]  }
0x155: {  	v19 =	vld [tilespmem:s20+$0xFFFFFF80]  }
0x156: {  	v20 =	vld [tilespmem:s21+$0xFFFFFF90]  }
0x157: {  	v21 =	vld [tilespmem:s20+$0xFFFFFF90]  }
0x158: {  	v22 =	vld [tilespmem:s19+$0xFFFFFF80]  }
0x159: {  	v23 =	vld [tilespmem:s19+$0xFFFFFF90]  }
0x15a: {  	v25 =	vld [tilespmem:s20+$0xFFFFFFA0]  }
0x15b: {  	v26 =	vld [tilespmem:s21+$0xFFFFFFB0]  }
0x15c: {  	v29 =	vld [tilespmem:s20+$0xFFFFFFC0]  }
0x15d: {  	v30 =	vld [tilespmem:s21+$0xFFFFFFD0]  }
0x15e: {  	v32 =	vld [tilespmem:s19+$0xFFFFFFC0];
	v17 =	vsub.f32 v17, v11  }
0x15f: {  	v56 =	vld [tilespmem:s21+$0xFFFFFFE0];
	v19 =	vsub.f32 v19, v12;
	v20 =	vsub.f32 v20, v11  }
0x160: {  	v63 =	vld [tilespmem:s20+$0xFFFFFFF0];
	v21 =	vsub.f32 v21, v12;
	v22 =	vsub.f32 v22, v13  }
0x161: {  	v45 =	vld [tilespmem:s19+$0xFFFFFFA0];
	v23 =	vsub.f32 v23, v13;
	v46 =	vsub.f32 v25, v12  }
0x162: {  	v34 =	vld [tilespmem:s19+$0xFFFFFFE0];
	v48 =	vsub.f32 v26, v11;
	v53 =	vsub.f32 v29, v12  }
0x163: {  	v43 =	vld [tilespmem:s20+$0xFFFFFFB0];
	v60 =	vimm.s32 $0x0;
	v55 =	vsub.f32 v30, v11;
	v57 =	vsub.f32 v32, v13  }
0x164: {  	v50 =	vld [tilespmem:s20+$0xFFFFFFD0];
	v42 =	vsub.f32 v56, v11;
	v17 =	vmul.f32 v17, v17;
	v19 =	vmul.f32 v19, v19  }
0x165: {  	v58 =	vld [tilespmem:s20+$0xFFFFFFE0];
	v30 =	vsub.f32 v63, v12;
	v20 =	vmul.f32 v20, v20;
	v21 =	vmul.f32 v21, v21  }
0x166: {  	v59 =	vld [tilespmem:s21+$0xFFFFFFF0];
	v44 =	vmul.f32 v23, v23;
	v23 =	vsub.f32 v45, v13;
	v25 =	vmul.f32 v48, v48  }
0x167: {  	v62 =	vmul.f32 v57, v57;
	v45 =	vimm.s32 $0x0;
	v48 =	vsub.f32 v34, v13  }
0x168: {  	v24 =	vld [tilespmem:s21+$0xFFFFFFA0];
	v17 =	vadd.f32 v19, v17;
	v19 =	vmul.f32 v22, v22;
	v20 =	vadd.f32 v21, v20  }
0x169: {  	v22 =	vsub.f32 v43, v12;
	v49 =	vmul.f32 v23, v23;
	v23 =	vsub.f32 v50, v12  }
0x16a: {  	v30 =	vmul.f32 v30, v30;
	v43 =	vsub.f32 v58, v12;
	v17 =	vadd.f32 v19, v17  }
0x16b: {  	v21 =	vmul.f32 v46, v46;
	v46 =	vsub.f32 v59, v11;
	v19 =	vld [tilespmem:s19+$0xFFFFFFB0];
	v20 =	vadd.f32 v44, v20  }
0x16c: {  	v52 =	vld [tilespmem:s19+$0xFFFFFFD0];
	v22 =	vmul.f32 v22, v22;
	v23 =	vmul.f32 v23, v23;
	vm1 =	vle.f32 v17, $6.399999860e-01  }
0x16d: {  	v17 =	vsub.f32 v24, v11;
	vm3 =	vle.f32 v20, $6.399999860e-01;
	v24 =	vmul.f32 v53, v53;
	v53 =	vld [tilespmem:s20+$0x10]  }
0x16e: {  	v22 =	vadd.f32 v22, v25;
	v25 =	vmul.f32 v43, v43;
	v47 =	vmpcnt.ones.xlane vm1  }
0x16f: {  	v59 =	vimm.s32 $0x0;
	v31 =	vmpcnt.ones.xlane vm3;
	v17 =	vmul.f32 v17, v17  }
0x170: {  	v28 =	vld [tilespmem:s21+$0xFFFFFFC0];
	v26 =	vsel vm1, $0x1, v10;
	v27 =	vsel vm3, $0x1, v10;
	v19 =	vsub.f32 v19, v13  }
0x171: {  	v20 =	vadd.f32 v21, v17;
	v17 =	vadd.s32 v18, v47;
	v21 =	vsub.f32 v52, v13  }
0x172: {  	v47 =	vld [tilespmem:s21+$0x0];
	v52 =	vmul.f32 v48, v48;
	v51 =	vmul.f32 v19, v19;
	v32 =	vsub.f32 v53, v12  }
0x173: {  	v50 =	vld [tilespmem:s21+$0x10];
	v19 =	vadd.s32 v17, v31;
	v20 =	vadd.f32 v49, v20;
	v40 =	vmul.f32 v21, v21  }
0x174: {  	v49 =	vld [tilespmem:s20+$0x0];
	v22 =	vadd.f32 v51, v22;
	v51 =	vimm.s32 $0x0;
	v32 =	vmul.f32 v32, v32  }
0x175: {  	v41 =	vld [tilespmem:s19+$0xFFFFFFF0];
	vm4 =	vle.f32 v20, $6.399999860e-01;
	v20 =	vsub.f32 v28, v11;
	v28 =	vmul.f32 v55, v55  }
0x176: {  	v55 =	vld [tilespmem:s19+$0x10];
	v54 =	vmpcnt.ones.xlane vm4;
	vm0 =	vle.f32 v22, $6.399999860e-01;
	v35 =	vsel vm4, $0x1, v10  }
0x177: {  	v56 =	vsub.f32 v47, v11;
	v47 =	vld [tilespmem:s19+$0x30];
	v20 =	vmul.f32 v20, v20;
	v22 =	vsel vm0, $0xFFFFFFFF, v60  }
0x178: {  	v33 =	vmpcnt.ones.xlane vm0;
	v23 =	vadd.f32 v23, v28;
	v60 =	vsub.f32 v50, v11  }
0x179: {  	v36 =	vsel vm0, $0x1, v10;
	v57 =	vsub.f32 v49, v12;
	v61 =	vadd.f32 v24, v20  }
0x17a: {  	v20 =	vadd.s32 v19, v54;
	v23 =	vadd.f32 v40, v23;
	v24 =	vsub.f32 v41, v13;
	v40 =	vld [tilespmem:s21+$0x30]  }
0x17b: {  	[tilespmem:$0x1FEC0] =	vst v22;
	v21 =	vadd.s32 v20, v33;
	v28 =	vsub.f32 v55, v13;
	v22 =	vadd.f32 v62, v61;
	v61 =	vld [tilespmem:s21+$0x20]  }
0x17c: {  	vm2 =	vle.f32 v23, $6.399999860e-01;
	v24 =	vmul.f32 v24, v24;
	v62 =	vld [tilespmem:s20+$0x20];
	v31 =	vsub.f32 v47, v13  }
0x17d: {  	v53 =	vld [tilespmem:s20+$0x40];
	v23 =	vsel vm2, $0xFFFFFFFF, v51;
	v37 =	vmpcnt.ones.xlane vm2;
	v39 =	vsel vm2, $0x1, v10  }
0x17e: {  	v54 =	vld [tilespmem:s19+$0x0];
	v28 =	vmul.f32 v28, v28;
	vm14 =	vle.f32 v22, $6.399999860e-01;
	v22 =	vmul.f32 v42, v42  }
0x17f: {  	v31 =	vmul.f32 v31, v31;
	v44 =	vmpcnt.ones.xlane vm14;
	v29 =	vsel vm14, $0xFFFFFFFF, v45  }
0x180: {  	v51 =	vsub.f32 v40, v11;
	[tilespmem:$0x1FED0] =	vst v29;
	v29 =	vmul.f32 v46, v46;
	v22 =	vadd.f32 v25, v22  }
0x181: {  	v38 =	vsel vm14, $0x1, v10;
	v45 =	vld [tilespmem:s20+$0x30];
	v48 =	vsub.f32 v61, v11;
	v49 =	vsub.f32 v62, v12  }
0x182: {  	[tilespmem:$0x1FEE0] =	vst v23;
	v23 =	vadd.s32 v21, v44;
	v62 =	vsub.f32 v53, v12;
	v29 =	vadd.f32 v30, v29  }
0x183: {  	v44 =	vld [tilespmem:s21+$0x50];
	v25 =	vadd.f32 v52, v22;
	v22 =	vadd.s32 v23, v37;
	v30 =	vsub.f32 v54, v13  }
0x184: {  	v52 =	vld [tilespmem:s21+$0x40];
	v37 =	vmul.f32 v51, v51;
	v40 =	vmul.f32 v62, v62;
	v24 =	vadd.f32 v24, v29  }
0x185: {  	vm15 =	vle.f32 v25, $6.399999860e-01;
	v25 =	vmul.f32 v56, v56;
	v29 =	vmul.f32 v57, v57  }
0x186: {  	v46 =	vld [tilespmem:s19+$0x20];
	v63 =	vmul.f32 v30, v30;
	v30 =	vsub.f32 v45, v12;
	v33 =	vsel vm15, $0xFFFFFFFF, v59  }
0x187: {  	v58 =	vmpcnt.ones.xlane vm15;
	v42 =	vsel vm15, $0x1, v10;
	[tilespmem:$0x1FEF0] =	vst v33;
	v33 =	vmul.f32 v60, v60  }
0x188: {  	v53 =	vld [tilespmem:s19+$0x70];
	vm7 =	vle.f32 v24, $6.399999860e-01;
	v25 =	vadd.f32 v29, v25;
	v30 =	vmul.f32 v30, v30  }
0x189: {  	v56 =	vld [tilespmem:s20+$0x50];
	v44 =	vsub.f32 v44, v11;
	v41 =	vmpcnt.ones.xlane vm7;
	v61 =	vsub.f32 v52, v11  }
0x18a: {  	v60 =	vld [tilespmem:s21+$0x60];
	v24 =	vadd.s32 v22, v58;
	v32 =	vadd.f32 v32, v33;
	v29 =	vadd.f32 v63, v25  }
0x18b: {  	v59 =	vld [tilespmem:s19+$0x50];
	v43 =	vsel vm7, $0x1, v10;
	v33 =	vsub.f32 v46, v13;
	v30 =	vadd.f32 v30, v37  }
0x18c: {  	v58 =	vld [tilespmem:s19+$0x40];
	v51 =	vmul.f32 v44, v44;
	v25 =	vadd.s32 v24, v41;
	v28 =	vadd.f32 v28, v32  }
0x18d: {  	v52 =	vld [tilespmem:s19+$0x60];
	vm8 =	vle.f32 v29, $6.399999860e-01;
	v29 =	vmul.f32 v48, v48;
	v32 =	vmul.f32 v49, v49  }
0x18e: {  	v55 =	vmul.f32 v33, v33;
	v30 =	vadd.f32 v31, v30;
	v50 =	vmpcnt.ones.xlane vm8  }
0x18f: {  	v45 =	vsel vm8, $0x1, v10;
	v31 =	vsub.f32 v60, v11;
	v60 =	vsub.f32 v53, v13  }
0x190: {  	v63 =	vld [tilespmem:s20+$0x60];
	vm9 =	vle.f32 v28, $6.399999860e-01;
	v54 =	vadd.f32 v32, v29;
	v32 =	vsub.f32 v56, v12  }
0x191: {  	v48 =	vld [tilespmem:s21+$0x70];
	vm11 =	vle.f32 v30, $6.399999860e-01;
	v37 =	vsub.f32 v58, v13;
	v29 =	vsub.f32 v59, v13  }
0x192: {  	v59 =	vsub.f32 v52, v13;
	v57 =	vmpcnt.ones.xlane vm9;
	v34 =	vadd.s32 v25, v50;
	v50 =	vld [tilespmem:s20+$0x70]  }
0x193: {  	v46 =	vsel vm9, $0x1, v10;
	v31 =	vmul.f32 v31, v31;
	v44 =	vmul.f32 v60, v60  }
0x194: {  	v28 =	vadd.f32 v55, v54;
	v32 =	vmul.f32 v32, v32;
	v55 =	vmul.f32 v37, v37  }
0x195: {  	(xrf0) =	vadd.scan.msk.s32 $0xffff, v26;
	v56 =	vsub.f32 v63, v12;
	v29 =	vmul.f32 v29, v29;
	v62 =	vmul.f32 v59, v59  }
0x196: {  	(xrf0) =	vadd.scan.msk.s32 $0xffff, v27;
	v33 =	vadd.s32 v34, v57;
	vm10 =	vle.f32 v28, $6.399999860e-01;
	v28 =	vmul.f32 v61, v61  }
0x197: {  	(xrf0) =	vadd.scan.msk.s32 $0xffff, v35;
	v57 =	vsub.f32 v48, v11;
	v48 =	vmpcnt.ones.xlane vm11;
	v58 =	vsub.f32 v50, v12  }
0x198: {  	(xrf0) =	vadd.scan.msk.s32 $0xffff, v36;
	v54 =	vadd.f32 v32, v51;
	v32 =	vmul.f32 v56, v56;
	v28 =	vadd.f32 v40, v28  }
0x199: {  	(xrf0) =	vadd.scan.msk.s32 $0xffff, v38;
	v30 =	vsel vm11, $0x1, v10;
	v35 =	vmul.f32 v57, v57;
	v37 =	vmul.f32 v58, v58  }
0x19a: {  	(xrf0) =	vadd.scan.msk.s32 $0xffff, v39;
	v47 =	vmpcnt.ones.xlane vm10;
	v61 =	vadd.f32 v32, v31;
	v27 =	vadd.f32 v55, v28  }
0x19b: {  	v63, _, _ =	vpop (xrf0);
	(xrf0) =	vadd.scan.msk.s32 $0xffff, v42;
	v49 =	vsel vm10, $0x1, v10;
	v26 =	vadd.f32 v29, v54;
	v42 =	vadd.f32 v37, v35  }
0x19c: {  	v36, _, _ =	vpop (xrf0);
	(xrf0) =	vadd.scan.msk.s32 $0xffff, v43;
	v47 =	vadd.s32 v33, v47;
	v50 =	vadd.f32 v62, v61;
	vm12 =	vle.f32 v27, $6.399999860e-01  }
0x19d: {  	vm13 =	vle.f32 v26, $6.399999860e-01;
	v28, _, _ =	vpop (xrf0);
	(xrf0) =	vadd.scan.msk.s32 $0xffff, v45;
	v51 =	vmpcnt.ones.xlane vm12;
	v52 =	vadd.f32 v44, v42  }
0x19e: {  	v54 =	vmpcnt.ones.xlane vm13;
	v35 =	vadd.s32 v47, v48;
	vm14 =	vle.f32 v50, $6.399999860e-01;
	v53, _, _ =	vpop (xrf0);
	(xrf0) =	vadd.scan.msk.s32 $0xffff, v46  }
0x19f: {  	v56 =	vmpcnt.ones.xlane vm14;
	v55, _, _ =	vpop (xrf0);
	(xrf0) =	vadd.scan.msk.s32 $0xffff, v49;
	v31 =	vadd.s32 v35, v51;
	vm15 =	vle.f32 v52, $6.399999860e-01  }
0x1a0: {  	v58 =	vsel vm12, $0x1, v10;
	v57, _, _ =	vpop (xrf0);
	(xrf0) =	vadd.scan.msk.s32 $0xffff, v30;
	v37 =	vadd.s32 v31, v54;
	v59 =	vmpcnt.ones.xlane vm15  }
0x1a1: {  	v32 =	vadd.s32 v18, v63;
	v18 =	vsel vm13, $0x1, v10;
	v60, _, _ =	vpop (xrf0);
	(xrf0) =	vadd.scan.msk.s32 $0xffff, v58;
	v30 =	vadd.s32 v37, v56  }
0x1a2: {  	v62 =	vsel vm14, $0x1, v10;
	v61, _, _ =	vpop (xrf0);
	(xrf0) =	vadd.scan.msk.s32 $0xffff, v18;
	v18 =	vadd.s32 v30, v59  }
0x1a3: {  	v45 =	vsel vm15, $0x1, v10;
	v63, _, _ =	vpop (xrf0);
	(xrf0) =	vadd.scan.msk.s32 $0xffff, v62;
	vm5 =	vlt.s32 v18, v16  }
0x1a4: {  	v48, _, _ =	vpop (xrf0);
	(xrf0) =	vadd.scan.msk.s32 $0xffff, v45;
	v46 =	vsel vm5, $0x3F800000, v9  }
0x1a5: {  	v49, _, _ =	vpop (xrf0);
	(xrf0) =	vmax.scan.msk.f32 $0xffff, v46  }
0x1a6: {  	v50, _, _ =	vpop (xrf0)  }
0x1a7: {  	v51, _, _ =	vpop (xrf0)  }
0x1a8: {  	vm6 =	vlt.s32 v32, v14;
	v52, _, _ =	vpop (xrf0)  }
0x1a9: {  	v17 =	vadd.s32 v17, v36;
	vm2 =	vmand vm1, vm6;
	v20 =	vadd.s32 v20, v53;
	v53, _, _ =	vpop (xrf0)  }
0x1aa: {  	v19 =	vadd.s32 v19, v28;
	v21 =	vadd.s32 v21, v55;
	v23 =	vadd.s32 v23, v57;
	v54 =	vld [tilespmem:$0x1FEC0];
	v55, _, _ =	vpop (xrf0)  }
0x1ab: {  	vm6 =	vlt.s32 v19, v14;
	vm1 =	vlt.s32 v21, v14;
	vm0 =	vlt.s32 v23, v14;
	v56 =	vld [tilespmem:$0x1FED0];
	v58, _, _ =	vpop (xrf0)  }
0x1ac: {  	v57 =	vld [tilespmem:$0x1FEE0];
	v22 =	vadd.s32 v22, v60;
	v24 =	vadd.s32 v24, v61;
	(v2sf) =	vpush v58, $0xF  }
0x1ad: {  	s22 =	sadd.s32 $0x10, s18;
	v61 =	vor.u32 s18, v0;
	v25 =	vadd.s32 v25, v63;
	v63 =	vld [tilespmem:$0x1FEF0];
	vm5 =	vlt.s32 v17, v14  }
0x1ae: {  	v62 =	vor.u32 s22, v0;
	v59 =	vadd.s32 v34, v48;
	vm3 =	vmand vm3, vm5  }
0x1af: {  	vm5 =	vmand vm4, vm6;
	vm4 =	vlt.s32 v20, v14;
	vm6 =	vnez.u8 v54  }
0x1b0: {  	v33 =	vadd.s32 v33, v49;
	vm4 =	vmand vm6, vm4;
	vm6 =	vnez.u8 v56  }
0x1b1: {  	v60 =	vadd.s32 v47, v50;
	v28 =	vadd.s32 v35, v51;
	vm1 =	vmand vm6, vm1  }
0x1b2: {  	[tilespmem:v32+s11+$0x0] =	vst.idx.msk vm2, v61;
	vm6 =	vnez.u8 v57;
	v31 =	vadd.s32 v31, v52;
	vm2 =	vnez.u8 v63  }
0x1b3: {  	vm6 =	vmand vm6, vm0;
	v29 =	vadd.s32 v37, v53;
	vm0 =	vlt.s32 v22, v14  }
0x1b4: {  	s25 =	sadd.s32 $0x20, s18;
	v26 =	vadd.s32 v30, v55;
	vm0 =	vmand vm2, vm0;
	vm2 =	vlt.s32 v24, v14  }
0x1b5: {  	s26 =	sadd.s32 $0x30, s18;
	vm2 =	vmand vm7, vm2;
	vm7 =	vlt.s32 v25, v14;
	[tilespmem:v17+s11+$0x0] =	vst.idx.msk vm3, v62;
	v17 =	vor.u32 s25, v0  }
0x1b6: {  	s28 =	sadd.s32 $0x40, s18;
	vm3 =	vmand vm8, vm7;
	vm8 =	vlt.s32 v59, v14;
	[tilespmem:v19+s11+$0x0] =	vst.idx.msk vm5, v17;
	v17 =	vor.u32 s26, v0  }
0x1b7: {  	s29 =	sadd.s32 $0x50, s18;
	[tilespmem:v20+s11+$0x0] =	vst.idx.msk vm4, v17;
	v17 =	vor.u32 s28, v0;
	vm4 =	vmand vm9, vm8;
	vm9 =	vlt.s32 v33, v14  }
0x1b8: {  	s30 =	sadd.s32 $0x60, s18;
	[tilespmem:v21+s11+$0x0] =	vst.idx.msk vm1, v17;
	v17 =	vor.u32 s29, v0;
	vm1 =	vmand vm10, vm9;
	vm10 =	vlt.s32 v60, v14  }
0x1b9: {  	s31 =	sadd.s32 $0x70, s18;
	[tilespmem:v23+s11+$0x0] =	vst.idx.msk vm6, v17;
	v17 =	vor.u32 s30, v0;
	vm5 =	vmand vm11, vm10;
	vm11 =	vlt.s32 v28, v14  }
0x1ba: {  	s23 =	sadd.s32 $0x80, s18;
	vm10 =	vlt.s32 v31, v14;
	[tilespmem:v22+s11+$0x0] =	vst.idx.msk vm0, v17;
	v17 =	vor.u32 s31, v0;
	vm9 =	vmand vm12, vm11  }
0x1bb: {  	s24 =	sadd.s32 $0x90, s18;
	p0 =	sgt.u32 s17, $0x1E;
	vm11 =	vmand vm13, vm10;
	vm12 =	vlt.s32 v29, v14;
	[tilespmem:v24+s11+$0x0] =	vst.idx.msk vm2, v17;
	v17 =	vor.u32 s23, v0;
	s23 =	spop (v2sf)  }
0x1bc: {  	s25 =	sadd.s32 $0xA0, s18;
	vm13 =	vmand vm14, vm12;
	vm14 =	vlt.s32 v26, v14;
	[tilespmem:v25+s11+$0x0] =	vst.idx.msk vm3, v17;
	v17 =	vor.u32 s24, v0;
	p1 =	sgt.f32 @!p0 s23, $0.0e+00  }
0x1bd: {  	s26 =	sadd.s32 $0xB0, s18;
	vm15 =	vmand vm15, vm14;
	[tilespmem:v59+s11+$0x0] =	vst.idx.msk vm4, v17;
	v17 =	vor.u32 s25, v0  }
0x1be: {  	s28 =	sadd.s32 $0xC0, s18;
	[tilespmem:v33+s11+$0x0] =	vst.idx.msk vm1, v17;
	v17 =	vor.u32 s26, v0;
	p1 =	por p0, !p1  }
.Ltmp9:
0x1bf: {  	s29 =	sadd.s32 $0xD0, s18;
	[tilespmem:v60+s11+$0x0] =	vst.idx.msk vm5, v17;
	v17 =	vor.u32 s28, v0;
	(pc) =	sbr.rel @!p1 .LBB2_12-.Ltmp9, $4  }
0x1c0: {  	v19 =	vor.u32 s29, v0;
	s30 =	sadd.s32 $0xE0, s18;
	[tilespmem:v28+s11+$0x0] =	vst.idx.msk vm9, v17  }
0x1c1: {  	s31 =	sadd.s32 $0xF0, s18;
	[tilespmem:v31+s11+$0x0] =	vst.idx.msk vm11, v19;
	v17 =	vor.u32 s30, v0  }
0x1c2: {  	s17 =	sadd.s32 $0x1, s17;
	s19 =	sadd.s32 $0x100, s19;
	[tilespmem:v29+s11+$0x0] =	vst.idx.msk vm13, v17;
	v17 =	vor.u32 s31, v0  }
0x1c3: {  	s21 =	sadd.s32 $0x100, s21;
	s20 =	sadd.s32 $0x100, s20;
	s18 =	sadd.s32 $0x100, s18;
	[tilespmem:v26+s11+$0x0] =	vst.idx.msk vm15, v17  }
.Ltmp10:
0x1c4: {  	(pc) =	sbr.rel .LBB2_14-.Ltmp10, $2  }
0x1c5: {  	_ =	sdelay $0x2  }
0x1c6: {  	v11 =	vpsel p0, v18, v18  }
.LBB2_16:
0x1c7: {  	_ =	sfence.sel $0x180000  }
0x1c8: {  	[bflag:$0x0] =	sbarrier.arrive $0xFFFF  }
0x1c9: {  	p0 =	sne.s32 s2, $0x0;
	_ =	strace $0x90000047  }
0x1ca: {  	s0 =	sadd.s32 @!p0 $0x100000, s0;
	[bflag:$0x2] =	sbarrier.arrive $0xFFFF  }
0x1cb: {  	[sflag:s0] =	ssyncadd.tile.s32 @!p0 $0x1;
	_ =	shalt  }
.Lfunc_end2:
_tile_overlayer_lowered:
.L_overlay_start_2:
0x1cc: {  	(tag) =	ssettag $0x2  }
0x1cd: {  	s0 =	rddreg [dreg:$0x0];
	s2 =	stileid.u32  }
0x1ce: {  	s1 =	rddreg [dreg:$0x1];
	p0 =	sne.s32 s2, $0x0  }
0x1cf: {  	s3 =	rddreg [dreg:$0x2];
	[bflag:$0x3] =	sbarrier.arrive $0xFFFF;
	s2 =	simm.s32 @!p0 $0x1C01  }
0x1d0: {  	[timem:s3], [sflag:s2] =	dma.local @!p0 [hbm:s0], s1  }
0x1d1: {  	s0 =	simm.s32 @!p0 $0x1  }
0x1d2: {  	_ =	swait.ge @!p0 [sflag:s0], s1  }
0x1d3: {  	s1 =	ssub.s32 @!p0 $0x0, s1;
	[sflag:s0] =	ssyncset.done @!p0 $0x0  }
0x1d4: {  	[sflag:s0] =	ssyncadd.s32 @!p0 s1  }
0x1d5: {  	[bflag:$0x3] =	sbarrier.arrive $0xFFFF  }
0x1d6: {  	_ =	shalt  }

</sc_bundles>
